<compile_context>
chip_gen: v7x
topology: tpu7x:2x2x1
jax: 0.10.2.dev20260603
libtpu: 0.0.44.dev20260713+nightly
codegen_flags: <defaults>
</compile_context>

<pallas_src>
import functools

import jax
import jax.numpy as jnp
from jax import lax
from jax.experimental import pallas as pl
from jax.experimental.pallas import tpu as pltpu
from jax.experimental.pallas import tpu_sc as plsc

LANES = 16
IDX_CHUNK = 128


def kernel(indices, tables):
    T, B, G = indices.shape
    V, D = tables.shape[1], tables.shape[2]
    info = plsc.get_sparse_core_info()
    NC, NS = info.num_cores, info.num_subcores
    NW = NC * NS
    bpw = B // NW
    rpw = bpw * G
    nch = rpw // IDX_CHUNK
    dh = D // LANES

    flat_tables = tables.reshape(T * V, D)
    idx_w = (
        indices.reshape(T, NW, rpw)
        .transpose(1, 0, 2)
        .reshape(NW, T * nch, IDX_CHUNK)
    )

    mesh = plsc.VectorSubcoreMesh(core_axis_name="c", subcore_axis_name="s")

    @functools.partial(
        pl.kernel,
        mesh=mesh,
        compiler_params=pltpu.CompilerParams(use_tc_tiling_on_sc=False),
        out_type=jax.ShapeDtypeStruct((B, T * D), jnp.float32),
        scratch_types=[
            pltpu.VMEM((T * nch, IDX_CHUNK), jnp.int32),
            pltpu.VMEM((2 * rpw, D), jnp.float32),
            pltpu.VMEM((bpw, T * D), jnp.float32),
            pltpu.SemaphoreType.DMA,
            pltpu.SemaphoreType.DMA,
        ],
    )
    def ebag(idx_hbm, tab_hbm, out_hbm, idx_v, rows_v, out_v, sem0, sem1):
        wid = lax.axis_index("s") * NC + lax.axis_index("c")
        sems = (sem0, sem1)
        pltpu.sync_copy(idx_hbm.at[wid], idx_v)

        def add_off(t):
            off = t * V
            for g in range(nch):
                row = t * nch + g
                for c in range(IDX_CHUNK // LANES):
                    sl = pl.ds(c * LANES, LANES)
                    idx_v[row, sl] = idx_v[row, sl] + off

        def copies(t, buf):
            return [
                pltpu.make_async_copy(
                    tab_hbm.at[idx_v.at[t * nch + g]],
                    rows_v.at[pl.ds(buf * rpw + g * IDX_CHUNK, IDX_CHUNK)],
                    sems[buf],
                )
                for g in range(nch)
            ]

        def issue(t, buf):
            add_off(t)
            for cp in copies(t, buf):
                cp.start()

        def drain(t, buf):
            for cp in copies(t, buf):
                cp.wait()

        def pool(t, buf):
            def sample_body(s, c2):
                base = buf * rpw + s * G
                for h in range(dh):
                    sl = pl.ds(h * LANES, LANES)
                    acc = rows_v[base, sl]
                    for j in range(1, G):
                        acc = acc + rows_v[base + j, sl]
                    out_v[s, pl.ds(t * D + h * LANES, LANES)] = acc
                return c2

            lax.fori_loop(0, bpw, sample_body, 0)

        issue(0, 0)

        def pair_body(i, carry):
            t0 = 2 * i
            t1 = t0 + 1
            issue(t1, 1)
            drain(t0, 0)
            pool(t0, 0)

            @pl.when(t0 + 2 < T)
            def _():
                issue(t0 + 2, 0)

            drain(t1, 1)
            pool(t1, 1)
            return carry

        lax.fori_loop(0, T // 2, pair_body, 0)
        pltpu.sync_copy(out_v, out_hbm.at[pl.ds(wid * bpw, bpw)])

    return ebag(idx_w, flat_tables)

# --- scband reference (transcript-rebuilt; emitter-appended) ---
"""Pipeline reference for scband-large-embedding-lookup-72292889526909 (READ-ONLY COPY).

The authoritative reference and input builder live on the scoring server;
editing this copy changes nothing except your own understanding.
"""

import jax, jax.numpy as jnp
import numpy as np

NUM_TABLES = 26
VOCAB = 100000
DIM = 32
BATCH = 1024
BAG = 20


def setup_inputs(seed: int = 0) -> dict:
    key = jax.random.key(seed)
    k_idx, k_tab = jax.random.split(key)
    # KeyedJaggedTensor modeled as fixed-bag-size indices per feature:
    # indices[t, b, :] are the BAG ids for feature f_t in sample b.
    indices = jax.random.randint(k_idx, (NUM_TABLES, BATCH, BAG), 0, VOCAB, dtype=jnp.int32)
    # EmbeddingBagCollection parameters: one [VOCAB, DIM] table per feature, stacked.
    tables = jax.random.normal(k_tab, (NUM_TABLES, VOCAB, DIM), dtype=jnp.float32) * 0.01
    return {"indices": indices, "tables": tables}


def reference(indices, tables):
    # Per-table embedding-bag lookup with SUM pooling (torchrec EmbeddingBagCollection).
    # gather: tables[t][indices[t]] -> [NUM_TABLES, BATCH, BAG, DIM]
    gathered = jax.vmap(lambda t, idx: jnp.take(t, idx, axis=0))(tables, indices)
    pooled = jnp.sum(gathered, axis=2)  # [NUM_TABLES, BATCH, DIM]
    # KeyedTensor: per-sample concatenation of all feature embeddings -> [BATCH, NUM_TABLES*DIM]
    out = jnp.transpose(pooled, (1, 0, 2)).reshape(BATCH, NUM_TABLES * DIM)
    return out

if __name__ == "__main__":
    import jax
    _d = setup_inputs()
    print(jax.jit(kernel)(*tuple(_d.values())))

</pallas_src>

<mosaic_0001>
#map = affine_map<(d0, d1) -> (0, 0, 0)>
#map1 = affine_map<(d0, d1) -> (0, 0)>
module attributes {stable_mosaic.version = 14 : i64} {
  func.func @ebag(%arg0: i32, %arg1: i32, %arg2: memref<32x130x128xi32, #tpu.memory_space<hbm>>, %arg3: memref<2600000x32xf32, #tpu.memory_space<hbm>>, %arg4: memref<1024x832xf32, #tpu.memory_space<hbm>>, %arg5: memref<130x128xi32, #tpu.memory_space<vmem>>, %arg6: memref<1280x32xf32, #tpu.memory_space<vmem>>, %arg7: memref<32x832xf32, #tpu.memory_space<vmem>>, %arg8: memref<!tpu.dma_semaphore, #tpu.memory_space<semaphore_mem>>, %arg9: memref<!tpu.dma_semaphore, #tpu.memory_space<semaphore_mem>>) attributes {dimension_semantics = [#tpu.dimension_semantics<core_parallel>, #tpu.dimension_semantics<subcore_parallel>], iteration_bounds = array<i64: 2, 16>, scalar_prefetch = 0 : i64, scratch_operands = 5 : i64, tpu.core_type = #tpu.core_type<sc_vector_subcore>, window_params = [{transform_indices = #map}, {transform_indices = #map1}, {transform_indices = #map1}]} {
    %mul3A = arith.constant 2 : i32
    %mul3A_0 = arith.muli %arg1, %mul3A : i32
    %add3A = arith.addi %mul3A_0, %arg0 : i32
    "tpu.region"() ({
      %run_scoped3A = tpu.sem_alloc : memref<!tpu.dma_semaphore, #tpu.memory_space<semaphore_mem>>
      %dma_start3A_615 = arith.constant 0 : i32
      %dma_start3A_616 = arith.constant 0 : i32
      %dma_start3A_617 = tpu.memref_slice %arg2[%add3A, %dma_start3A_615, %dma_start3A_616] : memref<32x130x128xi32, #tpu.memory_space<hbm>> -> memref<1x130x128xi32, #tpu.memory_space<hbm>>
      %dma_start3A_618 = tpu.memref_squeeze %dma_start3A_617 : memref<1x130x128xi32, #tpu.memory_space<hbm>> -> memref<130x128xi32, #tpu.memory_space<hbm>>
      %dma_start3A_619 = arith.constant 0 : i32
      %dma_start3A_620 = arith.constant 0 : i32
      %dma_start3A_621 = tpu.memref_slice %arg2[%add3A, %dma_start3A_619, %dma_start3A_620] : memref<32x130x128xi32, #tpu.memory_space<hbm>> -> memref<1x130x128xi32, #tpu.memory_space<hbm>>
      %dma_start3A_622 = tpu.memref_squeeze %dma_start3A_621 : memref<1x130x128xi32, #tpu.memory_space<hbm>> -> memref<130x128xi32, #tpu.memory_space<hbm>>
      tpu.enqueue_dma source(%dma_start3A_622 : memref<130x128xi32, #tpu.memory_space<hbm>>) target(%arg5 : memref<130x128xi32, #tpu.memory_space<vmem>>) target_semaphore(%run_scoped3A : memref<!tpu.dma_semaphore, #tpu.memory_space<semaphore_mem>>)
      %dma_wait3A = arith.constant 0 : i32
      %dma_wait3A_623 = arith.constant 0 : i32
      %dma_wait3A_624 = tpu.memref_slice %arg2[%add3A, %dma_wait3A, %dma_wait3A_623] : memref<32x130x128xi32, #tpu.memory_space<hbm>> -> memref<1x130x128xi32, #tpu.memory_space<hbm>>
      %dma_wait3A_625 = tpu.memref_squeeze %dma_wait3A_624 : memref<1x130x128xi32, #tpu.memory_space<hbm>> -> memref<130x128xi32, #tpu.memory_space<hbm>>
      %dma_wait3A_626 = arith.constant 0 : i32
      %dma_wait3A_627 = arith.constant 0 : i32
      %dma_wait3A_628 = tpu.memref_slice %arg2[%add3A, %dma_wait3A_626, %dma_wait3A_627] : memref<32x130x128xi32, #tpu.memory_space<hbm>> -> memref<1x130x128xi32, #tpu.memory_space<hbm>>
      %dma_wait3A_629 = tpu.memref_squeeze %dma_wait3A_628 : memref<1x130x128xi32, #tpu.memory_space<hbm>> -> memref<130x128xi32, #tpu.memory_space<hbm>>
      tpu.wait_dma2 semaphore(%run_scoped3A : memref<!tpu.dma_semaphore, #tpu.memory_space<semaphore_mem>>) src(%dma_wait3A_629 : memref<130x128xi32, #tpu.memory_space<hbm>>) dst(%arg5 : memref<130x128xi32, #tpu.memory_space<vmem>>)
      tpu.yield
    }) : () -> ()
    %get3A = arith.constant 0 : i32
    %get3A_1 = arith.index_cast %get3A : i32 to index
    %get3A_2 = arith.constant 0 : index
    %get3A_3 = tpu.vector_load %arg5[%get3A_1, %get3A_2] {strides = array<i32>} : memref<130x128xi32, #tpu.memory_space<vmem>>, vector<1x16xi32>,
    %get3A_4 = vector.shape_cast %get3A_3 : vector<1x16xi32> to vector<16xi32>
    %add3A_5 = arith.constant 0 : i32
    %add3A_6 = vector.broadcast %add3A_5 : i32 to vector<16xi32>
    %add3A_7 = arith.addi %get3A_4, %add3A_6 : vector<16xi32>
    %swap3A = arith.constant 0 : i32
    %swap3A_8 = arith.index_cast %swap3A : i32 to index
    %swap3A_9 = arith.constant 0 : index
    %swap3A_10 = tpu.vector_load %arg5[%swap3A_8, %swap3A_9] {strides = array<i32>} : memref<130x128xi32, #tpu.memory_space<vmem>>, vector<1x16xi32>,
    %swap3A_11 = vector.shape_cast %swap3A_10 : vector<1x16xi32> to vector<16xi32>
    %swap3A_12 = vector.shape_cast %add3A_7 : vector<16xi32> to vector<1x16xi32>
    tpu.vector_store %arg5[%swap3A_8, %swap3A_9], %swap3A_12 {strides = array<i32>} : memref<130x128xi32, #tpu.memory_space<vmem>>, vector<1x16xi32>,
    %get3A_13 = arith.constant 0 : i32
    %get3A_14 = arith.index_cast %get3A_13 : i32 to index
    %get3A_15 = arith.constant 16 : index
    %get3A_16 = tpu.vector_load %arg5[%get3A_14, %get3A_15] {strides = array<i32>} : memref<130x128xi32, #tpu.memory_space<vmem>>, vector<1x16xi32>,
    %get3A_17 = vector.shape_cast %get3A_16 : vector<1x16xi32> to vector<16xi32>
    %add3A_18 = arith.constant 0 : i32
    %add3A_19 = vector.broadcast %add3A_18 : i32 to vector<16xi32>
    %add3A_20 = arith.addi %get3A_17, %add3A_19 : vector<16xi32>
    %swap3A_21 = arith.constant 0 : i32
    %swap3A_22 = arith.index_cast %swap3A_21 : i32 to index
    %swap3A_23 = arith.constant 16 : index
    %swap3A_24 = tpu.vector_load %arg5[%swap3A_22, %swap3A_23] {strides = array<i32>} : memref<130x128xi32, #tpu.memory_space<vmem>>, vector<1x16xi32>,
    %swap3A_25 = vector.shape_cast %swap3A_24 : vector<1x16xi32> to vector<16xi32>
    %swap3A_26 = vector.shape_cast %add3A_20 : vector<16xi32> to vector<1x16xi32>
    tpu.vector_store %arg5[%swap3A_22, %swap3A_23], %swap3A_26 {strides = array<i32>} : memref<130x128xi32, #tpu.memory_space<vmem>>, vector<1x16xi32>,
    %get3A_27 = arith.constant 0 : i32
    %get3A_28 = arith.index_cast %get3A_27 : i32 to index
    %get3A_29 = arith.constant 32 : index
    %get3A_30 = tpu.vector_load %arg5[%get3A_28, %get3A_29] {strides = array<i32>} : memref<130x128xi32, #tpu.memory_space<vmem>>, vector<1x16xi32>,
    %get3A_31 = vector.shape_cast %get3A_30 : vector<1x16xi32> to vector<16xi32>
    %add3A_32 = arith.constant 0 : i32
    %add3A_33 = vector.broadcast %add3A_32 : i32 to vector<16xi32>
    %add3A_34 = arith.addi %get3A_31, %add3A_33 : vector<16xi32>
    %swap3A_35 = arith.constant 0 : i32
    %swap3A_36 = arith.index_cast %swap3A_35 : i32 to index
    %swap3A_37 = arith.constant 32 : index
    %swap3A_38 = tpu.vector_load %arg5[%swap3A_36, %swap3A_37] {strides = array<i32>} : memref<130x128xi32, #tpu.memory_space<vmem>>, vector<1x16xi32>,
    %swap3A_39 = vector.shape_cast %swap3A_38 : vector<1x16xi32> to vector<16xi32>
    %swap3A_40 = vector.shape_cast %add3A_34 : vector<16xi32> to vector<1x16xi32>
    tpu.vector_store %arg5[%swap3A_36, %swap3A_37], %swap3A_40 {strides = array<i32>} : memref<130x128xi32, #tpu.memory_space<vmem>>, vector<1x16xi32>,
    %get3A_41 = arith.constant 0 : i32
    %get3A_42 = arith.index_cast %get3A_41 : i32 to index
    %get3A_43 = arith.constant 48 : index
    %get3A_44 = tpu.vector_load %arg5[%get3A_42, %get3A_43] {strides = array<i32>} : memref<130x128xi32, #tpu.memory_space<vmem>>, vector<1x16xi32>,
    %get3A_45 = vector.shape_cast %get3A_44 : vector<1x16xi32> to vector<16xi32>
    %add3A_46 = arith.constant 0 : i32
    %add3A_47 = vector.broadcast %add3A_46 : i32 to vector<16xi32>
    %add3A_48 = arith.addi %get3A_45, %add3A_47 : vector<16xi32>
    %swap3A_49 = arith.constant 0 : i32
    %swap3A_50 = arith.index_cast %swap3A_49 : i32 to index
    %swap3A_51 = arith.constant 48 : index
    %swap3A_52 = tpu.vector_load %arg5[%swap3A_50, %swap3A_51] {strides = array<i32>} : memref<130x128xi32, #tpu.memory_space<vmem>>, vector<1x16xi32>,
    %swap3A_53 = vector.shape_cast %swap3A_52 : vector<1x16xi32> to vector<16xi32>
    %swap3A_54 = vector.shape_cast %add3A_48 : vector<16xi32> to vector<1x16xi32>
    tpu.vector_store %arg5[%swap3A_50, %swap3A_51], %swap3A_54 {strides = array<i32>} : memref<130x128xi32, #tpu.memory_space<vmem>>, vector<1x16xi32>,
    %get3A_55 = arith.constant 0 : i32
    %get3A_56 = arith.index_cast %get3A_55 : i32 to index
    %get3A_57 = arith.constant 64 : index
    %get3A_58 = tpu.vector_load %arg5[%get3A_56, %get3A_57] {strides = array<i32>} : memref<130x128xi32, #tpu.memory_space<vmem>>, vector<1x16xi32>,
    %get3A_59 = vector.shape_cast %get3A_58 : vector<1x16xi32> to vector<16xi32>
    %add3A_60 = arith.constant 0 : i32
    %add3A_61 = vector.broadcast %add3A_60 : i32 to vector<16xi32>
    %add3A_62 = arith.addi %get3A_59, %add3A_61 : vector<16xi32>
    %swap3A_63 = arith.constant 0 : i32
    %swap3A_64 = arith.index_cast %swap3A_63 : i32 to index
    %swap3A_65 = arith.constant 64 : index
    %swap3A_66 = tpu.vector_load %arg5[%swap3A_64, %swap3A_65] {strides = array<i32>} : memref<130x128xi32, #tpu.memory_space<vmem>>, vector<1x16xi32>,
    %swap3A_67 = vector.shape_cast %swap3A_66 : vector<1x16xi32> to vector<16xi32>
    %swap3A_68 = vector.shape_cast %add3A_62 : vector<16xi32> to vector<1x16xi32>
    tpu.vector_store %arg5[%swap3A_64, %swap3A_65], %swap3A_68 {strides = array<i32>} : memref<130x128xi32, #tpu.memory_space<vmem>>, vector<1x16xi32>,
    %get3A_69 = arith.constant 0 : i32
    %get3A_70 = arith.index_cast %get3A_69 : i32 to index
    %get3A_71 = arith.constant 80 : index
    %get3A_72 = tpu.vector_load %arg5[%get3A_70, %get3A_71] {strides = array<i32>} : memref<130x128xi32, #tpu.memory_space<vmem>>, vector<1x16xi32>,
    %get3A_73 = vector.shape_cast %get3A_72 : vector<1x16xi32> to vector<16xi32>
    %add3A_74 = arith.constant 0 : i32
    %add3A_75 = vector.broadcast %add3A_74 : i32 to vector<16xi32>
    %add3A_76 = arith.addi %get3A_73, %add3A_75 : vector<16xi32>
    %swap3A_77 = arith.constant 0 : i32
    %swap3A_78 = arith.index_cast %swap3A_77 : i32 to index
    %swap3A_79 = arith.constant 80 : index
    %swap3A_80 = tpu.vector_load %arg5[%swap3A_78, %swap3A_79] {strides = array<i32>} : memref<130x128xi32, #tpu.memory_space<vmem>>, vector<1x16xi32>,
    %swap3A_81 = vector.shape_cast %swap3A_80 : vector<1x16xi32> to vector<16xi32>
    %swap3A_82 = vector.shape_cast %add3A_76 : vector<16xi32> to vector<1x16xi32>
    tpu.vector_store %arg5[%swap3A_78, %swap3A_79], %swap3A_82 {strides = array<i32>} : memref<130x128xi32, #tpu.memory_space<vmem>>, vector<1x16xi32>,
    %get3A_83 = arith.constant 0 : i32
    %get3A_84 = arith.index_cast %get3A_83 : i32 to index
    %get3A_85 = arith.constant 96 : index
    %get3A_86 = tpu.vector_load %arg5[%get3A_84, %get3A_85] {strides = array<i32>} : memref<130x128xi32, #tpu.memory_space<vmem>>, vector<1x16xi32>,
    %get3A_87 = vector.shape_cast %get3A_86 : vector<1x16xi32> to vector<16xi32>
    %add3A_88 = arith.constant 0 : i32
    %add3A_89 = vector.broadcast %add3A_88 : i32 to vector<16xi32>
    %add3A_90 = arith.addi %get3A_87, %add3A_89 : vector<16xi32>
    %swap3A_91 = arith.constant 0 : i32
    %swap3A_92 = arith.index_cast %swap3A_91 : i32 to index
    %swap3A_93 = arith.constant 96 : index
    %swap3A_94 = tpu.vector_load %arg5[%swap3A_92, %swap3A_93] {strides = array<i32>} : memref<130x128xi32, #tpu.memory_space<vmem>>, vector<1x16xi32>,
    %swap3A_95 = vector.shape_cast %swap3A_94 : vector<1x16xi32> to vector<16xi32>
    %swap3A_96 = vector.shape_cast %add3A_90 : vector<16xi32> to vector<1x16xi32>
    tpu.vector_store %arg5[%swap3A_92, %swap3A_93], %swap3A_96 {strides = array<i32>} : memref<130x128xi32, #tpu.memory_space<vmem>>, vector<1x16xi32>,
    %get3A_97 = arith.constant 0 : i32
    %get3A_98 = arith.index_cast %get3A_97 : i32 to index
    %get3A_99 = arith.constant 112 : index
    %get3A_100 = tpu.vector_load %arg5[%get3A_98, %get3A_99] {strides = array<i32>} : memref<130x128xi32, #tpu.memory_space<vmem>>, vector<1x16xi32>,
    %get3A_101 = vector.shape_cast %get3A_100 : vector<1x16xi32> to vector<16xi32>
    %add3A_102 = arith.constant 0 : i32
    %add3A_103 = vector.broadcast %add3A_102 : i32 to vector<16xi32>
    %add3A_104 = arith.addi %get3A_101, %add3A_103 : vector<16xi32>
    %swap3A_105 = arith.constant 0 : i32
    %swap3A_106 = arith.index_cast %swap3A_105 : i32 to index
    %swap3A_107 = arith.constant 112 : index
    %swap3A_108 = tpu.vector_load %arg5[%swap3A_106, %swap3A_107] {strides = array<i32>} : memref<130x128xi32, #tpu.memory_space<vmem>>, vector<1x16xi32>,
    %swap3A_109 = vector.shape_cast %swap3A_108 : vector<1x16xi32> to vector<16xi32>
    %swap3A_110 = vector.shape_cast %add3A_104 : vector<16xi32> to vector<1x16xi32>
    tpu.vector_store %arg5[%swap3A_106, %swap3A_107], %swap3A_110 {strides = array<i32>} : memref<130x128xi32, #tpu.memory_space<vmem>>, vector<1x16xi32>,
    %get3A_111 = arith.constant 1 : i32
    %get3A_112 = arith.index_cast %get3A_111 : i32 to index
    %get3A_113 = arith.constant 0 : index
    %get3A_114 = tpu.vector_load %arg5[%get3A_112, %get3A_113] {strides = array<i32>} : memref<130x128xi32, #tpu.memory_space<vmem>>, vector<1x16xi32>,
    %get3A_115 = vector.shape_cast %get3A_114 : vector<1x16xi32> to vector<16xi32>
    %add3A_116 = arith.constant 0 : i32
    %add3A_117 = vector.broadcast %add3A_116 : i32 to vector<16xi32>
    %add3A_118 = arith.addi %get3A_115, %add3A_117 : vector<16xi32>
    %swap3A_119 = arith.constant 1 : i32
    %swap3A_120 = arith.index_cast %swap3A_119 : i32 to index
    %swap3A_121 = arith.constant 0 : index
    %swap3A_122 = tpu.vector_load %arg5[%swap3A_120, %swap3A_121] {strides = array<i32>} : memref<130x128xi32, #tpu.memory_space<vmem>>, vector<1x16xi32>,
    %swap3A_123 = vector.shape_cast %swap3A_122 : vector<1x16xi32> to vector<16xi32>
    %swap3A_124 = vector.shape_cast %add3A_118 : vector<16xi32> to vector<1x16xi32>
    tpu.vector_store %arg5[%swap3A_120, %swap3A_121], %swap3A_124 {strides = array<i32>} : memref<130x128xi32, #tpu.memory_space<vmem>>, vector<1x16xi32>,
    %get3A_125 = arith.constant 1 : i32
    %get3A_126 = arith.index_cast %get3A_125 : i32 to index
    %get3A_127 = arith.constant 16 : index
    %get3A_128 = tpu.vector_load %arg5[%get3A_126, %get3A_127] {strides = array<i32>} : memref<130x128xi32, #tpu.memory_space<vmem>>, vector<1x16xi32>,
    %get3A_129 = vector.shape_cast %get3A_128 : vector<1x16xi32> to vector<16xi32>
    %add3A_130 = arith.constant 0 : i32
    %add3A_131 = vector.broadcast %add3A_130 : i32 to vector<16xi32>
    %add3A_132 = arith.addi %get3A_129, %add3A_131 : vector<16xi32>
    %swap3A_133 = arith.constant 1 : i32
    %swap3A_134 = arith.index_cast %swap3A_133 : i32 to index
    %swap3A_135 = arith.constant 16 : index
    %swap3A_136 = tpu.vector_load %arg5[%swap3A_134, %swap3A_135] {strides = array<i32>} : memref<130x128xi32, #tpu.memory_space<vmem>>, vector<1x16xi32>,
    %swap3A_137 = vector.shape_cast %swap3A_136 : vector<1x16xi32> to vector<16xi32>
    %swap3A_138 = vector.shape_cast %add3A_132 : vector<16xi32> to vector<1x16xi32>
    tpu.vector_store %arg5[%swap3A_134, %swap3A_135], %swap3A_138 {strides = array<i32>} : memref<130x128xi32, #tpu.memory_space<vmem>>, vector<1x16xi32>,
    %get3A_139 = arith.constant 1 : i32
    %get3A_140 = arith.index_cast %get3A_139 : i32 to index
    %get3A_141 = arith.constant 32 : index
    %get3A_142 = tpu.vector_load %arg5[%get3A_140, %get3A_141] {strides = array<i32>} : memref<130x128xi32, #tpu.memory_space<vmem>>, vector<1x16xi32>,
    %get3A_143 = vector.shape_cast %get3A_142 : vector<1x16xi32> to vector<16xi32>
    %add3A_144 = arith.constant 0 : i32
    %add3A_145 = vector.broadcast %add3A_144 : i32 to vector<16xi32>
    %add3A_146 = arith.addi %get3A_143, %add3A_145 : vector<16xi32>
    %swap3A_147 = arith.constant 1 : i32
    %swap3A_148 = arith.index_cast %swap3A_147 : i32 to index
    %swap3A_149 = arith.constant 32 : index
    %swap3A_150 = tpu.vector_load %arg5[%swap3A_148, %swap3A_149] {strides = array<i32>} : memref<130x128xi32, #tpu.memory_space<vmem>>, vector<1x16xi32>,
    %swap3A_151 = vector.shape_cast %swap3A_150 : vector<1x16xi32> to vector<16xi32>
    %swap3A_152 = vector.shape_cast %add3A_146 : vector<16xi32> to vector<1x16xi32>
    tpu.vector_store %arg5[%swap3A_148, %swap3A_149], %swap3A_152 {strides = array<i32>} : memref<130x128xi32, #tpu.memory_space<vmem>>, vector<1x16xi32>,
    %get3A_153 = arith.constant 1 : i32
    %get3A_154 = arith.index_cast %get3A_153 : i32 to index
    %get3A_155 = arith.constant 48 : index
    %get3A_156 = tpu.vector_load %arg5[%get3A_154, %get3A_155] {strides = array<i32>} : memref<130x128xi32, #tpu.memory_space<vmem>>, vector<1x16xi32>,
    %get3A_157 = vector.shape_cast %get3A_156 : vector<1x16xi32> to vector<16xi32>
    %add3A_158 = arith.constant 0 : i32
    %add3A_159 = vector.broadcast %add3A_158 : i32 to vector<16xi32>
    %add3A_160 = arith.addi %get3A_157, %add3A_159 : vector<16xi32>
    %swap3A_161 = arith.constant 1 : i32
    %swap3A_162 = arith.index_cast %swap3A_161 : i32 to index
    %swap3A_163 = arith.constant 48 : index
    %swap3A_164 = tpu.vector_load %arg5[%swap3A_162, %swap3A_163] {strides = array<i32>} : memref<130x128xi32, #tpu.memory_space<vmem>>, vector<1x16xi32>,
    %swap3A_165 = vector.shape_cast %swap3A_164 : vector<1x16xi32> to vector<16xi32>
    %swap3A_166 = vector.shape_cast %add3A_160 : vector<16xi32> to vector<1x16xi32>
    tpu.vector_store %arg5[%swap3A_162, %swap3A_163], %swap3A_166 {strides = array<i32>} : memref<130x128xi32, #tpu.memory_space<vmem>>, vector<1x16xi32>,
    %get3A_167 = arith.constant 1 : i32
    %get3A_168 = arith.index_cast %get3A_167 : i32 to index
    %get3A_169 = arith.constant 64 : index
    %get3A_170 = tpu.vector_load %arg5[%get3A_168, %get3A_169] {strides = array<i32>} : memref<130x128xi32, #tpu.memory_space<vmem>>, vector<1x16xi32>,
    %get3A_171 = vector.shape_cast %get3A_170 : vector<1x16xi32> to vector<16xi32>
    %add3A_172 = arith.constant 0 : i32
    %add3A_173 = vector.broadcast %add3A_172 : i32 to vector<16xi32>
    %add3A_174 = arith.addi %get3A_171, %add3A_173 : vector<16xi32>
    %swap3A_175 = arith.constant 1 : i32
    %swap3A_176 = arith.index_cast %swap3A_175 : i32 to index
    %swap3A_177 = arith.constant 64 : index
    %swap3A_178 = tpu.vector_load %arg5[%swap3A_176, %swap3A_177] {strides = array<i32>} : memref<130x128xi32, #tpu.memory_space<vmem>>, vector<1x16xi32>,
    %swap3A_179 = vector.shape_cast %swap3A_178 : vector<1x16xi32> to vector<16xi32>
    %swap3A_180 = vector.shape_cast %add3A_174 : vector<16xi32> to vector<1x16xi32>
    tpu.vector_store %arg5[%swap3A_176, %swap3A_177], %swap3A_180 {strides = array<i32>} : memref<130x128xi32, #tpu.memory_space<vmem>>, vector<1x16xi32>,
    %get3A_181 = arith.constant 1 : i32
    %get3A_182 = arith.index_cast %get3A_181 : i32 to index
    %get3A_183 = arith.constant 80 : index
    %get3A_184 = tpu.vector_load %arg5[%get3A_182, %get3A_183] {strides = array<i32>} : memref<130x128xi32, #tpu.memory_space<vmem>>, vector<1x16xi32>,
    %get3A_185 = vector.shape_cast %get3A_184 : vector<1x16xi32> to vector<16xi32>
    %add3A_186 = arith.constant 0 : i32
    %add3A_187 = vector.broadcast %add3A_186 : i32 to vector<16xi32>
    %add3A_188 = arith.addi %get3A_185, %add3A_187 : vector<16xi32>
    %swap3A_189 = arith.constant 1 : i32
    %swap3A_190 = arith.index_cast %swap3A_189 : i32 to index
    %swap3A_191 = arith.constant 80 : index
    %swap3A_192 = tpu.vector_load %arg5[%swap3A_190, %swap3A_191] {strides = array<i32>} : memref<130x128xi32, #tpu.memory_space<vmem>>, vector<1x16xi32>,
    %swap3A_193 = vector.shape_cast %swap3A_192 : vector<1x16xi32> to vector<16xi32>
    %swap3A_194 = vector.shape_cast %add3A_188 : vector<16xi32> to vector<1x16xi32>
    tpu.vector_store %arg5[%swap3A_190, %swap3A_191], %swap3A_194 {strides = array<i32>} : memref<130x128xi32, #tpu.memory_space<vmem>>, vector<1x16xi32>,
    %get3A_195 = arith.constant 1 : i32
    %get3A_196 = arith.index_cast %get3A_195 : i32 to index
    %get3A_197 = arith.constant 96 : index
    %get3A_198 = tpu.vector_load %arg5[%get3A_196, %get3A_197] {strides = array<i32>} : memref<130x128xi32, #tpu.memory_space<vmem>>, vector<1x16xi32>,
    %get3A_199 = vector.shape_cast %get3A_198 : vector<1x16xi32> to vector<16xi32>
    %add3A_200 = arith.constant 0 : i32
    %add3A_201 = vector.broadcast %add3A_200 : i32 to vector<16xi32>
    %add3A_202 = arith.addi %get3A_199, %add3A_201 : vector<16xi32>
    %swap3A_203 = arith.constant 1 : i32
    %swap3A_204 = arith.index_cast %swap3A_203 : i32 to index
    %swap3A_205 = arith.constant 96 : index
    %swap3A_206 = tpu.vector_load %arg5[%swap3A_204, %swap3A_205] {strides = array<i32>} : memref<130x128xi32, #tpu.memory_space<vmem>>, vector<1x16xi32>,
    %swap3A_207 = vector.shape_cast %swap3A_206 : vector<1x16xi32> to vector<16xi32>
    %swap3A_208 = vector.shape_cast %add3A_202 : vector<16xi32> to vector<1x16xi32>
    tpu.vector_store %arg5[%swap3A_204, %swap3A_205], %swap3A_208 {strides = array<i32>} : memref<130x128xi32, #tpu.memory_space<vmem>>, vector<1x16xi32>,
    %get3A_209 = arith.constant 1 : i32
    %get3A_210 = arith.index_cast %get3A_209 : i32 to index
    %get3A_211 = arith.constant 112 : index
    %get3A_212 = tpu.vector_load %arg5[%get3A_210, %get3A_211] {strides = array<i32>} : memref<130x128xi32, #tpu.memory_space<vmem>>, vector<1x16xi32>,
    %get3A_213 = vector.shape_cast %get3A_212 : vector<1x16xi32> to vector<16xi32>
    %add3A_214 = arith.constant 0 : i32
    %add3A_215 = vector.broadcast %add3A_214 : i32 to vector<16xi32>
    %add3A_216 = arith.addi %get3A_213, %add3A_215 : vector<16xi32>
    %swap3A_217 = arith.constant 1 : i32
    %swap3A_218 = arith.index_cast %swap3A_217 : i32 to index
    %swap3A_219 = arith.constant 112 : index
    %swap3A_220 = tpu.vector_load %arg5[%swap3A_218, %swap3A_219] {strides = array<i32>} : memref<130x128xi32, #tpu.memory_space<vmem>>, vector<1x16xi32>,
    %swap3A_221 = vector.shape_cast %swap3A_220 : vector<1x16xi32> to vector<16xi32>
    %swap3A_222 = vector.shape_cast %add3A_216 : vector<16xi32> to vector<1x16xi32>
    tpu.vector_store %arg5[%swap3A_218, %swap3A_219], %swap3A_222 {strides = array<i32>} : memref<130x128xi32, #tpu.memory_space<vmem>>, vector<1x16xi32>,
    %get3A_223 = arith.constant 2 : i32
    %get3A_224 = arith.index_cast %get3A_223 : i32 to index
    %get3A_225 = arith.constant 0 : index
    %get3A_226 = tpu.vector_load %arg5[%get3A_224, %get3A_225] {strides = array<i32>} : memref<130x128xi32, #tpu.memory_space<vmem>>, vector<1x16xi32>,
    %get3A_227 = vector.shape_cast %get3A_226 : vector<1x16xi32> to vector<16xi32>
    %add3A_228 = arith.constant 0 : i32
    %add3A_229 = vector.broadcast %add3A_228 : i32 to vector<16xi32>
    %add3A_230 = arith.addi %get3A_227, %add3A_229 : vector<16xi32>
    %swap3A_231 = arith.constant 2 : i32
    %swap3A_232 = arith.index_cast %swap3A_231 : i32 to index
    %swap3A_233 = arith.constant 0 : index
    %swap3A_234 = tpu.vector_load %arg5[%swap3A_232, %swap3A_233] {strides = array<i32>} : memref<130x128xi32, #tpu.memory_space<vmem>>, vector<1x16xi32>,
    %swap3A_235 = vector.shape_cast %swap3A_234 : vector<1x16xi32> to vector<16xi32>
    %swap3A_236 = vector.shape_cast %add3A_230 : vector<16xi32> to vector<1x16xi32>
    tpu.vector_store %arg5[%swap3A_232, %swap3A_233], %swap3A_236 {strides = array<i32>} : memref<130x128xi32, #tpu.memory_space<vmem>>, vector<1x16xi32>,
    %get3A_237 = arith.constant 2 : i32
    %get3A_238 = arith.index_cast %get3A_237 : i32 to index
    %get3A_239 = arith.constant 16 : index
    %get3A_240 = tpu.vector_load %arg5[%get3A_238, %get3A_239] {strides = array<i32>} : memref<130x128xi32, #tpu.memory_space<vmem>>, vector<1x16xi32>,
    %get3A_241 = vector.shape_cast %get3A_240 : vector<1x16xi32> to vector<16xi32>
    %add3A_242 = arith.constant 0 : i32
    %add3A_243 = vector.broadcast %add3A_242 : i32 to vector<16xi32>
    %add3A_244 = arith.addi %get3A_241, %add3A_243 : vector<16xi32>
    %swap3A_245 = arith.constant 2 : i32
    %swap3A_246 = arith.index_cast %swap3A_245 : i32 to index
    %swap3A_247 = arith.constant 16 : index
    %swap3A_248 = tpu.vector_load %arg5[%swap3A_246, %swap3A_247] {strides = array<i32>} : memref<130x128xi32, #tpu.memory_space<vmem>>, vector<1x16xi32>,
    %swap3A_249 = vector.shape_cast %swap3A_248 : vector<1x16xi32> to vector<16xi32>
    %swap3A_250 = vector.shape_cast %add3A_244 : vector<16xi32> to vector<1x16xi32>
    tpu.vector_store %arg5[%swap3A_246, %swap3A_247], %swap3A_250 {strides = array<i32>} : memref<130x128xi32, #tpu.memory_space<vmem>>, vector<1x16xi32>,
    %get3A_251 = arith.constant 2 : i32
    %get3A_252 = arith.index_cast %get3A_251 : i32 to index
    %get3A_253 = arith.constant 32 : index
    %get3A_254 = tpu.vector_load %arg5[%get3A_252, %get3A_253] {strides = array<i32>} : memref<130x128xi32, #tpu.memory_space<vmem>>, vector<1x16xi32>,
    %get3A_255 = vector.shape_cast %get3A_254 : vector<1x16xi32> to vector<16xi32>
    %add3A_256 = arith.constant 0 : i32
    %add3A_257 = vector.broadcast %add3A_256 : i32 to vector<16xi32>
    %add3A_258 = arith.addi %get3A_255, %add3A_257 : vector<16xi32>
    %swap3A_259 = arith.constant 2 : i32
    %swap3A_260 = arith.index_cast %swap3A_259 : i32 to index
    %swap3A_261 = arith.constant 32 : index
    %swap3A_262 = tpu.vector_load %arg5[%swap3A_260, %swap3A_261] {strides = array<i32>} : memref<130x128xi32, #tpu.memory_space<vmem>>, vector<1x16xi32>,
    %swap3A_263 = vector.shape_cast %swap3A_262 : vector<1x16xi32> to vector<16xi32>
    %swap3A_264 = vector.shape_cast %add3A_258 : vector<16xi32> to vector<1x16xi32>
    tpu.vector_store %arg5[%swap3A_260, %swap3A_261], %swap3A_264 {strides = array<i32>} : memref<130x128xi32, #tpu.memory_space<vmem>>, vector<1x16xi32>,
    %get3A_265 = arith.constant 2 : i32
    %get3A_266 = arith.index_cast %get3A_265 : i32 to index
    %get3A_267 = arith.constant 48 : index
    %get3A_268 = tpu.vector_load %arg5[%get3A_266, %get3A_267] {strides = array<i32>} : memref<130x128xi32, #tpu.memory_space<vmem>>, vector<1x16xi32>,
    %get3A_269 = vector.shape_cast %get3A_268 : vector<1x16xi32> to vector<16xi32>
    %add3A_270 = arith.constant 0 : i32
    %add3A_271 = vector.broadcast %add3A_270 : i32 to vector<16xi32>
    %add3A_272 = arith.addi %get3A_269, %add3A_271 : vector<16xi32>
    %swap3A_273 = arith.constant 2 : i32
    %swap3A_274 = arith.index_cast %swap3A_273 : i32 to index
    %swap3A_275 = arith.constant 48 : index
    %swap3A_276 = tpu.vector_load %arg5[%swap3A_274, %swap3A_275] {strides = array<i32>} : memref<130x128xi32, #tpu.memory_space<vmem>>, vector<1x16xi32>,
    %swap3A_277 = vector.shape_cast %swap3A_276 : vector<1x16xi32> to vector<16xi32>
    %swap3A_278 = vector.shape_cast %add3A_272 : vector<16xi32> to vector<1x16xi32>
    tpu.vector_store %arg5[%swap3A_274, %swap3A_275], %swap3A_278 {strides = array<i32>} : memref<130x128xi32, #tpu.memory_space<vmem>>, vector<1x16xi32>,
    %get3A_279 = arith.constant 2 : i32
    %get3A_280 = arith.index_cast %get3A_279 : i32 to index
    %get3A_281 = arith.constant 64 : index
    %get3A_282 = tpu.vector_load %arg5[%get3A_280, %get3A_281] {strides = array<i32>} : memref<130x128xi32, #tpu.memory_space<vmem>>, vector<1x16xi32>,
    %get3A_283 = vector.shape_cast %get3A_282 : vector<1x16xi32> to vector<16xi32>
    %add3A_284 = arith.constant 0 : i32
    %add3A_285 = vector.broadcast %add3A_284 : i32 to vector<16xi32>
    %add3A_286 = arith.addi %get3A_283, %add3A_285 : vector<16xi32>
    %swap3A_287 = arith.constant 2 : i32
    %swap3A_288 = arith.index_cast %swap3A_287 : i32 to index
    %swap3A_289 = arith.constant 64 : index
    %swap3A_290 = tpu.vector_load %arg5[%swap3A_288, %swap3A_289] {strides = array<i32>} : memref<130x128xi32, #tpu.memory_space<vmem>>, vector<1x16xi32>,
    %swap3A_291 = vector.shape_cast %swap3A_290 : vector<1x16xi32> to vector<16xi32>
    %swap3A_292 = vector.shape_cast %add3A_286 : vector<16xi32> to vector<1x16xi32>
    tpu.vector_store %arg5[%swap3A_288, %swap3A_289], %swap3A_292 {strides = array<i32>} : memref<130x128xi32, #tpu.memory_space<vmem>>, vector<1x16xi32>,
    %get3A_293 = arith.constant 2 : i32
    %get3A_294 = arith.index_cast %get3A_293 : i32 to index
    %get3A_295 = arith.constant 80 : index
    %get3A_296 = tpu.vector_load %arg5[%get3A_294, %get3A_295] {strides = array<i32>} : memref<130x128xi32, #tpu.memory_space<vmem>>, vector<1x16xi32>,
    %get3A_297 = vector.shape_cast %get3A_296 : vector<1x16xi32> to vector<16xi32>
    %add3A_298 = arith.constant 0 : i32
    %add3A_299 = vector.broadcast %add3A_298 : i32 to vector<16xi32>
    %add3A_300 = arith.addi %get3A_297, %add3A_299 : vector<16xi32>
    %swap3A_301 = arith.constant 2 : i32
    %swap3A_302 = arith.index_cast %swap3A_301 : i32 to index
    %swap3A_303 = arith.constant 80 : index
    %swap3A_304 = tpu.vector_load %arg5[%swap3A_302, %swap3A_303] {strides = array<i32>} : memref<130x128xi32, #tpu.memory_space<vmem>>, vector<1x16xi32>,
    %swap3A_305 = vector.shape_cast %swap3A_304 : vector<1x16xi32> to vector<16xi32>
    %swap3A_306 = vector.shape_cast %add3A_300 : vector<16xi32> to vector<1x16xi32>
    tpu.vector_store %arg5[%swap3A_302, %swap3A_303], %swap3A_306 {strides = array<i32>} : memref<130x128xi32, #tpu.memory_space<vmem>>, vector<1x16xi32>,
    %get3A_307 = arith.constant 2 : i32
    %get3A_308 = arith.index_cast %get3A_307 : i32 to index
    %get3A_309 = arith.constant 96 : index
    %get3A_310 = tpu.vector_load %arg5[%get3A_308, %get3A_309] {strides = array<i32>} : memref<130x128xi32, #tpu.memory_space<vmem>>, vector<1x16xi32>,
    %get3A_311 = vector.shape_cast %get3A_310 : vector<1x16xi32> to vector<16xi32>
    %add3A_312 = arith.constant 0 : i32
    %add3A_313 = vector.broadcast %add3A_312 : i32 to vector<16xi32>
    %add3A_314 = arith.addi %get3A_311, %add3A_313 : vector<16xi32>
    %swap3A_315 = arith.constant 2 : i32
    %swap3A_316 = arith.index_cast %swap3A_315 : i32 to index
    %swap3A_317 = arith.constant 96 : index
    %swap3A_318 = tpu.vector_load %arg5[%swap3A_316, %swap3A_317] {strides = array<i32>} : memref<130x128xi32, #tpu.memory_space<vmem>>, vector<1x16xi32>,
    %swap3A_319 = vector.shape_cast %swap3A_318 : vector<1x16xi32> to vector<16xi32>
    %swap3A_320 = vector.shape_cast %add3A_314 : vector<16xi32> to vector<1x16xi32>
    tpu.vector_store %arg5[%swap3A_316, %swap3A_317], %swap3A_320 {strides = array<i32>} : memref<130x128xi32, #tpu.memory_space<vmem>>, vector<1x16xi32>,
    %get3A_321 = arith.constant 2 : i32
    %get3A_322 = arith.index_cast %get3A_321 : i32 to index
    %get3A_323 = arith.constant 112 : index
    %get3A_324 = tpu.vector_load %arg5[%get3A_322, %get3A_323] {strides = array<i32>} : memref<130x128xi32, #tpu.memory_space<vmem>>, vector<1x16xi32>,
    %get3A_325 = vector.shape_cast %get3A_324 : vector<1x16xi32> to vector<16xi32>
    %add3A_326 = arith.constant 0 : i32
    %add3A_327 = vector.broadcast %add3A_326 : i32 to vector<16xi32>
    %add3A_328 = arith.addi %get3A_325, %add3A_327 : vector<16xi32>
    %swap3A_329 = arith.constant 2 : i32
    %swap3A_330 = arith.index_cast %swap3A_329 : i32 to index
    %swap3A_331 = arith.constant 112 : index
    %swap3A_332 = tpu.vector_load %arg5[%swap3A_330, %swap3A_331] {strides = array<i32>} : memref<130x128xi32, #tpu.memory_space<vmem>>, vector<1x16xi32>,
    %swap3A_333 = vector.shape_cast %swap3A_332 : vector<1x16xi32> to vector<16xi32>
    %swap3A_334 = vector.shape_cast %add3A_328 : vector<16xi32> to vector<1x16xi32>
    tpu.vector_store %arg5[%swap3A_330, %swap3A_331], %swap3A_334 {strides = array<i32>} : memref<130x128xi32, #tpu.memory_space<vmem>>, vector<1x16xi32>,
    %get3A_335 = arith.constant 3 : i32
    %get3A_336 = arith.index_cast %get3A_335 : i32 to index
    %get3A_337 = arith.constant 0 : index
    %get3A_338 = tpu.vector_load %arg5[%get3A_336, %get3A_337] {strides = array<i32>} : memref<130x128xi32, #tpu.memory_space<vmem>>, vector<1x16xi32>,
    %get3A_339 = vector.shape_cast %get3A_338 : vector<1x16xi32> to vector<16xi32>
    %add3A_340 = arith.constant 0 : i32
    %add3A_341 = vector.broadcast %add3A_340 : i32 to vector<16xi32>
    %add3A_342 = arith.addi %get3A_339, %add3A_341 : vector<16xi32>
    %swap3A_343 = arith.constant 3 : i32
    %swap3A_344 = arith.index_cast %swap3A_343 : i32 to index
    %swap3A_345 = arith.constant 0 : index
    %swap3A_346 = tpu.vector_load %arg5[%swap3A_344, %swap3A_345] {strides = array<i32>} : memref<130x128xi32, #tpu.memory_space<vmem>>, vector<1x16xi32>,
    %swap3A_347 = vector.shape_cast %swap3A_346 : vector<1x16xi32> to vector<16xi32>
    %swap3A_348 = vector.shape_cast %add3A_342 : vector<16xi32> to vector<1x16xi32>
    tpu.vector_store %arg5[%swap3A_344, %swap3A_345], %swap3A_348 {strides = array<i32>} : memref<130x128xi32, #tpu.memory_space<vmem>>, vector<1x16xi32>,
    %get3A_349 = arith.constant 3 : i32
    %get3A_350 = arith.index_cast %get3A_349 : i32 to index
    %get3A_351 = arith.constant 16 : index
    %get3A_352 = tpu.vector_load %arg5[%get3A_350, %get3A_351] {strides = array<i32>} : memref<130x128xi32, #tpu.memory_space<vmem>>, vector<1x16xi32>,
    %get3A_353 = vector.shape_cast %get3A_352 : vector<1x16xi32> to vector<16xi32>
    %add3A_354 = arith.constant 0 : i32
    %add3A_355 = vector.broadcast %add3A_354 : i32 to vector<16xi32>
    %add3A_356 = arith.addi %get3A_353, %add3A_355 : vector<16xi32>
    %swap3A_357 = arith.constant 3 : i32
    %swap3A_358 = arith.index_cast %swap3A_357 : i32 to index
    %swap3A_359 = arith.constant 16 : index
    %swap3A_360 = tpu.vector_load %arg5[%swap3A_358, %swap3A_359] {strides = array<i32>} : memref<130x128xi32, #tpu.memory_space<vmem>>, vector<1x16xi32>,
    %swap3A_361 = vector.shape_cast %swap3A_360 : vector<1x16xi32> to vector<16xi32>
    %swap3A_362 = vector.shape_cast %add3A_356 : vector<16xi32> to vector<1x16xi32>
    tpu.vector_store %arg5[%swap3A_358, %swap3A_359], %swap3A_362 {strides = array<i32>} : memref<130x128xi32, #tpu.memory_space<vmem>>, vector<1x16xi32>,
    %get3A_363 = arith.constant 3 : i32
    %get3A_364 = arith.index_cast %get3A_363 : i32 to index
    %get3A_365 = arith.constant 32 : index
    %get3A_366 = tpu.vector_load %arg5[%get3A_364, %get3A_365] {strides = array<i32>} : memref<130x128xi32, #tpu.memory_space<vmem>>, vector<1x16xi32>,
    %get3A_367 = vector.shape_cast %get3A_366 : vector<1x16xi32> to vector<16xi32>
    %add3A_368 = arith.constant 0 : i32
    %add3A_369 = vector.broadcast %add3A_368 : i32 to vector<16xi32>
    %add3A_370 = arith.addi %get3A_367, %add3A_369 : vector<16xi32>
    %swap3A_371 = arith.constant 3 : i32
    %swap3A_372 = arith.index_cast %swap3A_371 : i32 to index
    %swap3A_373 = arith.constant 32 : index
    %swap3A_374 = tpu.vector_load %arg5[%swap3A_372, %swap3A_373] {strides = array<i32>} : memref<130x128xi32, #tpu.memory_space<vmem>>, vector<1x16xi32>,
    %swap3A_375 = vector.shape_cast %swap3A_374 : vector<1x16xi32> to vector<16xi32>
    %swap3A_376 = vector.shape_cast %add3A_370 : vector<16xi32> to vector<1x16xi32>
    tpu.vector_store %arg5[%swap3A_372, %swap3A_373], %swap3A_376 {strides = array<i32>} : memref<130x128xi32, #tpu.memory_space<vmem>>, vector<1x16xi32>,
    %get3A_377 = arith.constant 3 : i32
    %get3A_378 = arith.index_cast %get3A_377 : i32 to index
    %get3A_379 = arith.constant 48 : index
    %get3A_380 = tpu.vector_load %arg5[%get3A_378, %get3A_379] {strides = array<i32>} : memref<130x128xi32, #tpu.memory_space<vmem>>, vector<1x16xi32>,
    %get3A_381 = vector.shape_cast %get3A_380 : vector<1x16xi32> to vector<16xi32>
    %add3A_382 = arith.constant 0 : i32
    %add3A_383 = vector.broadcast %add3A_382 : i32 to vector<16xi32>
    %add3A_384 = arith.addi %get3A_381, %add3A_383 : vector<16xi32>
    %swap3A_385 = arith.constant 3 : i32
    %swap3A_386 = arith.index_cast %swap3A_385 : i32 to index
    %swap3A_387 = arith.constant 48 : index
    %swap3A_388 = tpu.vector_load %arg5[%swap3A_386, %swap3A_387] {strides = array<i32>} : memref<130x128xi32, #tpu.memory_space<vmem>>, vector<1x16xi32>,
    %swap3A_389 = vector.shape_cast %swap3A_388 : vector<1x16xi32> to vector<16xi32>
    %swap3A_390 = vector.shape_cast %add3A_384 : vector<16xi32> to vector<1x16xi32>
    tpu.vector_store %arg5[%swap3A_386, %swap3A_387], %swap3A_390 {strides = array<i32>} : memref<130x128xi32, #tpu.memory_space<vmem>>, vector<1x16xi32>,
    %get3A_391 = arith.constant 3 : i32
    %get3A_392 = arith.index_cast %get3A_391 : i32 to index
    %get3A_393 = arith.constant 64 : index
    %get3A_394 = tpu.vector_load %arg5[%get3A_392, %get3A_393] {strides = array<i32>} : memref<130x128xi32, #tpu.memory_space<vmem>>, vector<1x16xi32>,
    %get3A_395 = vector.shape_cast %get3A_394 : vector<1x16xi32> to vector<16xi32>
    %add3A_396 = arith.constant 0 : i32
    %add3A_397 = vector.broadcast %add3A_396 : i32 to vector<16xi32>
    %add3A_398 = arith.addi %get3A_395, %add3A_397 : vector<16xi32>
    %swap3A_399 = arith.constant 3 : i32
    %swap3A_400 = arith.index_cast %swap3A_399 : i32 to index
    %swap3A_401 = arith.constant 64 : index
    %swap3A_402 = tpu.vector_load %arg5[%swap3A_400, %swap3A_401] {strides = array<i32>} : memref<130x128xi32, #tpu.memory_space<vmem>>, vector<1x16xi32>,
    %swap3A_403 = vector.shape_cast %swap3A_402 : vector<1x16xi32> to vector<16xi32>
    %swap3A_404 = vector.shape_cast %add3A_398 : vector<16xi32> to vector<1x16xi32>
    tpu.vector_store %arg5[%swap3A_400, %swap3A_401], %swap3A_404 {strides = array<i32>} : memref<130x128xi32, #tpu.memory_space<vmem>>, vector<1x16xi32>,
    %get3A_405 = arith.constant 3 : i32
    %get3A_406 = arith.index_cast %get3A_405 : i32 to index
    %get3A_407 = arith.constant 80 : index
    %get3A_408 = tpu.vector_load %arg5[%get3A_406, %get3A_407] {strides = array<i32>} : memref<130x128xi32, #tpu.memory_space<vmem>>, vector<1x16xi32>,
    %get3A_409 = vector.shape_cast %get3A_408 : vector<1x16xi32> to vector<16xi32>
    %add3A_410 = arith.constant 0 : i32
    %add3A_411 = vector.broadcast %add3A_410 : i32 to vector<16xi32>
    %add3A_412 = arith.addi %get3A_409, %add3A_411 : vector<16xi32>
    %swap3A_413 = arith.constant 3 : i32
    %swap3A_414 = arith.index_cast %swap3A_413 : i32 to index
    %swap3A_415 = arith.constant 80 : index
    %swap3A_416 = tpu.vector_load %arg5[%swap3A_414, %swap3A_415] {strides = array<i32>} : memref<130x128xi32, #tpu.memory_space<vmem>>, vector<1x16xi32>,
    %swap3A_417 = vector.shape_cast %swap3A_416 : vector<1x16xi32> to vector<16xi32>
    %swap3A_418 = vector.shape_cast %add3A_412 : vector<16xi32> to vector<1x16xi32>
    tpu.vector_store %arg5[%swap3A_414, %swap3A_415], %swap3A_418 {strides = array<i32>} : memref<130x128xi32, #tpu.memory_space<vmem>>, vector<1x16xi32>,
    %get3A_419 = arith.constant 3 : i32
    %get3A_420 = arith.index_cast %get3A_419 : i32 to index
    %get3A_421 = arith.constant 96 : index
    %get3A_422 = tpu.vector_load %arg5[%get3A_420, %get3A_421] {strides = array<i32>} : memref<130x128xi32, #tpu.memory_space<vmem>>, vector<1x16xi32>,
    %get3A_423 = vector.shape_cast %get3A_422 : vector<1x16xi32> to vector<16xi32>
    %add3A_424 = arith.constant 0 : i32
    %add3A_425 = vector.broadcast %add3A_424 : i32 to vector<16xi32>
    %add3A_426 = arith.addi %get3A_423, %add3A_425 : vector<16xi32>
    %swap3A_427 = arith.constant 3 : i32
    %swap3A_428 = arith.index_cast %swap3A_427 : i32 to index
    %swap3A_429 = arith.constant 96 : index
    %swap3A_430 = tpu.vector_load %arg5[%swap3A_428, %swap3A_429] {strides = array<i32>} : memref<130x128xi32, #tpu.memory_space<vmem>>, vector<1x16xi32>,
    %swap3A_431 = vector.shape_cast %swap3A_430 : vector<1x16xi32> to vector<16xi32>
    %swap3A_432 = vector.shape_cast %add3A_426 : vector<16xi32> to vector<1x16xi32>
    tpu.vector_store %arg5[%swap3A_428, %swap3A_429], %swap3A_432 {strides = array<i32>} : memref<130x128xi32, #tpu.memory_space<vmem>>, vector<1x16xi32>,
    %get3A_433 = arith.constant 3 : i32
    %get3A_434 = arith.index_cast %get3A_433 : i32 to index
    %get3A_435 = arith.constant 112 : index
    %get3A_436 = tpu.vector_load %arg5[%get3A_434, %get3A_435] {strides = array<i32>} : memref<130x128xi32, #tpu.memory_space<vmem>>, vector<1x16xi32>,
    %get3A_437 = vector.shape_cast %get3A_436 : vector<1x16xi32> to vector<16xi32>
    %add3A_438 = arith.constant 0 : i32
    %add3A_439 = vector.broadcast %add3A_438 : i32 to vector<16xi32>
    %add3A_440 = arith.addi %get3A_437, %add3A_439 : vector<16xi32>
    %swap3A_441 = arith.constant 3 : i32
    %swap3A_442 = arith.index_cast %swap3A_441 : i32 to index
    %swap3A_443 = arith.constant 112 : index
    %swap3A_444 = tpu.vector_load %arg5[%swap3A_442, %swap3A_443] {strides = array<i32>} : memref<130x128xi32, #tpu.memory_space<vmem>>, vector<1x16xi32>,
    %swap3A_445 = vector.shape_cast %swap3A_444 : vector<1x16xi32> to vector<16xi32>
    %swap3A_446 = vector.shape_cast %add3A_440 : vector<16xi32> to vector<1x16xi32>
    tpu.vector_store %arg5[%swap3A_442, %swap3A_443], %swap3A_446 {strides = array<i32>} : memref<130x128xi32, #tpu.memory_space<vmem>>, vector<1x16xi32>,
    %get3A_447 = arith.constant 4 : i32
    %get3A_448 = arith.index_cast %get3A_447 : i32 to index
    %get3A_449 = arith.constant 0 : index
    %get3A_450 = tpu.vector_load %arg5[%get3A_448, %get3A_449] {strides = array<i32>} : memref<130x128xi32, #tpu.memory_space<vmem>>, vector<1x16xi32>,
    %get3A_451 = vector.shape_cast %get3A_450 : vector<1x16xi32> to vector<16xi32>
    %add3A_452 = arith.constant 0 : i32
    %add3A_453 = vector.broadcast %add3A_452 : i32 to vector<16xi32>
    %add3A_454 = arith.addi %get3A_451, %add3A_453 : vector<16xi32>
    %swap3A_455 = arith.constant 4 : i32
    %swap3A_456 = arith.index_cast %swap3A_455 : i32 to index
    %swap3A_457 = arith.constant 0 : index
    %swap3A_458 = tpu.vector_load %arg5[%swap3A_456, %swap3A_457] {strides = array<i32>} : memref<130x128xi32, #tpu.memory_space<vmem>>, vector<1x16xi32>,
    %swap3A_459 = vector.shape_cast %swap3A_458 : vector<1x16xi32> to vector<16xi32>
    %swap3A_460 = vector.shape_cast %add3A_454 : vector<16xi32> to vector<1x16xi32>
    tpu.vector_store %arg5[%swap3A_456, %swap3A_457], %swap3A_460 {strides = array<i32>} : memref<130x128xi32, #tpu.memory_space<vmem>>, vector<1x16xi32>,
    %get3A_461 = arith.constant 4 : i32
    %get3A_462 = arith.index_cast %get3A_461 : i32 to index
    %get3A_463 = arith.constant 16 : index
    %get3A_464 = tpu.vector_load %arg5[%get3A_462, %get3A_463] {strides = array<i32>} : memref<130x128xi32, #tpu.memory_space<vmem>>, vector<1x16xi32>,
    %get3A_465 = vector.shape_cast %get3A_464 : vector<1x16xi32> to vector<16xi32>
    %add3A_466 = arith.constant 0 : i32
    %add3A_467 = vector.broadcast %add3A_466 : i32 to vector<16xi32>
    %add3A_468 = arith.addi %get3A_465, %add3A_467 : vector<16xi32>
    %swap3A_469 = arith.constant 4 : i32
    %swap3A_470 = arith.index_cast %swap3A_469 : i32 to index
    %swap3A_471 = arith.constant 16 : index
    %swap3A_472 = tpu.vector_load %arg5[%swap3A_470, %swap3A_471] {strides = array<i32>} : memref<130x128xi32, #tpu.memory_space<vmem>>, vector<1x16xi32>,
    %swap3A_473 = vector.shape_cast %swap3A_472 : vector<1x16xi32> to vector<16xi32>
    %swap3A_474 = vector.shape_cast %add3A_468 : vector<16xi32> to vector<1x16xi32>
    tpu.vector_store %arg5[%swap3A_470, %swap3A_471], %swap3A_474 {strides = array<i32>} : memref<130x128xi32, #tpu.memory_space<vmem>>, vector<1x16xi32>,
    %get3A_475 = arith.constant 4 : i32
    %get3A_476 = arith.index_cast %get3A_475 : i32 to index
    %get3A_477 = arith.constant 32 : index
    %get3A_478 = tpu.vector_load %arg5[%get3A_476, %get3A_477] {strides = array<i32>} : memref<130x128xi32, #tpu.memory_space<vmem>>, vector<1x16xi32>,
    %get3A_479 = vector.shape_cast %get3A_478 : vector<1x16xi32> to vector<16xi32>
    %add3A_480 = arith.constant 0 : i32
    %add3A_481 = vector.broadcast %add3A_480 : i32 to vector<16xi32>
    %add3A_482 = arith.addi %get3A_479, %add3A_481 : vector<16xi32>
    %swap3A_483 = arith.constant 4 : i32
    %swap3A_484 = arith.index_cast %swap3A_483 : i32 to index
    %swap3A_485 = arith.constant 32 : index
    %swap3A_486 = tpu.vector_load %arg5[%swap3A_484, %swap3A_485] {strides = array<i32>} : memref<130x128xi32, #tpu.memory_space<vmem>>, vector<1x16xi32>,
    %swap3A_487 = vector.shape_cast %swap3A_486 : vector<1x16xi32> to vector<16xi32>
    %swap3A_488 = vector.shape_cast %add3A_482 : vector<16xi32> to vector<1x16xi32>
    tpu.vector_store %arg5[%swap3A_484, %swap3A_485], %swap3A_488 {strides = array<i32>} : memref<130x128xi32, #tpu.memory_space<vmem>>, vector<1x16xi32>,
    %get3A_489 = arith.constant 4 : i32
    %get3A_490 = arith.index_cast %get3A_489 : i32 to index
    %get3A_491 = arith.constant 48 : index
    %get3A_492 = tpu.vector_load %arg5[%get3A_490, %get3A_491] {strides = array<i32>} : memref<130x128xi32, #tpu.memory_space<vmem>>, vector<1x16xi32>,
    %get3A_493 = vector.shape_cast %get3A_492 : vector<1x16xi32> to vector<16xi32>
    %add3A_494 = arith.constant 0 : i32
    %add3A_495 = vector.broadcast %add3A_494 : i32 to vector<16xi32>
    %add3A_496 = arith.addi %get3A_493, %add3A_495 : vector<16xi32>
    %swap3A_497 = arith.constant 4 : i32
    %swap3A_498 = arith.index_cast %swap3A_497 : i32 to index
    %swap3A_499 = arith.constant 48 : index
    %swap3A_500 = tpu.vector_load %arg5[%swap3A_498, %swap3A_499] {strides = array<i32>} : memref<130x128xi32, #tpu.memory_space<vmem>>, vector<1x16xi32>,
    %swap3A_501 = vector.shape_cast %swap3A_500 : vector<1x16xi32> to vector<16xi32>
    %swap3A_502 = vector.shape_cast %add3A_496 : vector<16xi32> to vector<1x16xi32>
    tpu.vector_store %arg5[%swap3A_498, %swap3A_499], %swap3A_502 {strides = array<i32>} : memref<130x128xi32, #tpu.memory_space<vmem>>, vector<1x16xi32>,
    %get3A_503 = arith.constant 4 : i32
    %get3A_504 = arith.index_cast %get3A_503 : i32 to index
    %get3A_505 = arith.constant 64 : index
    %get3A_506 = tpu.vector_load %arg5[%get3A_504, %get3A_505] {strides = array<i32>} : memref<130x128xi32, #tpu.memory_space<vmem>>, vector<1x16xi32>,
    %get3A_507 = vector.shape_cast %get3A_506 : vector<1x16xi32> to vector<16xi32>
    %add3A_508 = arith.constant 0 : i32
    %add3A_509 = vector.broadcast %add3A_508 : i32 to vector<16xi32>
    %add3A_510 = arith.addi %get3A_507, %add3A_509 : vector<16xi32>
    %swap3A_511 = arith.constant 4 : i32
    %swap3A_512 = arith.index_cast %swap3A_511 : i32 to index
    %swap3A_513 = arith.constant 64 : index
    %swap3A_514 = tpu.vector_load %arg5[%swap3A_512, %swap3A_513] {strides = array<i32>} : memref<130x128xi32, #tpu.memory_space<vmem>>, vector<1x16xi32>,
    %swap3A_515 = vector.shape_cast %swap3A_514 : vector<1x16xi32> to vector<16xi32>
    %swap3A_516 = vector.shape_cast %add3A_510 : vector<16xi32> to vector<1x16xi32>
    tpu.vector_store %arg5[%swap3A_512, %swap3A_513], %swap3A_516 {strides = array<i32>} : memref<130x128xi32, #tpu.memory_space<vmem>>, vector<1x16xi32>,
    %get3A_517 = arith.constant 4 : i32
    %get3A_518 = arith.index_cast %get3A_517 : i32 to index
    %get3A_519 = arith.constant 80 : index
    %get3A_520 = tpu.vector_load %arg5[%get3A_518, %get3A_519] {strides = array<i32>} : memref<130x128xi32, #tpu.memory_space<vmem>>, vector<1x16xi32>,
    %get3A_521 = vector.shape_cast %get3A_520 : vector<1x16xi32> to vector<16xi32>
    %add3A_522 = arith.constant 0 : i32
    %add3A_523 = vector.broadcast %add3A_522 : i32 to vector<16xi32>
    %add3A_524 = arith.addi %get3A_521, %add3A_523 : vector<16xi32>
    %swap3A_525 = arith.constant 4 : i32
    %swap3A_526 = arith.index_cast %swap3A_525 : i32 to index
    %swap3A_527 = arith.constant 80 : index
    %swap3A_528 = tpu.vector_load %arg5[%swap3A_526, %swap3A_527] {strides = array<i32>} : memref<130x128xi32, #tpu.memory_space<vmem>>, vector<1x16xi32>,
    %swap3A_529 = vector.shape_cast %swap3A_528 : vector<1x16xi32> to vector<16xi32>
    %swap3A_530 = vector.shape_cast %add3A_524 : vector<16xi32> to vector<1x16xi32>
    tpu.vector_store %arg5[%swap3A_526, %swap3A_527], %swap3A_530 {strides = array<i32>} : memref<130x128xi32, #tpu.memory_space<vmem>>, vector<1x16xi32>,
    %get3A_531 = arith.constant 4 : i32
    %get3A_532 = arith.index_cast %get3A_531 : i32 to index
    %get3A_533 = arith.constant 96 : index
    %get3A_534 = tpu.vector_load %arg5[%get3A_532, %get3A_533] {strides = array<i32>} : memref<130x128xi32, #tpu.memory_space<vmem>>, vector<1x16xi32>,
    %get3A_535 = vector.shape_cast %get3A_534 : vector<1x16xi32> to vector<16xi32>
    %add3A_536 = arith.constant 0 : i32
    %add3A_537 = vector.broadcast %add3A_536 : i32 to vector<16xi32>
    %add3A_538 = arith.addi %get3A_535, %add3A_537 : vector<16xi32>
    %swap3A_539 = arith.constant 4 : i32
    %swap3A_540 = arith.index_cast %swap3A_539 : i32 to index
    %swap3A_541 = arith.constant 96 : index
    %swap3A_542 = tpu.vector_load %arg5[%swap3A_540, %swap3A_541] {strides = array<i32>} : memref<130x128xi32, #tpu.memory_space<vmem>>, vector<1x16xi32>,
    %swap3A_543 = vector.shape_cast %swap3A_542 : vector<1x16xi32> to vector<16xi32>
    %swap3A_544 = vector.shape_cast %add3A_538 : vector<16xi32> to vector<1x16xi32>
    tpu.vector_store %arg5[%swap3A_540, %swap3A_541], %swap3A_544 {strides = array<i32>} : memref<130x128xi32, #tpu.memory_space<vmem>>, vector<1x16xi32>,
    %get3A_545 = arith.constant 4 : i32
    %get3A_546 = arith.index_cast %get3A_545 : i32 to index
    %get3A_547 = arith.constant 112 : index
    %get3A_548 = tpu.vector_load %arg5[%get3A_546, %get3A_547] {strides = array<i32>} : memref<130x128xi32, #tpu.memory_space<vmem>>, vector<1x16xi32>,
    %get3A_549 = vector.shape_cast %get3A_548 : vector<1x16xi32> to vector<16xi32>
    %add3A_550 = arith.constant 0 : i32
    %add3A_551 = vector.broadcast %add3A_550 : i32 to vector<16xi32>
    %add3A_552 = arith.addi %get3A_549, %add3A_551 : vector<16xi32>
    %swap3A_553 = arith.constant 4 : i32
    %swap3A_554 = arith.index_cast %swap3A_553 : i32 to index
    %swap3A_555 = arith.constant 112 : index
    %swap3A_556 = tpu.vector_load %arg5[%swap3A_554, %swap3A_555] {strides = array<i32>} : memref<130x128xi32, #tpu.memory_space<vmem>>, vector<1x16xi32>,
    %swap3A_557 = vector.shape_cast %swap3A_556 : vector<1x16xi32> to vector<16xi32>
    %swap3A_558 = vector.shape_cast %add3A_552 : vector<16xi32> to vector<1x16xi32>
    tpu.vector_store %arg5[%swap3A_554, %swap3A_555], %swap3A_558 {strides = array<i32>} : memref<130x128xi32, #tpu.memory_space<vmem>>, vector<1x16xi32>,
    %dma_start3A = arith.constant 0 : i32
    %dma_start3A_559 = arith.constant 0 : i32
    %dma_start3A_560 = arith.constant 0 : i32
    %dma_start3A_561 = tpu.memref_slice %arg6[%dma_start3A_559, %dma_start3A_560] : memref<1280x32xf32, #tpu.memory_space<vmem>> -> memref<128x32xf32, #tpu.memory_space<vmem>>
    %dma_start3A_562 = arith.constant 0 : i32
    %dma_start3A_563 = tpu.memref_slice %arg5[%dma_start3A, %dma_start3A_562] : memref<130x128xi32, #tpu.memory_space<vmem>> -> memref<1x128xi32, #tpu.memory_space<vmem>>
    %dma_start3A_564 = tpu.memref_squeeze %dma_start3A_563 : memref<1x128xi32, #tpu.memory_space<vmem>> -> memref<128xi32, #tpu.memory_space<vmem>>
    %dma_start3A_565 = arith.constant 0 : i32
    %dma_start3A_566 = arith.constant 0 : i32
    %dma_start3A_567 = tpu.memref_slice %arg3[%dma_start3A_565, %dma_start3A_566] : memref<2600000x32xf32, #tpu.memory_space<hbm>> -> memref<2600000x32xf32, #tpu.memory_space<hbm>>
    tpu.enqueue_indirect_dma source(%dma_start3A_567 : memref<2600000x32xf32, #tpu.memory_space<hbm>>) target(%dma_start3A_561 : memref<128x32xf32, #tpu.memory_space<vmem>>) offsets(%dma_start3A_564 : memref<128xi32, #tpu.memory_space<vmem>>) semaphore(%arg8 : memref<!tpu.dma_semaphore, #tpu.memory_space<semaphore_mem>>)
    %dma_start3A_568 = arith.constant 1 : i32
    %dma_start3A_569 = arith.constant 128 : i32
    %dma_start3A_570 = arith.constant 0 : i32
    %dma_start3A_571 = tpu.memref_slice %arg6[%dma_start3A_569, %dma_start3A_570] : memref<1280x32xf32, #tpu.memory_space<vmem>> -> memref<128x32xf32, #tpu.memory_space<vmem>>
    %dma_start3A_572 = arith.constant 0 : i32
    %dma_start3A_573 = tpu.memref_slice %arg5[%dma_start3A_568, %dma_start3A_572] : memref<130x128xi32, #tpu.memory_space<vmem>> -> memref<1x128xi32, #tpu.memory_space<vmem>>
    %dma_start3A_574 = tpu.memref_squeeze %dma_start3A_573 : memref<1x128xi32, #tpu.memory_space<vmem>> -> memref<128xi32, #tpu.memory_space<vmem>>
    %dma_start3A_575 = arith.constant 0 : i32
    %dma_start3A_576 = arith.constant 0 : i32
    %dma_start3A_577 = tpu.memref_slice %arg3[%dma_start3A_575, %dma_start3A_576] : memref<2600000x32xf32, #tpu.memory_space<hbm>> -> memref<2600000x32xf32, #tpu.memory_space<hbm>>
    tpu.enqueue_indirect_dma source(%dma_start3A_577 : memref<2600000x32xf32, #tpu.memory_space<hbm>>) target(%dma_start3A_571 : memref<128x32xf32, #tpu.memory_space<vmem>>) offsets(%dma_start3A_574 : memref<128xi32, #tpu.memory_space<vmem>>) semaphore(%arg8 : memref<!tpu.dma_semaphore, #tpu.memory_space<semaphore_mem>>)
    %dma_start3A_578 = arith.constant 2 : i32
    %dma_start3A_579 = arith.constant 256 : i32
    %dma_start3A_580 = arith.constant 0 : i32
    %dma_start3A_581 = tpu.memref_slice %arg6[%dma_start3A_579, %dma_start3A_580] : memref<1280x32xf32, #tpu.memory_space<vmem>> -> memref<128x32xf32, #tpu.memory_space<vmem>>
    %dma_start3A_582 = arith.constant 0 : i32
    %dma_start3A_583 = tpu.memref_slice %arg5[%dma_start3A_578, %dma_start3A_582] : memref<130x128xi32, #tpu.memory_space<vmem>> -> memref<1x128xi32, #tpu.memory_space<vmem>>
    %dma_start3A_584 = tpu.memref_squeeze %dma_start3A_583 : memref<1x128xi32, #tpu.memory_space<vmem>> -> memref<128xi32, #tpu.memory_space<vmem>>
    %dma_start3A_585 = arith.constant 0 : i32
    %dma_start3A_586 = arith.constant 0 : i32
    %dma_start3A_587 = tpu.memref_slice %arg3[%dma_start3A_585, %dma_start3A_586] : memref<2600000x32xf32, #tpu.memory_space<hbm>> -> memref<2600000x32xf32, #tpu.memory_space<hbm>>
    tpu.enqueue_indirect_dma source(%dma_start3A_587 : memref<2600000x32xf32, #tpu.memory_space<hbm>>) target(%dma_start3A_581 : memref<128x32xf32, #tpu.memory_space<vmem>>) offsets(%dma_start3A_584 : memref<128xi32, #tpu.memory_space<vmem>>) semaphore(%arg8 : memref<!tpu.dma_semaphore, #tpu.memory_space<semaphore_mem>>)
    %dma_start3A_588 = arith.constant 3 : i32
    %dma_start3A_589 = arith.constant 384 : i32
    %dma_start3A_590 = arith.constant 0 : i32
    %dma_start3A_591 = tpu.memref_slice %arg6[%dma_start3A_589, %dma_start3A_590] : memref<1280x32xf32, #tpu.memory_space<vmem>> -> memref<128x32xf32, #tpu.memory_space<vmem>>
    %dma_start3A_592 = arith.constant 0 : i32
    %dma_start3A_593 = tpu.memref_slice %arg5[%dma_start3A_588, %dma_start3A_592] : memref<130x128xi32, #tpu.memory_space<vmem>> -> memref<1x128xi32, #tpu.memory_space<vmem>>
    %dma_start3A_594 = tpu.memref_squeeze %dma_start3A_593 : memref<1x128xi32, #tpu.memory_space<vmem>> -> memref<128xi32, #tpu.memory_space<vmem>>
    %dma_start3A_595 = arith.constant 0 : i32
    %dma_start3A_596 = arith.constant 0 : i32
    %dma_start3A_597 = tpu.memref_slice %arg3[%dma_start3A_595, %dma_start3A_596] : memref<2600000x32xf32, #tpu.memory_space<hbm>> -> memref<2600000x32xf32, #tpu.memory_space<hbm>>
    tpu.enqueue_indirect_dma source(%dma_start3A_597 : memref<2600000x32xf32, #tpu.memory_space<hbm>>) target(%dma_start3A_591 : memref<128x32xf32, #tpu.memory_space<vmem>>) offsets(%dma_start3A_594 : memref<128xi32, #tpu.memory_space<vmem>>) semaphore(%arg8 : memref<!tpu.dma_semaphore, #tpu.memory_space<semaphore_mem>>)
    %dma_start3A_598 = arith.constant 4 : i32
    %dma_start3A_599 = arith.constant 512 : i32
    %dma_start3A_600 = arith.constant 0 : i32
    %dma_start3A_601 = tpu.memref_slice %arg6[%dma_start3A_599, %dma_start3A_600] : memref<1280x32xf32, #tpu.memory_space<vmem>> -> memref<128x32xf32, #tpu.memory_space<vmem>>
    %dma_start3A_602 = arith.constant 0 : i32
    %dma_start3A_603 = tpu.memref_slice %arg5[%dma_start3A_598, %dma_start3A_602] : memref<130x128xi32, #tpu.memory_space<vmem>> -> memref<1x128xi32, #tpu.memory_space<vmem>>
    %dma_start3A_604 = tpu.memref_squeeze %dma_start3A_603 : memref<1x128xi32, #tpu.memory_space<vmem>> -> memref<128xi32, #tpu.memory_space<vmem>>
    %dma_start3A_605 = arith.constant 0 : i32
    %dma_start3A_606 = arith.constant 0 : i32
    %dma_start3A_607 = tpu.memref_slice %arg3[%dma_start3A_605, %dma_start3A_606] : memref<2600000x32xf32, #tpu.memory_space<hbm>> -> memref<2600000x32xf32, #tpu.memory_space<hbm>>
    tpu.enqueue_indirect_dma source(%dma_start3A_607 : memref<2600000x32xf32, #tpu.memory_space<hbm>>) target(%dma_start3A_601 : memref<128x32xf32, #tpu.memory_space<vmem>>) offsets(%dma_start3A_604 : memref<128xi32, #tpu.memory_space<vmem>>) semaphore(%arg8 : memref<!tpu.dma_semaphore, #tpu.memory_space<semaphore_mem>>)
    %scan3A = arith.constant 0 : i32
    %scan3A_608 = arith.constant 0 : i32
    %scan3A_609 = arith.constant 13 : i32
    %scan3A_610 = arith.addi %scan3A_608, %scan3A_609 : i32
    %scan3A_611 = arith.constant 1 : i32
    scf.for %scan3A_615 = %scan3A_608 to %scan3A_610 step %scan3A_611  : i32 {
      %mul3A_616 = arith.constant 2 : i32
      %mul3A_617 = arith.muli %mul3A_616, %scan3A_615 : i32
      %add3A_618 = arith.constant 1 : i32
      %add3A_619 = arith.addi %mul3A_617, %add3A_618 : i32
      %mul3A_620 = arith.constant 100000 : i32
      %mul3A_621 = arith.muli %add3A_619, %mul3A_620 : i32
      %mul3A_622 = arith.constant 5 : i32
      %mul3A_623 = arith.muli %add3A_619, %mul3A_622 : i32
      %add3A_624 = arith.constant 0 : i32
      %add3A_625 = arith.addi %mul3A_623, %add3A_624 : i32
      %get3A_626 = arith.index_cast %add3A_625 : i32 to index
      %get3A_627 = arith.constant 0 : index
      %get3A_628 = tpu.vector_load %arg5[%get3A_626, %get3A_627] {strides = array<i32>} : memref<130x128xi32, #tpu.memory_space<vmem>>, vector<1x16xi32>,
      %get3A_629 = vector.shape_cast %get3A_628 : vector<1x16xi32> to vector<16xi32>
      %add3A_630 = vector.broadcast %mul3A_621 : i32 to vector<16xi32>
      %add3A_631 = arith.addi %get3A_629, %add3A_630 : vector<16xi32>
      %swap3A_632 = arith.index_cast %add3A_625 : i32 to index
      %swap3A_633 = arith.constant 0 : index
      %swap3A_634 = tpu.vector_load %arg5[%swap3A_632, %swap3A_633] {strides = array<i32>} : memref<130x128xi32, #tpu.memory_space<vmem>>, vector<1x16xi32>,
      %swap3A_635 = vector.shape_cast %swap3A_634 : vector<1x16xi32> to vector<16xi32>
      %swap3A_636 = vector.shape_cast %add3A_631 : vector<16xi32> to vector<1x16xi32>
      tpu.vector_store %arg5[%swap3A_632, %swap3A_633], %swap3A_636 {strides = array<i32>} : memref<130x128xi32, #tpu.memory_space<vmem>>, vector<1x16xi32>,
      %get3A_637 = arith.index_cast %add3A_625 : i32 to index
      %get3A_638 = arith.constant 16 : index
      %get3A_639 = tpu.vector_load %arg5[%get3A_637, %get3A_638] {strides = array<i32>} : memref<130x128xi32, #tpu.memory_space<vmem>>, vector<1x16xi32>,
      %get3A_640 = vector.shape_cast %get3A_639 : vector<1x16xi32> to vector<16xi32>
      %add3A_641 = vector.broadcast %mul3A_621 : i32 to vector<16xi32>
      %add3A_642 = arith.addi %get3A_640, %add3A_641 : vector<16xi32>
      %swap3A_643 = arith.index_cast %add3A_625 : i32 to index
      %swap3A_644 = arith.constant 16 : index
      %swap3A_645 = tpu.vector_load %arg5[%swap3A_643, %swap3A_644] {strides = array<i32>} : memref<130x128xi32, #tpu.memory_space<vmem>>, vector<1x16xi32>,
      %swap3A_646 = vector.shape_cast %swap3A_645 : vector<1x16xi32> to vector<16xi32>
      %swap3A_647 = vector.shape_cast %add3A_642 : vector<16xi32> to vector<1x16xi32>
      tpu.vector_store %arg5[%swap3A_643, %swap3A_644], %swap3A_647 {strides = array<i32>} : memref<130x128xi32, #tpu.memory_space<vmem>>, vector<1x16xi32>,
      %get3A_648 = arith.index_cast %add3A_625 : i32 to index
      %get3A_649 = arith.constant 32 : index
      %get3A_650 = tpu.vector_load %arg5[%get3A_648, %get3A_649] {strides = array<i32>} : memref<130x128xi32, #tpu.memory_space<vmem>>, vector<1x16xi32>,
      %get3A_651 = vector.shape_cast %get3A_650 : vector<1x16xi32> to vector<16xi32>
      %add3A_652 = vector.broadcast %mul3A_621 : i32 to vector<16xi32>
      %add3A_653 = arith.addi %get3A_651, %add3A_652 : vector<16xi32>
      %swap3A_654 = arith.index_cast %add3A_625 : i32 to index
      %swap3A_655 = arith.constant 32 : index
      %swap3A_656 = tpu.vector_load %arg5[%swap3A_654, %swap3A_655] {strides = array<i32>} : memref<130x128xi32, #tpu.memory_space<vmem>>, vector<1x16xi32>,
      %swap3A_657 = vector.shape_cast %swap3A_656 : vector<1x16xi32> to vector<16xi32>
      %swap3A_658 = vector.shape_cast %add3A_653 : vector<16xi32> to vector<1x16xi32>
      tpu.vector_store %arg5[%swap3A_654, %swap3A_655], %swap3A_658 {strides = array<i32>} : memref<130x128xi32, #tpu.memory_space<vmem>>, vector<1x16xi32>,
      %get3A_659 = arith.index_cast %add3A_625 : i32 to index
      %get3A_660 = arith.constant 48 : index
      %get3A_661 = tpu.vector_load %arg5[%get3A_659, %get3A_660] {strides = array<i32>} : memref<130x128xi32, #tpu.memory_space<vmem>>, vector<1x16xi32>,
      %get3A_662 = vector.shape_cast %get3A_661 : vector<1x16xi32> to vector<16xi32>
      %add3A_663 = vector.broadcast %mul3A_621 : i32 to vector<16xi32>
      %add3A_664 = arith.addi %get3A_662, %add3A_663 : vector<16xi32>
      %swap3A_665 = arith.index_cast %add3A_625 : i32 to index
      %swap3A_666 = arith.constant 48 : index
      %swap3A_667 = tpu.vector_load %arg5[%swap3A_665, %swap3A_666] {strides = array<i32>} : memref<130x128xi32, #tpu.memory_space<vmem>>, vector<1x16xi32>,
      %swap3A_668 = vector.shape_cast %swap3A_667 : vector<1x16xi32> to vector<16xi32>
      %swap3A_669 = vector.shape_cast %add3A_664 : vector<16xi32> to vector<1x16xi32>
      tpu.vector_store %arg5[%swap3A_665, %swap3A_666], %swap3A_669 {strides = array<i32>} : memref<130x128xi32, #tpu.memory_space<vmem>>, vector<1x16xi32>,
      %get3A_670 = arith.index_cast %add3A_625 : i32 to index
      %get3A_671 = arith.constant 64 : index
      %get3A_672 = tpu.vector_load %arg5[%get3A_670, %get3A_671] {strides = array<i32>} : memref<130x128xi32, #tpu.memory_space<vmem>>, vector<1x16xi32>,
      %get3A_673 = vector.shape_cast %get3A_672 : vector<1x16xi32> to vector<16xi32>
      %add3A_674 = vector.broadcast %mul3A_621 : i32 to vector<16xi32>
      %add3A_675 = arith.addi %get3A_673, %add3A_674 : vector<16xi32>
      %swap3A_676 = arith.index_cast %add3A_625 : i32 to index
      %swap3A_677 = arith.constant 64 : index
      %swap3A_678 = tpu.vector_load %arg5[%swap3A_676, %swap3A_677] {strides = array<i32>} : memref<130x128xi32, #tpu.memory_space<vmem>>, vector<1x16xi32>,
      %swap3A_679 = vector.shape_cast %swap3A_678 : vector<1x16xi32> to vector<16xi32>
      %swap3A_680 = vector.shape_cast %add3A_675 : vector<16xi32> to vector<1x16xi32>
      tpu.vector_store %arg5[%swap3A_676, %swap3A_677], %swap3A_680 {strides = array<i32>} : memref<130x128xi32, #tpu.memory_space<vmem>>, vector<1x16xi32>,
      %get3A_681 = arith.index_cast %add3A_625 : i32 to index
      %get3A_682 = arith.constant 80 : index
      %get3A_683 = tpu.vector_load %arg5[%get3A_681, %get3A_682] {strides = array<i32>} : memref<130x128xi32, #tpu.memory_space<vmem>>, vector<1x16xi32>,
      %get3A_684 = vector.shape_cast %get3A_683 : vector<1x16xi32> to vector<16xi32>
      %add3A_685 = vector.broadcast %mul3A_621 : i32 to vector<16xi32>
      %add3A_686 = arith.addi %get3A_684, %add3A_685 : vector<16xi32>
      %swap3A_687 = arith.index_cast %add3A_625 : i32 to index
      %swap3A_688 = arith.constant 80 : index
      %swap3A_689 = tpu.vector_load %arg5[%swap3A_687, %swap3A_688] {strides = array<i32>} : memref<130x128xi32, #tpu.memory_space<vmem>>, vector<1x16xi32>,
      %swap3A_690 = vector.shape_cast %swap3A_689 : vector<1x16xi32> to vector<16xi32>
      %swap3A_691 = vector.shape_cast %add3A_686 : vector<16xi32> to vector<1x16xi32>
      tpu.vector_store %arg5[%swap3A_687, %swap3A_688], %swap3A_691 {strides = array<i32>} : memref<130x128xi32, #tpu.memory_space<vmem>>, vector<1x16xi32>,
      %get3A_692 = arith.index_cast %add3A_625 : i32 to index
      %get3A_693 = arith.constant 96 : index
      %get3A_694 = tpu.vector_load %arg5[%get3A_692, %get3A_693] {strides = array<i32>} : memref<130x128xi32, #tpu.memory_space<vmem>>, vector<1x16xi32>,
      %get3A_695 = vector.shape_cast %get3A_694 : vector<1x16xi32> to vector<16xi32>
      %add3A_696 = vector.broadcast %mul3A_621 : i32 to vector<16xi32>
      %add3A_697 = arith.addi %get3A_695, %add3A_696 : vector<16xi32>
      %swap3A_698 = arith.index_cast %add3A_625 : i32 to index
      %swap3A_699 = arith.constant 96 : index
      %swap3A_700 = tpu.vector_load %arg5[%swap3A_698, %swap3A_699] {strides = array<i32>} : memref<130x128xi32, #tpu.memory_space<vmem>>, vector<1x16xi32>,
      %swap3A_701 = vector.shape_cast %swap3A_700 : vector<1x16xi32> to vector<16xi32>
      %swap3A_702 = vector.shape_cast %add3A_697 : vector<16xi32> to vector<1x16xi32>
      tpu.vector_store %arg5[%swap3A_698, %swap3A_699], %swap3A_702 {strides = array<i32>} : memref<130x128xi32, #tpu.memory_space<vmem>>, vector<1x16xi32>,
      %get3A_703 = arith.index_cast %add3A_625 : i32 to index
      %get3A_704 = arith.constant 112 : index
      %get3A_705 = tpu.vector_load %arg5[%get3A_703, %get3A_704] {strides = array<i32>} : memref<130x128xi32, #tpu.memory_space<vmem>>, vector<1x16xi32>,
      %get3A_706 = vector.shape_cast %get3A_705 : vector<1x16xi32> to vector<16xi32>
      %add3A_707 = vector.broadcast %mul3A_621 : i32 to vector<16xi32>
      %add3A_708 = arith.addi %get3A_706, %add3A_707 : vector<16xi32>
      %swap3A_709 = arith.index_cast %add3A_625 : i32 to index
      %swap3A_710 = arith.constant 112 : index
      %swap3A_711 = tpu.vector_load %arg5[%swap3A_709, %swap3A_710] {strides = array<i32>} : memref<130x128xi32, #tpu.memory_space<vmem>>, vector<1x16xi32>,
      %swap3A_712 = vector.shape_cast %swap3A_711 : vector<1x16xi32> to vector<16xi32>
      %swap3A_713 = vector.shape_cast %add3A_708 : vector<16xi32> to vector<1x16xi32>
      tpu.vector_store %arg5[%swap3A_709, %swap3A_710], %swap3A_713 {strides = array<i32>} : memref<130x128xi32, #tpu.memory_space<vmem>>, vector<1x16xi32>,
      %mul3A_714 = arith.constant 5 : i32
      %mul3A_715 = arith.muli %add3A_619, %mul3A_714 : i32
      %add3A_716 = arith.constant 1 : i32
      %add3A_717 = arith.addi %mul3A_715, %add3A_716 : i32
      %get3A_718 = arith.index_cast %add3A_717 : i32 to index
      %get3A_719 = arith.constant 0 : index
      %get3A_720 = tpu.vector_load %arg5[%get3A_718, %get3A_719] {strides = array<i32>} : memref<130x128xi32, #tpu.memory_space<vmem>>, vector<1x16xi32>,
      %get3A_721 = vector.shape_cast %get3A_720 : vector<1x16xi32> to vector<16xi32>
      %add3A_722 = vector.broadcast %mul3A_621 : i32 to vector<16xi32>
      %add3A_723 = arith.addi %get3A_721, %add3A_722 : vector<16xi32>
      %swap3A_724 = arith.index_cast %add3A_717 : i32 to index
      %swap3A_725 = arith.constant 0 : index
      %swap3A_726 = tpu.vector_load %arg5[%swap3A_724, %swap3A_725] {strides = array<i32>} : memref<130x128xi32, #tpu.memory_space<vmem>>, vector<1x16xi32>,
      %swap3A_727 = vector.shape_cast %swap3A_726 : vector<1x16xi32> to vector<16xi32>
      %swap3A_728 = vector.shape_cast %add3A_723 : vector<16xi32> to vector<1x16xi32>
      tpu.vector_store %arg5[%swap3A_724, %swap3A_725], %swap3A_728 {strides = array<i32>} : memref<130x128xi32, #tpu.memory_space<vmem>>, vector<1x16xi32>,
      %get3A_729 = arith.index_cast %add3A_717 : i32 to index
      %get3A_730 = arith.constant 16 : index
      %get3A_731 = tpu.vector_load %arg5[%get3A_729, %get3A_730] {strides = array<i32>} : memref<130x128xi32, #tpu.memory_space<vmem>>, vector<1x16xi32>,
      %get3A_732 = vector.shape_cast %get3A_731 : vector<1x16xi32> to vector<16xi32>
      %add3A_733 = vector.broadcast %mul3A_621 : i32 to vector<16xi32>
      %add3A_734 = arith.addi %get3A_732, %add3A_733 : vector<16xi32>
      %swap3A_735 = arith.index_cast %add3A_717 : i32 to index
      %swap3A_736 = arith.constant 16 : index
      %swap3A_737 = tpu.vector_load %arg5[%swap3A_735, %swap3A_736] {strides = array<i32>} : memref<130x128xi32, #tpu.memory_space<vmem>>, vector<1x16xi32>,
      %swap3A_738 = vector.shape_cast %swap3A_737 : vector<1x16xi32> to vector<16xi32>
      %swap3A_739 = vector.shape_cast %add3A_734 : vector<16xi32> to vector<1x16xi32>
      tpu.vector_store %arg5[%swap3A_735, %swap3A_736], %swap3A_739 {strides = array<i32>} : memref<130x128xi32, #tpu.memory_space<vmem>>, vector<1x16xi32>,
      %get3A_740 = arith.index_cast %add3A_717 : i32 to index
      %get3A_741 = arith.constant 32 : index
      %get3A_742 = tpu.vector_load %arg5[%get3A_740, %get3A_741] {strides = array<i32>} : memref<130x128xi32, #tpu.memory_space<vmem>>, vector<1x16xi32>,
      %get3A_743 = vector.shape_cast %get3A_742 : vector<1x16xi32> to vector<16xi32>
      %add3A_744 = vector.broadcast %mul3A_621 : i32 to vector<16xi32>
      %add3A_745 = arith.addi %get3A_743, %add3A_744 : vector<16xi32>
      %swap3A_746 = arith.index_cast %add3A_717 : i32 to index
      %swap3A_747 = arith.constant 32 : index
      %swap3A_748 = tpu.vector_load %arg5[%swap3A_746, %swap3A_747] {strides = array<i32>} : memref<130x128xi32, #tpu.memory_space<vmem>>, vector<1x16xi32>,
      %swap3A_749 = vector.shape_cast %swap3A_748 : vector<1x16xi32> to vector<16xi32>
      %swap3A_750 = vector.shape_cast %add3A_745 : vector<16xi32> to vector<1x16xi32>
      tpu.vector_store %arg5[%swap3A_746, %swap3A_747], %swap3A_750 {strides = array<i32>} : memref<130x128xi32, #tpu.memory_space<vmem>>, vector<1x16xi32>,
      %get3A_751 = arith.index_cast %add3A_717 : i32 to index
      %get3A_752 = arith.constant 48 : index
      %get3A_753 = tpu.vector_load %arg5[%get3A_751, %get3A_752] {strides = array<i32>} : memref<130x128xi32, #tpu.memory_space<vmem>>, vector<1x16xi32>,
      %get3A_754 = vector.shape_cast %get3A_753 : vector<1x16xi32> to vector<16xi32>
      %add3A_755 = vector.broadcast %mul3A_621 : i32 to vector<16xi32>
      %add3A_756 = arith.addi %get3A_754, %add3A_755 : vector<16xi32>
      %swap3A_757 = arith.index_cast %add3A_717 : i32 to index
      %swap3A_758 = arith.constant 48 : index
      %swap3A_759 = tpu.vector_load %arg5[%swap3A_757, %swap3A_758] {strides = array<i32>} : memref<130x128xi32, #tpu.memory_space<vmem>>, vector<1x16xi32>,
      %swap3A_760 = vector.shape_cast %swap3A_759 : vector<1x16xi32> to vector<16xi32>
      %swap3A_761 = vector.shape_cast %add3A_756 : vector<16xi32> to vector<1x16xi32>
      tpu.vector_store %arg5[%swap3A_757, %swap3A_758], %swap3A_761 {strides = array<i32>} : memref<130x128xi32, #tpu.memory_space<vmem>>, vector<1x16xi32>,
      %get3A_762 = arith.index_cast %add3A_717 : i32 to index
      %get3A_763 = arith.constant 64 : index
      %get3A_764 = tpu.vector_load %arg5[%get3A_762, %get3A_763] {strides = array<i32>} : memref<130x128xi32, #tpu.memory_space<vmem>>, vector<1x16xi32>,
      %get3A_765 = vector.shape_cast %get3A_764 : vector<1x16xi32> to vector<16xi32>
      %add3A_766 = vector.broadcast %mul3A_621 : i32 to vector<16xi32>
      %add3A_767 = arith.addi %get3A_765, %add3A_766 : vector<16xi32>
      %swap3A_768 = arith.index_cast %add3A_717 : i32 to index
      %swap3A_769 = arith.constant 64 : index
      %swap3A_770 = tpu.vector_load %arg5[%swap3A_768, %swap3A_769] {strides = array<i32>} : memref<130x128xi32, #tpu.memory_space<vmem>>, vector<1x16xi32>,
      %swap3A_771 = vector.shape_cast %swap3A_770 : vector<1x16xi32> to vector<16xi32>
      %swap3A_772 = vector.shape_cast %add3A_767 : vector<16xi32> to vector<1x16xi32>
      tpu.vector_store %arg5[%swap3A_768, %swap3A_769], %swap3A_772 {strides = array<i32>} : memref<130x128xi32, #tpu.memory_space<vmem>>, vector<1x16xi32>,
      %get3A_773 = arith.index_cast %add3A_717 : i32 to index
      %get3A_774 = arith.constant 80 : index
      %get3A_775 = tpu.vector_load %arg5[%get3A_773, %get3A_774] {strides = array<i32>} : memref<130x128xi32, #tpu.memory_space<vmem>>, vector<1x16xi32>,
      %get3A_776 = vector.shape_cast %get3A_775 : vector<1x16xi32> to vector<16xi32>
      %add3A_777 = vector.broadcast %mul3A_621 : i32 to vector<16xi32>
      %add3A_778 = arith.addi %get3A_776, %add3A_777 : vector<16xi32>
      %swap3A_779 = arith.index_cast %add3A_717 : i32 to index
      %swap3A_780 = arith.constant 80 : index
      %swap3A_781 = tpu.vector_load %arg5[%swap3A_779, %swap3A_780] {strides = array<i32>} : memref<130x128xi32, #tpu.memory_space<vmem>>, vector<1x16xi32>,
      %swap3A_782 = vector.shape_cast %swap3A_781 : vector<1x16xi32> to vector<16xi32>
      %swap3A_783 = vector.shape_cast %add3A_778 : vector<16xi32> to vector<1x16xi32>
      tpu.vector_store %arg5[%swap3A_779, %swap3A_780], %swap3A_783 {strides = array<i32>} : memref<130x128xi32, #tpu.memory_space<vmem>>, vector<1x16xi32>,
      %get3A_784 = arith.index_cast %add3A_717 : i32 to index
      %get3A_785 = arith.constant 96 : index
      %get3A_786 = tpu.vector_load %arg5[%get3A_784, %get3A_785] {strides = array<i32>} : memref<130x128xi32, #tpu.memory_space<vmem>>, vector<1x16xi32>,
      %get3A_787 = vector.shape_cast %get3A_786 : vector<1x16xi32> to vector<16xi32>
      %add3A_788 = vector.broadcast %mul3A_621 : i32 to vector<16xi32>
      %add3A_789 = arith.addi %get3A_787, %add3A_788 : vector<16xi32>
      %swap3A_790 = arith.index_cast %add3A_717 : i32 to index
      %swap3A_791 = arith.constant 96 : index
      %swap3A_792 = tpu.vector_load %arg5[%swap3A_790, %swap3A_791] {strides = array<i32>} : memref<130x128xi32, #tpu.memory_space<vmem>>, vector<1x16xi32>,
      %swap3A_793 = vector.shape_cast %swap3A_792 : vector<1x16xi32> to vector<16xi32>
      %swap3A_794 = vector.shape_cast %add3A_789 : vector<16xi32> to vector<1x16xi32>
      tpu.vector_store %arg5[%swap3A_790, %swap3A_791], %swap3A_794 {strides = array<i32>} : memref<130x128xi32, #tpu.memory_space<vmem>>, vector<1x16xi32>,
      %get3A_795 = arith.index_cast %add3A_717 : i32 to index
      %get3A_796 = arith.constant 112 : index
      %get3A_797 = tpu.vector_load %arg5[%get3A_795, %get3A_796] {strides = array<i32>} : memref<130x128xi32, #tpu.memory_space<vmem>>, vector<1x16xi32>,
      %get3A_798 = vector.shape_cast %get3A_797 : vector<1x16xi32> to vector<16xi32>
      %add3A_799 = vector.broadcast %mul3A_621 : i32 to vector<16xi32>
      %add3A_800 = arith.addi %get3A_798, %add3A_799 : vector<16xi32>
      %swap3A_801 = arith.index_cast %add3A_717 : i32 to index
      %swap3A_802 = arith.constant 112 : index
      %swap3A_803 = tpu.vector_load %arg5[%swap3A_801, %swap3A_802] {strides = array<i32>} : memref<130x128xi32, #tpu.memory_space<vmem>>, vector<1x16xi32>,
      %swap3A_804 = vector.shape_cast %swap3A_803 : vector<1x16xi32> to vector<16xi32>
      %swap3A_805 = vector.shape_cast %add3A_800 : vector<16xi32> to vector<1x16xi32>
      tpu.vector_store %arg5[%swap3A_801, %swap3A_802], %swap3A_805 {strides = array<i32>} : memref<130x128xi32, #tpu.memory_space<vmem>>, vector<1x16xi32>,
      %mul3A_806 = arith.constant 5 : i32
      %mul3A_807 = arith.muli %add3A_619, %mul3A_806 : i32
      %add3A_808 = arith.constant 2 : i32
      %add3A_809 = arith.addi %mul3A_807, %add3A_808 : i32
      %get3A_810 = arith.index_cast %add3A_809 : i32 to index
      %get3A_811 = arith.constant 0 : index
      %get3A_812 = tpu.vector_load %arg5[%get3A_810, %get3A_811] {strides = array<i32>} : memref<130x128xi32, #tpu.memory_space<vmem>>, vector<1x16xi32>,
      %get3A_813 = vector.shape_cast %get3A_812 : vector<1x16xi32> to vector<16xi32>
      %add3A_814 = vector.broadcast %mul3A_621 : i32 to vector<16xi32>
      %add3A_815 = arith.addi %get3A_813, %add3A_814 : vector<16xi32>
      %swap3A_816 = arith.index_cast %add3A_809 : i32 to index
      %swap3A_817 = arith.constant 0 : index
      %swap3A_818 = tpu.vector_load %arg5[%swap3A_816, %swap3A_817] {strides = array<i32>} : memref<130x128xi32, #tpu.memory_space<vmem>>, vector<1x16xi32>,
      %swap3A_819 = vector.shape_cast %swap3A_818 : vector<1x16xi32> to vector<16xi32>
      %swap3A_820 = vector.shape_cast %add3A_815 : vector<16xi32> to vector<1x16xi32>
      tpu.vector_store %arg5[%swap3A_816, %swap3A_817], %swap3A_820 {strides = array<i32>} : memref<130x128xi32, #tpu.memory_space<vmem>>, vector<1x16xi32>,
      %get3A_821 = arith.index_cast %add3A_809 : i32 to index
      %get3A_822 = arith.constant 16 : index
      %get3A_823 = tpu.vector_load %arg5[%get3A_821, %get3A_822] {strides = array<i32>} : memref<130x128xi32, #tpu.memory_space<vmem>>, vector<1x16xi32>,
      %get3A_824 = vector.shape_cast %get3A_823 : vector<1x16xi32> to vector<16xi32>
      %add3A_825 = vector.broadcast %mul3A_621 : i32 to vector<16xi32>
      %add3A_826 = arith.addi %get3A_824, %add3A_825 : vector<16xi32>
      %swap3A_827 = arith.index_cast %add3A_809 : i32 to index
      %swap3A_828 = arith.constant 16 : index
      %swap3A_829 = tpu.vector_load %arg5[%swap3A_827, %swap3A_828] {strides = array<i32>} : memref<130x128xi32, #tpu.memory_space<vmem>>, vector<1x16xi32>,
      %swap3A_830 = vector.shape_cast %swap3A_829 : vector<1x16xi32> to vector<16xi32>
      %swap3A_831 = vector.shape_cast %add3A_826 : vector<16xi32> to vector<1x16xi32>
      tpu.vector_store %arg5[%swap3A_827, %swap3A_828], %swap3A_831 {strides = array<i32>} : memref<130x128xi32, #tpu.memory_space<vmem>>, vector<1x16xi32>,
      %get3A_832 = arith.index_cast %add3A_809 : i32 to index
      %get3A_833 = arith.constant 32 : index
      %get3A_834 = tpu.vector_load %arg5[%get3A_832, %get3A_833] {strides = array<i32>} : memref<130x128xi32, #tpu.memory_space<vmem>>, vector<1x16xi32>,
      %get3A_835 = vector.shape_cast %get3A_834 : vector<1x16xi32> to vector<16xi32>
      %add3A_836 = vector.broadcast %mul3A_621 : i32 to vector<16xi32>
      %add3A_837 = arith.addi %get3A_835, %add3A_836 : vector<16xi32>
      %swap3A_838 = arith.index_cast %add3A_809 : i32 to index
      %swap3A_839 = arith.constant 32 : index
      %swap3A_840 = tpu.vector_load %arg5[%swap3A_838, %swap3A_839] {strides = array<i32>} : memref<130x128xi32, #tpu.memory_space<vmem>>, vector<1x16xi32>,
      %swap3A_841 = vector.shape_cast %swap3A_840 : vector<1x16xi32> to vector<16xi32>
      %swap3A_842 = vector.shape_cast %add3A_837 : vector<16xi32> to vector<1x16xi32>
      tpu.vector_store %arg5[%swap3A_838, %swap3A_839], %swap3A_842 {strides = array<i32>} : memref<130x128xi32, #tpu.memory_space<vmem>>, vector<1x16xi32>,
      %get3A_843 = arith.index_cast %add3A_809 : i32 to index
      %get3A_844 = arith.constant 48 : index
      %get3A_845 = tpu.vector_load %arg5[%get3A_843, %get3A_844] {strides = array<i32>} : memref<130x128xi32, #tpu.memory_space<vmem>>, vector<1x16xi32>,
      %get3A_846 = vector.shape_cast %get3A_845 : vector<1x16xi32> to vector<16xi32>
      %add3A_847 = vector.broadcast %mul3A_621 : i32 to vector<16xi32>
      %add3A_848 = arith.addi %get3A_846, %add3A_847 : vector<16xi32>
      %swap3A_849 = arith.index_cast %add3A_809 : i32 to index
      %swap3A_850 = arith.constant 48 : index
      %swap3A_851 = tpu.vector_load %arg5[%swap3A_849, %swap3A_850] {strides = array<i32>} : memref<130x128xi32, #tpu.memory_space<vmem>>, vector<1x16xi32>,
      %swap3A_852 = vector.shape_cast %swap3A_851 : vector<1x16xi32> to vector<16xi32>
      %swap3A_853 = vector.shape_cast %add3A_848 : vector<16xi32> to vector<1x16xi32>
      tpu.vector_store %arg5[%swap3A_849, %swap3A_850], %swap3A_853 {strides = array<i32>} : memref<130x128xi32, #tpu.memory_space<vmem>>, vector<1x16xi32>,
      %get3A_854 = arith.index_cast %add3A_809 : i32 to index
      %get3A_855 = arith.constant 64 : index
      %get3A_856 = tpu.vector_load %arg5[%get3A_854, %get3A_855] {strides = array<i32>} : memref<130x128xi32, #tpu.memory_space<vmem>>, vector<1x16xi32>,
      %get3A_857 = vector.shape_cast %get3A_856 : vector<1x16xi32> to vector<16xi32>
      %add3A_858 = vector.broadcast %mul3A_621 : i32 to vector<16xi32>
      %add3A_859 = arith.addi %get3A_857, %add3A_858 : vector<16xi32>
      %swap3A_860 = arith.index_cast %add3A_809 : i32 to index
      %swap3A_861 = arith.constant 64 : index
      %swap3A_862 = tpu.vector_load %arg5[%swap3A_860, %swap3A_861] {strides = array<i32>} : memref<130x128xi32, #tpu.memory_space<vmem>>, vector<1x16xi32>,
      %swap3A_863 = vector.shape_cast %swap3A_862 : vector<1x16xi32> to vector<16xi32>
      %swap3A_864 = vector.shape_cast %add3A_859 : vector<16xi32> to vector<1x16xi32>
      tpu.vector_store %arg5[%swap3A_860, %swap3A_861], %swap3A_864 {strides = array<i32>} : memref<130x128xi32, #tpu.memory_space<vmem>>, vector<1x16xi32>,
      %get3A_865 = arith.index_cast %add3A_809 : i32 to index
      %get3A_866 = arith.constant 80 : index
      %get3A_867 = tpu.vector_load %arg5[%get3A_865, %get3A_866] {strides = array<i32>} : memref<130x128xi32, #tpu.memory_space<vmem>>, vector<1x16xi32>,
      %get3A_868 = vector.shape_cast %get3A_867 : vector<1x16xi32> to vector<16xi32>
      %add3A_869 = vector.broadcast %mul3A_621 : i32 to vector<16xi32>
      %add3A_870 = arith.addi %get3A_868, %add3A_869 : vector<16xi32>
      %swap3A_871 = arith.index_cast %add3A_809 : i32 to index
      %swap3A_872 = arith.constant 80 : index
      %swap3A_873 = tpu.vector_load %arg5[%swap3A_871, %swap3A_872] {strides = array<i32>} : memref<130x128xi32, #tpu.memory_space<vmem>>, vector<1x16xi32>,
      %swap3A_874 = vector.shape_cast %swap3A_873 : vector<1x16xi32> to vector<16xi32>
      %swap3A_875 = vector.shape_cast %add3A_870 : vector<16xi32> to vector<1x16xi32>
      tpu.vector_store %arg5[%swap3A_871, %swap3A_872], %swap3A_875 {strides = array<i32>} : memref<130x128xi32, #tpu.memory_space<vmem>>, vector<1x16xi32>,
      %get3A_876 = arith.index_cast %add3A_809 : i32 to index
      %get3A_877 = arith.constant 96 : index
      %get3A_878 = tpu.vector_load %arg5[%get3A_876, %get3A_877] {strides = array<i32>} : memref<130x128xi32, #tpu.memory_space<vmem>>, vector<1x16xi32>,
      %get3A_879 = vector.shape_cast %get3A_878 : vector<1x16xi32> to vector<16xi32>
      %add3A_880 = vector.broadcast %mul3A_621 : i32 to vector<16xi32>
      %add3A_881 = arith.addi %get3A_879, %add3A_880 : vector<16xi32>
      %swap3A_882 = arith.index_cast %add3A_809 : i32 to index
      %swap3A_883 = arith.constant 96 : index
      %swap3A_884 = tpu.vector_load %arg5[%swap3A_882, %swap3A_883] {strides = array<i32>} : memref<130x128xi32, #tpu.memory_space<vmem>>, vector<1x16xi32>,
      %swap3A_885 = vector.shape_cast %swap3A_884 : vector<1x16xi32> to vector<16xi32>
      %swap3A_886 = vector.shape_cast %add3A_881 : vector<16xi32> to vector<1x16xi32>
      tpu.vector_store %arg5[%swap3A_882, %swap3A_883], %swap3A_886 {strides = array<i32>} : memref<130x128xi32, #tpu.memory_space<vmem>>, vector<1x16xi32>,
      %get3A_887 = arith.index_cast %add3A_809 : i32 to index
      %get3A_888 = arith.constant 112 : index
      %get3A_889 = tpu.vector_load %arg5[%get3A_887, %get3A_888] {strides = array<i32>} : memref<130x128xi32, #tpu.memory_space<vmem>>, vector<1x16xi32>,
      %get3A_890 = vector.shape_cast %get3A_889 : vector<1x16xi32> to vector<16xi32>
      %add3A_891 = vector.broadcast %mul3A_621 : i32 to vector<16xi32>
      %add3A_892 = arith.addi %get3A_890, %add3A_891 : vector<16xi32>
      %swap3A_893 = arith.index_cast %add3A_809 : i32 to index
      %swap3A_894 = arith.constant 112 : index
      %swap3A_895 = tpu.vector_load %arg5[%swap3A_893, %swap3A_894] {strides = array<i32>} : memref<130x128xi32, #tpu.memory_space<vmem>>, vector<1x16xi32>,
      %swap3A_896 = vector.shape_cast %swap3A_895 : vector<1x16xi32> to vector<16xi32>
      %swap3A_897 = vector.shape_cast %add3A_892 : vector<16xi32> to vector<1x16xi32>
      tpu.vector_store %arg5[%swap3A_893, %swap3A_894], %swap3A_897 {strides = array<i32>} : memref<130x128xi32, #tpu.memory_space<vmem>>, vector<1x16xi32>,
      %mul3A_898 = arith.constant 5 : i32
      %mul3A_899 = arith.muli %add3A_619, %mul3A_898 : i32
      %add3A_900 = arith.constant 3 : i32
      %add3A_901 = arith.addi %mul3A_899, %add3A_900 : i32
      %get3A_902 = arith.index_cast %add3A_901 : i32 to index
      %get3A_903 = arith.constant 0 : index
      %get3A_904 = tpu.vector_load %arg5[%get3A_902, %get3A_903] {strides = array<i32>} : memref<130x128xi32, #tpu.memory_space<vmem>>, vector<1x16xi32>,
      %get3A_905 = vector.shape_cast %get3A_904 : vector<1x16xi32> to vector<16xi32>
      %add3A_906 = vector.broadcast %mul3A_621 : i32 to vector<16xi32>
      %add3A_907 = arith.addi %get3A_905, %add3A_906 : vector<16xi32>
      %swap3A_908 = arith.index_cast %add3A_901 : i32 to index
      %swap3A_909 = arith.constant 0 : index
      %swap3A_910 = tpu.vector_load %arg5[%swap3A_908, %swap3A_909] {strides = array<i32>} : memref<130x128xi32, #tpu.memory_space<vmem>>, vector<1x16xi32>,
      %swap3A_911 = vector.shape_cast %swap3A_910 : vector<1x16xi32> to vector<16xi32>
      %swap3A_912 = vector.shape_cast %add3A_907 : vector<16xi32> to vector<1x16xi32>
      tpu.vector_store %arg5[%swap3A_908, %swap3A_909], %swap3A_912 {strides = array<i32>} : memref<130x128xi32, #tpu.memory_space<vmem>>, vector<1x16xi32>,
      %get3A_913 = arith.index_cast %add3A_901 : i32 to index
      %get3A_914 = arith.constant 16 : index
      %get3A_915 = tpu.vector_load %arg5[%get3A_913, %get3A_914] {strides = array<i32>} : memref<130x128xi32, #tpu.memory_space<vmem>>, vector<1x16xi32>,
      %get3A_916 = vector.shape_cast %get3A_915 : vector<1x16xi32> to vector<16xi32>
      %add3A_917 = vector.broadcast %mul3A_621 : i32 to vector<16xi32>
      %add3A_918 = arith.addi %get3A_916, %add3A_917 : vector<16xi32>
      %swap3A_919 = arith.index_cast %add3A_901 : i32 to index
      %swap3A_920 = arith.constant 16 : index
      %swap3A_921 = tpu.vector_load %arg5[%swap3A_919, %swap3A_920] {strides = array<i32>} : memref<130x128xi32, #tpu.memory_space<vmem>>, vector<1x16xi32>,
      %swap3A_922 = vector.shape_cast %swap3A_921 : vector<1x16xi32> to vector<16xi32>
      %swap3A_923 = vector.shape_cast %add3A_918 : vector<16xi32> to vector<1x16xi32>
      tpu.vector_store %arg5[%swap3A_919, %swap3A_920], %swap3A_923 {strides = array<i32>} : memref<130x128xi32, #tpu.memory_space<vmem>>, vector<1x16xi32>,
      %get3A_924 = arith.index_cast %add3A_901 : i32 to index
      %get3A_925 = arith.constant 32 : index
      %get3A_926 = tpu.vector_load %arg5[%get3A_924, %get3A_925] {strides = array<i32>} : memref<130x128xi32, #tpu.memory_space<vmem>>, vector<1x16xi32>,
      %get3A_927 = vector.shape_cast %get3A_926 : vector<1x16xi32> to vector<16xi32>
      %add3A_928 = vector.broadcast %mul3A_621 : i32 to vector<16xi32>
      %add3A_929 = arith.addi %get3A_927, %add3A_928 : vector<16xi32>
      %swap3A_930 = arith.index_cast %add3A_901 : i32 to index
      %swap3A_931 = arith.constant 32 : index
      %swap3A_932 = tpu.vector_load %arg5[%swap3A_930, %swap3A_931] {strides = array<i32>} : memref<130x128xi32, #tpu.memory_space<vmem>>, vector<1x16xi32>,
      %swap3A_933 = vector.shape_cast %swap3A_932 : vector<1x16xi32> to vector<16xi32>
      %swap3A_934 = vector.shape_cast %add3A_929 : vector<16xi32> to vector<1x16xi32>
      tpu.vector_store %arg5[%swap3A_930, %swap3A_931], %swap3A_934 {strides = array<i32>} : memref<130x128xi32, #tpu.memory_space<vmem>>, vector<1x16xi32>,
      %get3A_935 = arith.index_cast %add3A_901 : i32 to index
      %get3A_936 = arith.constant 48 : index
      %get3A_937 = tpu.vector_load %arg5[%get3A_935, %get3A_936] {strides = array<i32>} : memref<130x128xi32, #tpu.memory_space<vmem>>, vector<1x16xi32>,
      %get3A_938 = vector.shape_cast %get3A_937 : vector<1x16xi32> to vector<16xi32>
      %add3A_939 = vector.broadcast %mul3A_621 : i32 to vector<16xi32>
      %add3A_940 = arith.addi %get3A_938, %add3A_939 : vector<16xi32>
      %swap3A_941 = arith.index_cast %add3A_901 : i32 to index
      %swap3A_942 = arith.constant 48 : index
      %swap3A_943 = tpu.vector_load %arg5[%swap3A_941, %swap3A_942] {strides = array<i32>} : memref<130x128xi32, #tpu.memory_space<vmem>>, vector<1x16xi32>,
      %swap3A_944 = vector.shape_cast %swap3A_943 : vector<1x16xi32> to vector<16xi32>
      %swap3A_945 = vector.shape_cast %add3A_940 : vector<16xi32> to vector<1x16xi32>
      tpu.vector_store %arg5[%swap3A_941, %swap3A_942], %swap3A_945 {strides = array<i32>} : memref<130x128xi32, #tpu.memory_space<vmem>>, vector<1x16xi32>,
      %get3A_946 = arith.index_cast %add3A_901 : i32 to index
      %get3A_947 = arith.constant 64 : index
      %get3A_948 = tpu.vector_load %arg5[%get3A_946, %get3A_947] {strides = array<i32>} : memref<130x128xi32, #tpu.memory_space<vmem>>, vector<1x16xi32>,
      %get3A_949 = vector.shape_cast %get3A_948 : vector<1x16xi32> to vector<16xi32>
      %add3A_950 = vector.broadcast %mul3A_621 : i32 to vector<16xi32>
      %add3A_951 = arith.addi %get3A_949, %add3A_950 : vector<16xi32>
      %swap3A_952 = arith.index_cast %add3A_901 : i32 to index
      %swap3A_953 = arith.constant 64 : index
      %swap3A_954 = tpu.vector_load %arg5[%swap3A_952, %swap3A_953] {strides = array<i32>} : memref<130x128xi32, #tpu.memory_space<vmem>>, vector<1x16xi32>,
      %swap3A_955 = vector.shape_cast %swap3A_954 : vector<1x16xi32> to vector<16xi32>
      %swap3A_956 = vector.shape_cast %add3A_951 : vector<16xi32> to vector<1x16xi32>
      tpu.vector_store %arg5[%swap3A_952, %swap3A_953], %swap3A_956 {strides = array<i32>} : memref<130x128xi32, #tpu.memory_space<vmem>>, vector<1x16xi32>,
      %get3A_957 = arith.index_cast %add3A_901 : i32 to index
      %get3A_958 = arith.constant 80 : index
      %get3A_959 = tpu.vector_load %arg5[%get3A_957, %get3A_958] {strides = array<i32>} : memref<130x128xi32, #tpu.memory_space<vmem>>, vector<1x16xi32>,
      %get3A_960 = vector.shape_cast %get3A_959 : vector<1x16xi32> to vector<16xi32>
      %add3A_961 = vector.broadcast %mul3A_621 : i32 to vector<16xi32>
      %add3A_962 = arith.addi %get3A_960, %add3A_961 : vector<16xi32>
      %swap3A_963 = arith.index_cast %add3A_901 : i32 to index
      %swap3A_964 = arith.constant 80 : index
      %swap3A_965 = tpu.vector_load %arg5[%swap3A_963, %swap3A_964] {strides = array<i32>} : memref<130x128xi32, #tpu.memory_space<vmem>>, vector<1x16xi32>,
      %swap3A_966 = vector.shape_cast %swap3A_965 : vector<1x16xi32> to vector<16xi32>
      %swap3A_967 = vector.shape_cast %add3A_962 : vector<16xi32> to vector<1x16xi32>
      tpu.vector_store %arg5[%swap3A_963, %swap3A_964], %swap3A_967 {strides = array<i32>} : memref<130x128xi32, #tpu.memory_space<vmem>>, vector<1x16xi32>,
      %get3A_968 = arith.index_cast %add3A_901 : i32 to index
      %get3A_969 = arith.constant 96 : index
      %get3A_970 = tpu.vector_load %arg5[%get3A_968, %get3A_969] {strides = array<i32>} : memref<130x128xi32, #tpu.memory_space<vmem>>, vector<1x16xi32>,
      %get3A_971 = vector.shape_cast %get3A_970 : vector<1x16xi32> to vector<16xi32>
      %add3A_972 = vector.broadcast %mul3A_621 : i32 to vector<16xi32>
      %add3A_973 = arith.addi %get3A_971, %add3A_972 : vector<16xi32>
      %swap3A_974 = arith.index_cast %add3A_901 : i32 to index
      %swap3A_975 = arith.constant 96 : index
      %swap3A_976 = tpu.vector_load %arg5[%swap3A_974, %swap3A_975] {strides = array<i32>} : memref<130x128xi32, #tpu.memory_space<vmem>>, vector<1x16xi32>,
      %swap3A_977 = vector.shape_cast %swap3A_976 : vector<1x16xi32> to vector<16xi32>
      %swap3A_978 = vector.shape_cast %add3A_973 : vector<16xi32> to vector<1x16xi32>
      tpu.vector_store %arg5[%swap3A_974, %swap3A_975], %swap3A_978 {strides = array<i32>} : memref<130x128xi32, #tpu.memory_space<vmem>>, vector<1x16xi32>,
      %get3A_979 = arith.index_cast %add3A_901 : i32 to index
      %get3A_980 = arith.constant 112 : index
      %get3A_981 = tpu.vector_load %arg5[%get3A_979, %get3A_980] {strides = array<i32>} : memref<130x128xi32, #tpu.memory_space<vmem>>, vector<1x16xi32>,
      %get3A_982 = vector.shape_cast %get3A_981 : vector<1x16xi32> to vector<16xi32>
      %add3A_983 = vector.broadcast %mul3A_621 : i32 to vector<16xi32>
      %add3A_984 = arith.addi %get3A_982, %add3A_983 : vector<16xi32>
      %swap3A_985 = arith.index_cast %add3A_901 : i32 to index
      %swap3A_986 = arith.constant 112 : index
      %swap3A_987 = tpu.vector_load %arg5[%swap3A_985, %swap3A_986] {strides = array<i32>} : memref<130x128xi32, #tpu.memory_space<vmem>>, vector<1x16xi32>,
      %swap3A_988 = vector.shape_cast %swap3A_987 : vector<1x16xi32> to vector<16xi32>
      %swap3A_989 = vector.shape_cast %add3A_984 : vector<16xi32> to vector<1x16xi32>
      tpu.vector_store %arg5[%swap3A_985, %swap3A_986], %swap3A_989 {strides = array<i32>} : memref<130x128xi32, #tpu.memory_space<vmem>>, vector<1x16xi32>,
      %mul3A_990 = arith.constant 5 : i32
      %mul3A_991 = arith.muli %add3A_619, %mul3A_990 : i32
      %add3A_992 = arith.constant 4 : i32
      %add3A_993 = arith.addi %mul3A_991, %add3A_992 : i32
      %get3A_994 = arith.index_cast %add3A_993 : i32 to index
      %get3A_995 = arith.constant 0 : index
      %get3A_996 = tpu.vector_load %arg5[%get3A_994, %get3A_995] {strides = array<i32>} : memref<130x128xi32, #tpu.memory_space<vmem>>, vector<1x16xi32>,
      %get3A_997 = vector.shape_cast %get3A_996 : vector<1x16xi32> to vector<16xi32>
      %add3A_998 = vector.broadcast %mul3A_621 : i32 to vector<16xi32>
      %add3A_999 = arith.addi %get3A_997, %add3A_998 : vector<16xi32>
      %swap3A_1000 = arith.index_cast %add3A_993 : i32 to index
      %swap3A_1001 = arith.constant 0 : index
      %swap3A_1002 = tpu.vector_load %arg5[%swap3A_1000, %swap3A_1001] {strides = array<i32>} : memref<130x128xi32, #tpu.memory_space<vmem>>, vector<1x16xi32>,
      %swap3A_1003 = vector.shape_cast %swap3A_1002 : vector<1x16xi32> to vector<16xi32>
      %swap3A_1004 = vector.shape_cast %add3A_999 : vector<16xi32> to vector<1x16xi32>
      tpu.vector_store %arg5[%swap3A_1000, %swap3A_1001], %swap3A_1004 {strides = array<i32>} : memref<130x128xi32, #tpu.memory_space<vmem>>, vector<1x16xi32>,
      %get3A_1005 = arith.index_cast %add3A_993 : i32 to index
      %get3A_1006 = arith.constant 16 : index
      %get3A_1007 = tpu.vector_load %arg5[%get3A_1005, %get3A_1006] {strides = array<i32>} : memref<130x128xi32, #tpu.memory_space<vmem>>, vector<1x16xi32>,
      %get3A_1008 = vector.shape_cast %get3A_1007 : vector<1x16xi32> to vector<16xi32>
      %add3A_1009 = vector.broadcast %mul3A_621 : i32 to vector<16xi32>
      %add3A_1010 = arith.addi %get3A_1008, %add3A_1009 : vector<16xi32>
      %swap3A_1011 = arith.index_cast %add3A_993 : i32 to index
      %swap3A_1012 = arith.constant 16 : index
      %swap3A_1013 = tpu.vector_load %arg5[%swap3A_1011, %swap3A_1012] {strides = array<i32>} : memref<130x128xi32, #tpu.memory_space<vmem>>, vector<1x16xi32>,
      %swap3A_1014 = vector.shape_cast %swap3A_1013 : vector<1x16xi32> to vector<16xi32>
      %swap3A_1015 = vector.shape_cast %add3A_1010 : vector<16xi32> to vector<1x16xi32>
      tpu.vector_store %arg5[%swap3A_1011, %swap3A_1012], %swap3A_1015 {strides = array<i32>} : memref<130x128xi32, #tpu.memory_space<vmem>>, vector<1x16xi32>,
      %get3A_1016 = arith.index_cast %add3A_993 : i32 to index
      %get3A_1017 = arith.constant 32 : index
      %get3A_1018 = tpu.vector_load %arg5[%get3A_1016, %get3A_1017] {strides = array<i32>} : memref<130x128xi32, #tpu.memory_space<vmem>>, vector<1x16xi32>,
      %get3A_1019 = vector.shape_cast %get3A_1018 : vector<1x16xi32> to vector<16xi32>
      %add3A_1020 = vector.broadcast %mul3A_621 : i32 to vector<16xi32>
      %add3A_1021 = arith.addi %get3A_1019, %add3A_1020 : vector<16xi32>
      %swap3A_1022 = arith.index_cast %add3A_993 : i32 to index
      %swap3A_1023 = arith.constant 32 : index
      %swap3A_1024 = tpu.vector_load %arg5[%swap3A_1022, %swap3A_1023] {strides = array<i32>} : memref<130x128xi32, #tpu.memory_space<vmem>>, vector<1x16xi32>,
      %swap3A_1025 = vector.shape_cast %swap3A_1024 : vector<1x16xi32> to vector<16xi32>
      %swap3A_1026 = vector.shape_cast %add3A_1021 : vector<16xi32> to vector<1x16xi32>
      tpu.vector_store %arg5[%swap3A_1022, %swap3A_1023], %swap3A_1026 {strides = array<i32>} : memref<130x128xi32, #tpu.memory_space<vmem>>, vector<1x16xi32>,
      %get3A_1027 = arith.index_cast %add3A_993 : i32 to index
      %get3A_1028 = arith.constant 48 : index
      %get3A_1029 = tpu.vector_load %arg5[%get3A_1027, %get3A_1028] {strides = array<i32>} : memref<130x128xi32, #tpu.memory_space<vmem>>, vector<1x16xi32>,
      %get3A_1030 = vector.shape_cast %get3A_1029 : vector<1x16xi32> to vector<16xi32>
      %add3A_1031 = vector.broadcast %mul3A_621 : i32 to vector<16xi32>
      %add3A_1032 = arith.addi %get3A_1030, %add3A_1031 : vector<16xi32>
      %swap3A_1033 = arith.index_cast %add3A_993 : i32 to index
      %swap3A_1034 = arith.constant 48 : index
      %swap3A_1035 = tpu.vector_load %arg5[%swap3A_1033, %swap3A_1034] {strides = array<i32>} : memref<130x128xi32, #tpu.memory_space<vmem>>, vector<1x16xi32>,
      %swap3A_1036 = vector.shape_cast %swap3A_1035 : vector<1x16xi32> to vector<16xi32>
      %swap3A_1037 = vector.shape_cast %add3A_1032 : vector<16xi32> to vector<1x16xi32>
      tpu.vector_store %arg5[%swap3A_1033, %swap3A_1034], %swap3A_1037 {strides = array<i32>} : memref<130x128xi32, #tpu.memory_space<vmem>>, vector<1x16xi32>,
      %get3A_1038 = arith.index_cast %add3A_993 : i32 to index
      %get3A_1039 = arith.constant 64 : index
      %get3A_1040 = tpu.vector_load %arg5[%get3A_1038, %get3A_1039] {strides = array<i32>} : memref<130x128xi32, #tpu.memory_space<vmem>>, vector<1x16xi32>,
      %get3A_1041 = vector.shape_cast %get3A_1040 : vector<1x16xi32> to vector<16xi32>
      %add3A_1042 = vector.broadcast %mul3A_621 : i32 to vector<16xi32>
      %add3A_1043 = arith.addi %get3A_1041, %add3A_1042 : vector<16xi32>
      %swap3A_1044 = arith.index_cast %add3A_993 : i32 to index
      %swap3A_1045 = arith.constant 64 : index
      %swap3A_1046 = tpu.vector_load %arg5[%swap3A_1044, %swap3A_1045] {strides = array<i32>} : memref<130x128xi32, #tpu.memory_space<vmem>>, vector<1x16xi32>,
      %swap3A_1047 = vector.shape_cast %swap3A_1046 : vector<1x16xi32> to vector<16xi32>
      %swap3A_1048 = vector.shape_cast %add3A_1043 : vector<16xi32> to vector<1x16xi32>
      tpu.vector_store %arg5[%swap3A_1044, %swap3A_1045], %swap3A_1048 {strides = array<i32>} : memref<130x128xi32, #tpu.memory_space<vmem>>, vector<1x16xi32>,
      %get3A_1049 = arith.index_cast %add3A_993 : i32 to index
      %get3A_1050 = arith.constant 80 : index
      %get3A_1051 = tpu.vector_load %arg5[%get3A_1049, %get3A_1050] {strides = array<i32>} : memref<130x128xi32, #tpu.memory_space<vmem>>, vector<1x16xi32>,
      %get3A_1052 = vector.shape_cast %get3A_1051 : vector<1x16xi32> to vector<16xi32>
      %add3A_1053 = vector.broadcast %mul3A_621 : i32 to vector<16xi32>
      %add3A_1054 = arith.addi %get3A_1052, %add3A_1053 : vector<16xi32>
      %swap3A_1055 = arith.index_cast %add3A_993 : i32 to index
      %swap3A_1056 = arith.constant 80 : index
      %swap3A_1057 = tpu.vector_load %arg5[%swap3A_1055, %swap3A_1056] {strides = array<i32>} : memref<130x128xi32, #tpu.memory_space<vmem>>, vector<1x16xi32>,
      %swap3A_1058 = vector.shape_cast %swap3A_1057 : vector<1x16xi32> to vector<16xi32>
      %swap3A_1059 = vector.shape_cast %add3A_1054 : vector<16xi32> to vector<1x16xi32>
      tpu.vector_store %arg5[%swap3A_1055, %swap3A_1056], %swap3A_1059 {strides = array<i32>} : memref<130x128xi32, #tpu.memory_space<vmem>>, vector<1x16xi32>,
      %get3A_1060 = arith.index_cast %add3A_993 : i32 to index
      %get3A_1061 = arith.constant 96 : index
      %get3A_1062 = tpu.vector_load %arg5[%get3A_1060, %get3A_1061] {strides = array<i32>} : memref<130x128xi32, #tpu.memory_space<vmem>>, vector<1x16xi32>,
      %get3A_1063 = vector.shape_cast %get3A_1062 : vector<1x16xi32> to vector<16xi32>
      %add3A_1064 = vector.broadcast %mul3A_621 : i32 to vector<16xi32>
      %add3A_1065 = arith.addi %get3A_1063, %add3A_1064 : vector<16xi32>
      %swap3A_1066 = arith.index_cast %add3A_993 : i32 to index
      %swap3A_1067 = arith.constant 96 : index
      %swap3A_1068 = tpu.vector_load %arg5[%swap3A_1066, %swap3A_1067] {strides = array<i32>} : memref<130x128xi32, #tpu.memory_space<vmem>>, vector<1x16xi32>,
      %swap3A_1069 = vector.shape_cast %swap3A_1068 : vector<1x16xi32> to vector<16xi32>
      %swap3A_1070 = vector.shape_cast %add3A_1065 : vector<16xi32> to vector<1x16xi32>
      tpu.vector_store %arg5[%swap3A_1066, %swap3A_1067], %swap3A_1070 {strides = array<i32>} : memref<130x128xi32, #tpu.memory_space<vmem>>, vector<1x16xi32>,
      %get3A_1071 = arith.index_cast %add3A_993 : i32 to index
      %get3A_1072 = arith.constant 112 : index
      %get3A_1073 = tpu.vector_load %arg5[%get3A_1071, %get3A_1072] {strides = array<i32>} : memref<130x128xi32, #tpu.memory_space<vmem>>, vector<1x16xi32>,
      %get3A_1074 = vector.shape_cast %get3A_1073 : vector<1x16xi32> to vector<16xi32>
      %add3A_1075 = vector.broadcast %mul3A_621 : i32 to vector<16xi32>
      %add3A_1076 = arith.addi %get3A_1074, %add3A_1075 : vector<16xi32>
      %swap3A_1077 = arith.index_cast %add3A_993 : i32 to index
      %swap3A_1078 = arith.constant 112 : index
      %swap3A_1079 = tpu.vector_load %arg5[%swap3A_1077, %swap3A_1078] {strides = array<i32>} : memref<130x128xi32, #tpu.memory_space<vmem>>, vector<1x16xi32>,
      %swap3A_1080 = vector.shape_cast %swap3A_1079 : vector<1x16xi32> to vector<16xi32>
      %swap3A_1081 = vector.shape_cast %add3A_1076 : vector<16xi32> to vector<1x16xi32>
      tpu.vector_store %arg5[%swap3A_1077, %swap3A_1078], %swap3A_1081 {strides = array<i32>} : memref<130x128xi32, #tpu.memory_space<vmem>>, vector<1x16xi32>,
      %mul3A_1082 = arith.constant 5 : i32
      %mul3A_1083 = arith.muli %add3A_619, %mul3A_1082 : i32
      %add3A_1084 = arith.constant 0 : i32
      %add3A_1085 = arith.addi %mul3A_1083, %add3A_1084 : i32
      %mul3A_1086 = arith.constant 5 : i32
      %mul3A_1087 = arith.muli %add3A_619, %mul3A_1086 : i32
      %add3A_1088 = arith.constant 1 : i32
      %add3A_1089 = arith.addi %mul3A_1087, %add3A_1088 : i32
      %mul3A_1090 = arith.constant 5 : i32
      %mul3A_1091 = arith.muli %add3A_619, %mul3A_1090 : i32
      %add3A_1092 = arith.constant 2 : i32
      %add3A_1093 = arith.addi %mul3A_1091, %add3A_1092 : i32
      %mul3A_1094 = arith.constant 5 : i32
      %mul3A_1095 = arith.muli %add3A_619, %mul3A_1094 : i32
      %add3A_1096 = arith.constant 3 : i32
      %add3A_1097 = arith.addi %mul3A_1095, %add3A_1096 : i32
      %mul3A_1098 = arith.constant 5 : i32
      %mul3A_1099 = arith.muli %add3A_619, %mul3A_1098 : i32
      %add3A_1100 = arith.constant 4 : i32
      %add3A_1101 = arith.addi %mul3A_1099, %add3A_1100 : i32
      %dma_start3A_1102 = arith.constant 640 : i32
      %dma_start3A_1103 = arith.constant 0 : i32
      %dma_start3A_1104 = tpu.memref_slice %arg6[%dma_start3A_1102, %dma_start3A_1103] : memref<1280x32xf32, #tpu.memory_space<vmem>> -> memref<128x32xf32, #tpu.memory_space<vmem>>
      %dma_start3A_1105 = arith.constant 0 : i32
      %dma_start3A_1106 = tpu.memref_slice %arg5[%add3A_1085, %dma_start3A_1105] : memref<130x128xi32, #tpu.memory_space<vmem>> -> memref<1x128xi32, #tpu.memory_space<vmem>>
      %dma_start3A_1107 = tpu.memref_squeeze %dma_start3A_1106 : memref<1x128xi32, #tpu.memory_space<vmem>> -> memref<128xi32, #tpu.memory_space<vmem>>
      %dma_start3A_1108 = arith.constant 0 : i32
      %dma_start3A_1109 = arith.constant 0 : i32
      %dma_start3A_1110 = tpu.memref_slice %arg3[%dma_start3A_1108, %dma_start3A_1109] : memref<2600000x32xf32, #tpu.memory_space<hbm>> -> memref<2600000x32xf32, #tpu.memory_space<hbm>>
      tpu.enqueue_indirect_dma source(%dma_start3A_1110 : memref<2600000x32xf32, #tpu.memory_space<hbm>>) target(%dma_start3A_1104 : memref<128x32xf32, #tpu.memory_space<vmem>>) offsets(%dma_start3A_1107 : memref<128xi32, #tpu.memory_space<vmem>>) semaphore(%arg9 : memref<!tpu.dma_semaphore, #tpu.memory_space<semaphore_mem>>)
      %dma_start3A_1111 = arith.constant 768 : i32
      %dma_start3A_1112 = arith.constant 0 : i32
      %dma_start3A_1113 = tpu.memref_slice %arg6[%dma_start3A_1111, %dma_start3A_1112] : memref<1280x32xf32, #tpu.memory_space<vmem>> -> memref<128x32xf32, #tpu.memory_space<vmem>>
      %dma_start3A_1114 = arith.constant 0 : i32
      %dma_start3A_1115 = tpu.memref_slice %arg5[%add3A_1089, %dma_start3A_1114] : memref<130x128xi32, #tpu.memory_space<vmem>> -> memref<1x128xi32, #tpu.memory_space<vmem>>
      %dma_start3A_1116 = tpu.memref_squeeze %dma_start3A_1115 : memref<1x128xi32, #tpu.memory_space<vmem>> -> memref<128xi32, #tpu.memory_space<vmem>>
      %dma_start3A_1117 = arith.constant 0 : i32
      %dma_start3A_1118 = arith.constant 0 : i32
      %dma_start3A_1119 = tpu.memref_slice %arg3[%dma_start3A_1117, %dma_start3A_1118] : memref<2600000x32xf32, #tpu.memory_space<hbm>> -> memref<2600000x32xf32, #tpu.memory_space<hbm>>
      tpu.enqueue_indirect_dma source(%dma_start3A_1119 : memref<2600000x32xf32, #tpu.memory_space<hbm>>) target(%dma_start3A_1113 : memref<128x32xf32, #tpu.memory_space<vmem>>) offsets(%dma_start3A_1116 : memref<128xi32, #tpu.memory_space<vmem>>) semaphore(%arg9 : memref<!tpu.dma_semaphore, #tpu.memory_space<semaphore_mem>>)
      %dma_start3A_1120 = arith.constant 896 : i32
      %dma_start3A_1121 = arith.constant 0 : i32
      %dma_start3A_1122 = tpu.memref_slice %arg6[%dma_start3A_1120, %dma_start3A_1121] : memref<1280x32xf32, #tpu.memory_space<vmem>> -> memref<128x32xf32, #tpu.memory_space<vmem>>
      %dma_start3A_1123 = arith.constant 0 : i32
      %dma_start3A_1124 = tpu.memref_slice %arg5[%add3A_1093, %dma_start3A_1123] : memref<130x128xi32, #tpu.memory_space<vmem>> -> memref<1x128xi32, #tpu.memory_space<vmem>>
      %dma_start3A_1125 = tpu.memref_squeeze %dma_start3A_1124 : memref<1x128xi32, #tpu.memory_space<vmem>> -> memref<128xi32, #tpu.memory_space<vmem>>
      %dma_start3A_1126 = arith.constant 0 : i32
      %dma_start3A_1127 = arith.constant 0 : i32
      %dma_start3A_1128 = tpu.memref_slice %arg3[%dma_start3A_1126, %dma_start3A_1127] : memref<2600000x32xf32, #tpu.memory_space<hbm>> -> memref<2600000x32xf32, #tpu.memory_space<hbm>>
      tpu.enqueue_indirect_dma source(%dma_start3A_1128 : memref<2600000x32xf32, #tpu.memory_space<hbm>>) target(%dma_start3A_1122 : memref<128x32xf32, #tpu.memory_space<vmem>>) offsets(%dma_start3A_1125 : memref<128xi32, #tpu.memory_space<vmem>>) semaphore(%arg9 : memref<!tpu.dma_semaphore, #tpu.memory_space<semaphore_mem>>)
      %dma_start3A_1129 = arith.constant 1024 : i32
      %dma_start3A_1130 = arith.constant 0 : i32
      %dma_start3A_1131 = tpu.memref_slice %arg6[%dma_start3A_1129, %dma_start3A_1130] : memref<1280x32xf32, #tpu.memory_space<vmem>> -> memref<128x32xf32, #tpu.memory_space<vmem>>
      %dma_start3A_1132 = arith.constant 0 : i32
      %dma_start3A_1133 = tpu.memref_slice %arg5[%add3A_1097, %dma_start3A_1132] : memref<130x128xi32, #tpu.memory_space<vmem>> -> memref<1x128xi32, #tpu.memory_space<vmem>>
      %dma_start3A_1134 = tpu.memref_squeeze %dma_start3A_1133 : memref<1x128xi32, #tpu.memory_space<vmem>> -> memref<128xi32, #tpu.memory_space<vmem>>
      %dma_start3A_1135 = arith.constant 0 : i32
      %dma_start3A_1136 = arith.constant 0 : i32
      %dma_start3A_1137 = tpu.memref_slice %arg3[%dma_start3A_1135, %dma_start3A_1136] : memref<2600000x32xf32, #tpu.memory_space<hbm>> -> memref<2600000x32xf32, #tpu.memory_space<hbm>>
      tpu.enqueue_indirect_dma source(%dma_start3A_1137 : memref<2600000x32xf32, #tpu.memory_space<hbm>>) target(%dma_start3A_1131 : memref<128x32xf32, #tpu.memory_space<vmem>>) offsets(%dma_start3A_1134 : memref<128xi32, #tpu.memory_space<vmem>>) semaphore(%arg9 : memref<!tpu.dma_semaphore, #tpu.memory_space<semaphore_mem>>)
      %dma_start3A_1138 = arith.constant 1152 : i32
      %dma_start3A_1139 = arith.constant 0 : i32
      %dma_start3A_1140 = tpu.memref_slice %arg6[%dma_start3A_1138, %dma_start3A_1139] : memref<1280x32xf32, #tpu.memory_space<vmem>> -> memref<128x32xf32, #tpu.memory_space<vmem>>
      %dma_start3A_1141 = arith.constant 0 : i32
      %dma_start3A_1142 = tpu.memref_slice %arg5[%add3A_1101, %dma_start3A_1141] : memref<130x128xi32, #tpu.memory_space<vmem>> -> memref<1x128xi32, #tpu.memory_space<vmem>>
      %dma_start3A_1143 = tpu.memref_squeeze %dma_start3A_1142 : memref<1x128xi32, #tpu.memory_space<vmem>> -> memref<128xi32, #tpu.memory_space<vmem>>
      %dma_start3A_1144 = arith.constant 0 : i32
      %dma_start3A_1145 = arith.constant 0 : i32
      %dma_start3A_1146 = tpu.memref_slice %arg3[%dma_start3A_1144, %dma_start3A_1145] : memref<2600000x32xf32, #tpu.memory_space<hbm>> -> memref<2600000x32xf32, #tpu.memory_space<hbm>>
      tpu.enqueue_indirect_dma source(%dma_start3A_1146 : memref<2600000x32xf32, #tpu.memory_space<hbm>>) target(%dma_start3A_1140 : memref<128x32xf32, #tpu.memory_space<vmem>>) offsets(%dma_start3A_1143 : memref<128xi32, #tpu.memory_space<vmem>>) semaphore(%arg9 : memref<!tpu.dma_semaphore, #tpu.memory_space<semaphore_mem>>)
      %mul3A_1147 = arith.constant 5 : i32
      %mul3A_1148 = arith.muli %mul3A_617, %mul3A_1147 : i32
      %add3A_1149 = arith.constant 0 : i32
      %add3A_1150 = arith.addi %mul3A_1148, %add3A_1149 : i32
      %mul3A_1151 = arith.constant 5 : i32
      %mul3A_1152 = arith.muli %mul3A_617, %mul3A_1151 : i32
      %add3A_1153 = arith.constant 1 : i32
      %add3A_1154 = arith.addi %mul3A_1152, %add3A_1153 : i32
      %mul3A_1155 = arith.constant 5 : i32
      %mul3A_1156 = arith.muli %mul3A_617, %mul3A_1155 : i32
      %add3A_1157 = arith.constant 2 : i32
      %add3A_1158 = arith.addi %mul3A_1156, %add3A_1157 : i32
      %mul3A_1159 = arith.constant 5 : i32
      %mul3A_1160 = arith.muli %mul3A_617, %mul3A_1159 : i32
      %add3A_1161 = arith.constant 3 : i32
      %add3A_1162 = arith.addi %mul3A_1160, %add3A_1161 : i32
      %mul3A_1163 = arith.constant 5 : i32
      %mul3A_1164 = arith.muli %mul3A_617, %mul3A_1163 : i32
      %add3A_1165 = arith.constant 4 : i32
      %add3A_1166 = arith.addi %mul3A_1164, %add3A_1165 : i32
      %dma_wait3A = arith.constant 0 : i32
      %dma_wait3A_1167 = arith.constant 0 : i32
      %dma_wait3A_1168 = tpu.memref_slice %arg6[%dma_wait3A, %dma_wait3A_1167] : memref<1280x32xf32, #tpu.memory_space<vmem>> -> memref<128x32xf32, #tpu.memory_space<vmem>>
      %dma_wait3A_1169 = arith.constant 0 : i32
      %dma_wait3A_1170 = tpu.memref_slice %arg5[%add3A_1150, %dma_wait3A_1169] : memref<130x128xi32, #tpu.memory_space<vmem>> -> memref<1x128xi32, #tpu.memory_space<vmem>>
      %dma_wait3A_1171 = tpu.memref_squeeze %dma_wait3A_1170 : memref<1x128xi32, #tpu.memory_space<vmem>> -> memref<128xi32, #tpu.memory_space<vmem>>
      %dma_wait3A_1172 = arith.constant 0 : i32
      %dma_wait3A_1173 = arith.constant 0 : i32
      %dma_wait3A_1174 = tpu.memref_slice %arg3[%dma_wait3A_1172, %dma_wait3A_1173] : memref<2600000x32xf32, #tpu.memory_space<hbm>> -> memref<2600000x32xf32, #tpu.memory_space<hbm>>
      tpu.wait_indirect_dma semaphore(%arg8 : memref<!tpu.dma_semaphore, #tpu.memory_space<semaphore_mem>>) src(%dma_wait3A_1174 : memref<2600000x32xf32, #tpu.memory_space<hbm>>) dst(%dma_wait3A_1168 : memref<128x32xf32, #tpu.memory_space<vmem>>)
      %dma_wait3A_1175 = arith.constant 128 : i32
      %dma_wait3A_1176 = arith.constant 0 : i32
      %dma_wait3A_1177 = tpu.memref_slice %arg6[%dma_wait3A_1175, %dma_wait3A_1176] : memref<1280x32xf32, #tpu.memory_space<vmem>> -> memref<128x32xf32, #tpu.memory_space<vmem>>
      %dma_wait3A_1178 = arith.constant 0 : i32
      %dma_wait3A_1179 = tpu.memref_slice %arg5[%add3A_1154, %dma_wait3A_1178] : memref<130x128xi32, #tpu.memory_space<vmem>> -> memref<1x128xi32, #tpu.memory_space<vmem>>
      %dma_wait3A_1180 = tpu.memref_squeeze %dma_wait3A_1179 : memref<1x128xi32, #tpu.memory_space<vmem>> -> memref<128xi32, #tpu.memory_space<vmem>>
      %dma_wait3A_1181 = arith.constant 0 : i32
      %dma_wait3A_1182 = arith.constant 0 : i32
      %dma_wait3A_1183 = tpu.memref_slice %arg3[%dma_wait3A_1181, %dma_wait3A_1182] : memref<2600000x32xf32, #tpu.memory_space<hbm>> -> memref<2600000x32xf32, #tpu.memory_space<hbm>>
      tpu.wait_indirect_dma semaphore(%arg8 : memref<!tpu.dma_semaphore, #tpu.memory_space<semaphore_mem>>) src(%dma_wait3A_1183 : memref<2600000x32xf32, #tpu.memory_space<hbm>>) dst(%dma_wait3A_1177 : memref<128x32xf32, #tpu.memory_space<vmem>>)
      %dma_wait3A_1184 = arith.constant 256 : i32
      %dma_wait3A_1185 = arith.constant 0 : i32
      %dma_wait3A_1186 = tpu.memref_slice %arg6[%dma_wait3A_1184, %dma_wait3A_1185] : memref<1280x32xf32, #tpu.memory_space<vmem>> -> memref<128x32xf32, #tpu.memory_space<vmem>>
      %dma_wait3A_1187 = arith.constant 0 : i32
      %dma_wait3A_1188 = tpu.memref_slice %arg5[%add3A_1158, %dma_wait3A_1187] : memref<130x128xi32, #tpu.memory_space<vmem>> -> memref<1x128xi32, #tpu.memory_space<vmem>>
      %dma_wait3A_1189 = tpu.memref_squeeze %dma_wait3A_1188 : memref<1x128xi32, #tpu.memory_space<vmem>> -> memref<128xi32, #tpu.memory_space<vmem>>
      %dma_wait3A_1190 = arith.constant 0 : i32
      %dma_wait3A_1191 = arith.constant 0 : i32
      %dma_wait3A_1192 = tpu.memref_slice %arg3[%dma_wait3A_1190, %dma_wait3A_1191] : memref<2600000x32xf32, #tpu.memory_space<hbm>> -> memref<2600000x32xf32, #tpu.memory_space<hbm>>
      tpu.wait_indirect_dma semaphore(%arg8 : memref<!tpu.dma_semaphore, #tpu.memory_space<semaphore_mem>>) src(%dma_wait3A_1192 : memref<2600000x32xf32, #tpu.memory_space<hbm>>) dst(%dma_wait3A_1186 : memref<128x32xf32, #tpu.memory_space<vmem>>)
      %dma_wait3A_1193 = arith.constant 384 : i32
      %dma_wait3A_1194 = arith.constant 0 : i32
      %dma_wait3A_1195 = tpu.memref_slice %arg6[%dma_wait3A_1193, %dma_wait3A_1194] : memref<1280x32xf32, #tpu.memory_space<vmem>> -> memref<128x32xf32, #tpu.memory_space<vmem>>
      %dma_wait3A_1196 = arith.constant 0 : i32
      %dma_wait3A_1197 = tpu.memref_slice %arg5[%add3A_1162, %dma_wait3A_1196] : memref<130x128xi32, #tpu.memory_space<vmem>> -> memref<1x128xi32, #tpu.memory_space<vmem>>
      %dma_wait3A_1198 = tpu.memref_squeeze %dma_wait3A_1197 : memref<1x128xi32, #tpu.memory_space<vmem>> -> memref<128xi32, #tpu.memory_space<vmem>>
      %dma_wait3A_1199 = arith.constant 0 : i32
      %dma_wait3A_1200 = arith.constant 0 : i32
      %dma_wait3A_1201 = tpu.memref_slice %arg3[%dma_wait3A_1199, %dma_wait3A_1200] : memref<2600000x32xf32, #tpu.memory_space<hbm>> -> memref<2600000x32xf32, #tpu.memory_space<hbm>>
      tpu.wait_indirect_dma semaphore(%arg8 : memref<!tpu.dma_semaphore, #tpu.memory_space<semaphore_mem>>) src(%dma_wait3A_1201 : memref<2600000x32xf32, #tpu.memory_space<hbm>>) dst(%dma_wait3A_1195 : memref<128x32xf32, #tpu.memory_space<vmem>>)
      %dma_wait3A_1202 = arith.constant 512 : i32
      %dma_wait3A_1203 = arith.constant 0 : i32
      %dma_wait3A_1204 = tpu.memref_slice %arg6[%dma_wait3A_1202, %dma_wait3A_1203] : memref<1280x32xf32, #tpu.memory_space<vmem>> -> memref<128x32xf32, #tpu.memory_space<vmem>>
      %dma_wait3A_1205 = arith.constant 0 : i32
      %dma_wait3A_1206 = tpu.memref_slice %arg5[%add3A_1166, %dma_wait3A_1205] : memref<130x128xi32, #tpu.memory_space<vmem>> -> memref<1x128xi32, #tpu.memory_space<vmem>>
      %dma_wait3A_1207 = tpu.memref_squeeze %dma_wait3A_1206 : memref<1x128xi32, #tpu.memory_space<vmem>> -> memref<128xi32, #tpu.memory_space<vmem>>
      %dma_wait3A_1208 = arith.constant 0 : i32
      %dma_wait3A_1209 = arith.constant 0 : i32
      %dma_wait3A_1210 = tpu.memref_slice %arg3[%dma_wait3A_1208, %dma_wait3A_1209] : memref<2600000x32xf32, #tpu.memory_space<hbm>> -> memref<2600000x32xf32, #tpu.memory_space<hbm>>
      tpu.wait_indirect_dma semaphore(%arg8 : memref<!tpu.dma_semaphore, #tpu.memory_space<semaphore_mem>>) src(%dma_wait3A_1210 : memref<2600000x32xf32, #tpu.memory_space<hbm>>) dst(%dma_wait3A_1204 : memref<128x32xf32, #tpu.memory_space<vmem>>)
      %scan3A_1211 = arith.constant 0 : i32
      %scan3A_1212 = arith.constant 0 : i32
      %scan3A_1213 = arith.constant 32 : i32
      %scan3A_1214 = arith.addi %scan3A_1212, %scan3A_1213 : i32
      %scan3A_1215 = arith.constant 1 : i32
      scf.for %scan3A_1292 = %scan3A_1212 to %scan3A_1214 step %scan3A_1215  : i32 {
        %mul3A_1293 = arith.constant 20 : i32
        %mul3A_1294 = arith.muli %scan3A_1292, %mul3A_1293 : i32
        %add3A_1295 = arith.constant 0 : i32
        %add3A_1296 = arith.addi %add3A_1295, %mul3A_1294 : i32
        %get3A_1297 = arith.index_cast %add3A_1296 : i32 to index
        %get3A_1298 = arith.constant 0 : index
        %get3A_1299 = tpu.vector_load %arg6[%get3A_1297, %get3A_1298] {strides = array<i32>} : memref<1280x32xf32, #tpu.memory_space<vmem>>, vector<1x16xf32>,
        %get3A_1300 = vector.shape_cast %get3A_1299 : vector<1x16xf32> to vector<16xf32>
        %add3A_1301 = arith.constant 1 : i32
        %add3A_1302 = arith.addi %add3A_1296, %add3A_1301 : i32
        %get3A_1303 = arith.index_cast %add3A_1302 : i32 to index
        %get3A_1304 = arith.constant 0 : index
        %get3A_1305 = tpu.vector_load %arg6[%get3A_1303, %get3A_1304] {strides = array<i32>} : memref<1280x32xf32, #tpu.memory_space<vmem>>, vector<1x16xf32>,
        %get3A_1306 = vector.shape_cast %get3A_1305 : vector<1x16xf32> to vector<16xf32>
        %add3A_1307 = arith.addf %get3A_1300, %get3A_1306 : vector<16xf32>
        %add3A_1308 = arith.constant 2 : i32
        %add3A_1309 = arith.addi %add3A_1296, %add3A_1308 : i32
        %get3A_1310 = arith.index_cast %add3A_1309 : i32 to index
        %get3A_1311 = arith.constant 0 : index
        %get3A_1312 = tpu.vector_load %arg6[%get3A_1310, %get3A_1311] {strides = array<i32>} : memref<1280x32xf32, #tpu.memory_space<vmem>>, vector<1x16xf32>,
        %get3A_1313 = vector.shape_cast %get3A_1312 : vector<1x16xf32> to vector<16xf32>
        %add3A_1314 = arith.addf %add3A_1307, %get3A_1313 : vector<16xf32>
        %add3A_1315 = arith.constant 3 : i32
        %add3A_1316 = arith.addi %add3A_1296, %add3A_1315 : i32
        %get3A_1317 = arith.index_cast %add3A_1316 : i32 to index
        %get3A_1318 = arith.constant 0 : index
        %get3A_1319 = tpu.vector_load %arg6[%get3A_1317, %get3A_1318] {strides = array<i32>} : memref<1280x32xf32, #tpu.memory_space<vmem>>, vector<1x16xf32>,
        %get3A_1320 = vector.shape_cast %get3A_1319 : vector<1x16xf32> to vector<16xf32>
        %add3A_1321 = arith.addf %add3A_1314, %get3A_1320 : vector<16xf32>
        %add3A_1322 = arith.constant 4 : i32
        %add3A_1323 = arith.addi %add3A_1296, %add3A_1322 : i32
        %get3A_1324 = arith.index_cast %add3A_1323 : i32 to index
        %get3A_1325 = arith.constant 0 : index
        %get3A_1326 = tpu.vector_load %arg6[%get3A_1324, %get3A_1325] {strides = array<i32>} : memref<1280x32xf32, #tpu.memory_space<vmem>>, vector<1x16xf32>,
        %get3A_1327 = vector.shape_cast %get3A_1326 : vector<1x16xf32> to vector<16xf32>
        %add3A_1328 = arith.addf %add3A_1321, %get3A_1327 : vector<16xf32>
        %add3A_1329 = arith.constant 5 : i32
        %add3A_1330 = arith.addi %add3A_1296, %add3A_1329 : i32
        %get3A_1331 = arith.index_cast %add3A_1330 : i32 to index
        %get3A_1332 = arith.constant 0 : index
        %get3A_1333 = tpu.vector_load %arg6[%get3A_1331, %get3A_1332] {strides = array<i32>} : memref<1280x32xf32, #tpu.memory_space<vmem>>, vector<1x16xf32>,
        %get3A_1334 = vector.shape_cast %get3A_1333 : vector<1x16xf32> to vector<16xf32>
        %add3A_1335 = arith.addf %add3A_1328, %get3A_1334 : vector<16xf32>
        %add3A_1336 = arith.constant 6 : i32
        %add3A_1337 = arith.addi %add3A_1296, %add3A_1336 : i32
        %get3A_1338 = arith.index_cast %add3A_1337 : i32 to index
        %get3A_1339 = arith.constant 0 : index
        %get3A_1340 = tpu.vector_load %arg6[%get3A_1338, %get3A_1339] {strides = array<i32>} : memref<1280x32xf32, #tpu.memory_space<vmem>>, vector<1x16xf32>,
        %get3A_1341 = vector.shape_cast %get3A_1340 : vector<1x16xf32> to vector<16xf32>
        %add3A_1342 = arith.addf %add3A_1335, %get3A_1341 : vector<16xf32>
        %add3A_1343 = arith.constant 7 : i32
        %add3A_1344 = arith.addi %add3A_1296, %add3A_1343 : i32
        %get3A_1345 = arith.index_cast %add3A_1344 : i32 to index
        %get3A_1346 = arith.constant 0 : index
        %get3A_1347 = tpu.vector_load %arg6[%get3A_1345, %get3A_1346] {strides = array<i32>} : memref<1280x32xf32, #tpu.memory_space<vmem>>, vector<1x16xf32>,
        %get3A_1348 = vector.shape_cast %get3A_1347 : vector<1x16xf32> to vector<16xf32>
        %add3A_1349 = arith.addf %add3A_1342, %get3A_1348 : vector<16xf32>
        %add3A_1350 = arith.constant 8 : i32
        %add3A_1351 = arith.addi %add3A_1296, %add3A_1350 : i32
        %get3A_1352 = arith.index_cast %add3A_1351 : i32 to index
        %get3A_1353 = arith.constant 0 : index
        %get3A_1354 = tpu.vector_load %arg6[%get3A_1352, %get3A_1353] {strides = array<i32>} : memref<1280x32xf32, #tpu.memory_space<vmem>>, vector<1x16xf32>,
        %get3A_1355 = vector.shape_cast %get3A_1354 : vector<1x16xf32> to vector<16xf32>
        %add3A_1356 = arith.addf %add3A_1349, %get3A_1355 : vector<16xf32>
        %add3A_1357 = arith.constant 9 : i32
        %add3A_1358 = arith.addi %add3A_1296, %add3A_1357 : i32
        %get3A_1359 = arith.index_cast %add3A_1358 : i32 to index
        %get3A_1360 = arith.constant 0 : index
        %get3A_1361 = tpu.vector_load %arg6[%get3A_1359, %get3A_1360] {strides = array<i32>} : memref<1280x32xf32, #tpu.memory_space<vmem>>, vector<1x16xf32>,
        %get3A_1362 = vector.shape_cast %get3A_1361 : vector<1x16xf32> to vector<16xf32>
        %add3A_1363 = arith.addf %add3A_1356, %get3A_1362 : vector<16xf32>
        %add3A_1364 = arith.constant 10 : i32
        %add3A_1365 = arith.addi %add3A_1296, %add3A_1364 : i32
        %get3A_1366 = arith.index_cast %add3A_1365 : i32 to index
        %get3A_1367 = arith.constant 0 : index
        %get3A_1368 = tpu.vector_load %arg6[%get3A_1366, %get3A_1367] {strides = array<i32>} : memref<1280x32xf32, #tpu.memory_space<vmem>>, vector<1x16xf32>,
        %get3A_1369 = vector.shape_cast %get3A_1368 : vector<1x16xf32> to vector<16xf32>
        %add3A_1370 = arith.addf %add3A_1363, %get3A_1369 : vector<16xf32>
        %add3A_1371 = arith.constant 11 : i32
        %add3A_1372 = arith.addi %add3A_1296, %add3A_1371 : i32
        %get3A_1373 = arith.index_cast %add3A_1372 : i32 to index
        %get3A_1374 = arith.constant 0 : index
        %get3A_1375 = tpu.vector_load %arg6[%get3A_1373, %get3A_1374] {strides = array<i32>} : memref<1280x32xf32, #tpu.memory_space<vmem>>, vector<1x16xf32>,
        %get3A_1376 = vector.shape_cast %get3A_1375 : vector<1x16xf32> to vector<16xf32>
        %add3A_1377 = arith.addf %add3A_1370, %get3A_1376 : vector<16xf32>
        %add3A_1378 = arith.constant 12 : i32
        %add3A_1379 = arith.addi %add3A_1296, %add3A_1378 : i32
        %get3A_1380 = arith.index_cast %add3A_1379 : i32 to index
        %get3A_1381 = arith.constant 0 : index
        %get3A_1382 = tpu.vector_load %arg6[%get3A_1380, %get3A_1381] {strides = array<i32>} : memref<1280x32xf32, #tpu.memory_space<vmem>>, vector<1x16xf32>,
        %get3A_1383 = vector.shape_cast %get3A_1382 : vector<1x16xf32> to vector<16xf32>
        %add3A_1384 = arith.addf %add3A_1377, %get3A_1383 : vector<16xf32>
        %add3A_1385 = arith.constant 13 : i32
        %add3A_1386 = arith.addi %add3A_1296, %add3A_1385 : i32
        %get3A_1387 = arith.index_cast %add3A_1386 : i32 to index
        %get3A_1388 = arith.constant 0 : index
        %get3A_1389 = tpu.vector_load %arg6[%get3A_1387, %get3A_1388] {strides = array<i32>} : memref<1280x32xf32, #tpu.memory_space<vmem>>, vector<1x16xf32>,
        %get3A_1390 = vector.shape_cast %get3A_1389 : vector<1x16xf32> to vector<16xf32>
        %add3A_1391 = arith.addf %add3A_1384, %get3A_1390 : vector<16xf32>
        %add3A_1392 = arith.constant 14 : i32
        %add3A_1393 = arith.addi %add3A_1296, %add3A_1392 : i32
        %get3A_1394 = arith.index_cast %add3A_1393 : i32 to index
        %get3A_1395 = arith.constant 0 : index
        %get3A_1396 = tpu.vector_load %arg6[%get3A_1394, %get3A_1395] {strides = array<i32>} : memref<1280x32xf32, #tpu.memory_space<vmem>>, vector<1x16xf32>,
        %get3A_1397 = vector.shape_cast %get3A_1396 : vector<1x16xf32> to vector<16xf32>
        %add3A_1398 = arith.addf %add3A_1391, %get3A_1397 : vector<16xf32>
        %add3A_1399 = arith.constant 15 : i32
        %add3A_1400 = arith.addi %add3A_1296, %add3A_1399 : i32
        %get3A_1401 = arith.index_cast %add3A_1400 : i32 to index
        %get3A_1402 = arith.constant 0 : index
        %get3A_1403 = tpu.vector_load %arg6[%get3A_1401, %get3A_1402] {strides = array<i32>} : memref<1280x32xf32, #tpu.memory_space<vmem>>, vector<1x16xf32>,
        %get3A_1404 = vector.shape_cast %get3A_1403 : vector<1x16xf32> to vector<16xf32>
        %add3A_1405 = arith.addf %add3A_1398, %get3A_1404 : vector<16xf32>
        %add3A_1406 = arith.constant 16 : i32
        %add3A_1407 = arith.addi %add3A_1296, %add3A_1406 : i32
        %get3A_1408 = arith.index_cast %add3A_1407 : i32 to index
        %get3A_1409 = arith.constant 0 : index
        %get3A_1410 = tpu.vector_load %arg6[%get3A_1408, %get3A_1409] {strides = array<i32>} : memref<1280x32xf32, #tpu.memory_space<vmem>>, vector<1x16xf32>,
        %get3A_1411 = vector.shape_cast %get3A_1410 : vector<1x16xf32> to vector<16xf32>
        %add3A_1412 = arith.addf %add3A_1405, %get3A_1411 : vector<16xf32>
        %add3A_1413 = arith.constant 17 : i32
        %add3A_1414 = arith.addi %add3A_1296, %add3A_1413 : i32
        %get3A_1415 = arith.index_cast %add3A_1414 : i32 to index
        %get3A_1416 = arith.constant 0 : index
        %get3A_1417 = tpu.vector_load %arg6[%get3A_1415, %get3A_1416] {strides = array<i32>} : memref<1280x32xf32, #tpu.memory_space<vmem>>, vector<1x16xf32>,
        %get3A_1418 = vector.shape_cast %get3A_1417 : vector<1x16xf32> to vector<16xf32>
        %add3A_1419 = arith.addf %add3A_1412, %get3A_1418 : vector<16xf32>
        %add3A_1420 = arith.constant 18 : i32
        %add3A_1421 = arith.addi %add3A_1296, %add3A_1420 : i32
        %get3A_1422 = arith.index_cast %add3A_1421 : i32 to index
        %get3A_1423 = arith.constant 0 : index
        %get3A_1424 = tpu.vector_load %arg6[%get3A_1422, %get3A_1423] {strides = array<i32>} : memref<1280x32xf32, #tpu.memory_space<vmem>>, vector<1x16xf32>,
        %get3A_1425 = vector.shape_cast %get3A_1424 : vector<1x16xf32> to vector<16xf32>
        %add3A_1426 = arith.addf %add3A_1419, %get3A_1425 : vector<16xf32>
        %add3A_1427 = arith.constant 19 : i32
        %add3A_1428 = arith.addi %add3A_1296, %add3A_1427 : i32
        %get3A_1429 = arith.index_cast %add3A_1428 : i32 to index
        %get3A_1430 = arith.constant 0 : index
        %get3A_1431 = tpu.vector_load %arg6[%get3A_1429, %get3A_1430] {strides = array<i32>} : memref<1280x32xf32, #tpu.memory_space<vmem>>, vector<1x16xf32>,
        %get3A_1432 = vector.shape_cast %get3A_1431 : vector<1x16xf32> to vector<16xf32>
        %add3A_1433 = arith.addf %add3A_1426, %get3A_1432 : vector<16xf32>
        %mul3A_1434 = arith.constant 32 : i32
        %mul3A_1435 = arith.muli %mul3A_617, %mul3A_1434 : i32
        %add3A_1436 = arith.constant 0 : i32
        %add3A_1437 = arith.addi %mul3A_1435, %add3A_1436 : i32
        %swap3A_1438 = arith.index_cast %scan3A_1292 : i32 to index
        %swap3A_1439 = arith.index_cast %add3A_1437 : i32 to index
        %swap3A_1440 = tpu.vector_load %arg7[%swap3A_1438, %swap3A_1439] {strides = array<i32>} : memref<32x832xf32, #tpu.memory_space<vmem>>, vector<1x16xf32>,
        %swap3A_1441 = vector.shape_cast %swap3A_1440 : vector<1x16xf32> to vector<16xf32>
        %swap3A_1442 = vector.shape_cast %add3A_1433 : vector<16xf32> to vector<1x16xf32>
        tpu.vector_store %arg7[%swap3A_1438, %swap3A_1439], %swap3A_1442 {strides = array<i32>} : memref<32x832xf32, #tpu.memory_space<vmem>>, vector<1x16xf32>,
        %get3A_1443 = arith.index_cast %add3A_1296 : i32 to index
        %get3A_1444 = arith.constant 16 : index
        %get3A_1445 = tpu.vector_load %arg6[%get3A_1443, %get3A_1444] {strides = array<i32>} : memref<1280x32xf32, #tpu.memory_space<vmem>>, vector<1x16xf32>,
        %get3A_1446 = vector.shape_cast %get3A_1445 : vector<1x16xf32> to vector<16xf32>
        %add3A_1447 = arith.constant 1 : i32
        %add3A_1448 = arith.addi %add3A_1296, %add3A_1447 : i32
        %get3A_1449 = arith.index_cast %add3A_1448 : i32 to index
        %get3A_1450 = arith.constant 16 : index
        %get3A_1451 = tpu.vector_load %arg6[%get3A_1449, %get3A_1450] {strides = array<i32>} : memref<1280x32xf32, #tpu.memory_space<vmem>>, vector<1x16xf32>,
        %get3A_1452 = vector.shape_cast %get3A_1451 : vector<1x16xf32> to vector<16xf32>
        %add3A_1453 = arith.addf %get3A_1446, %get3A_1452 : vector<16xf32>
        %add3A_1454 = arith.constant 2 : i32
        %add3A_1455 = arith.addi %add3A_1296, %add3A_1454 : i32
        %get3A_1456 = arith.index_cast %add3A_1455 : i32 to index
        %get3A_1457 = arith.constant 16 : index
        %get3A_1458 = tpu.vector_load %arg6[%get3A_1456, %get3A_1457] {strides = array<i32>} : memref<1280x32xf32, #tpu.memory_space<vmem>>, vector<1x16xf32>,
        %get3A_1459 = vector.shape_cast %get3A_1458 : vector<1x16xf32> to vector<16xf32>
        %add3A_1460 = arith.addf %add3A_1453, %get3A_1459 : vector<16xf32>
        %add3A_1461 = arith.constant 3 : i32
        %add3A_1462 = arith.addi %add3A_1296, %add3A_1461 : i32
        %get3A_1463 = arith.index_cast %add3A_1462 : i32 to index
        %get3A_1464 = arith.constant 16 : index
        %get3A_1465 = tpu.vector_load %arg6[%get3A_1463, %get3A_1464] {strides = array<i32>} : memref<1280x32xf32, #tpu.memory_space<vmem>>, vector<1x16xf32>,
        %get3A_1466 = vector.shape_cast %get3A_1465 : vector<1x16xf32> to vector<16xf32>
        %add3A_1467 = arith.addf %add3A_1460, %get3A_1466 : vector<16xf32>
        %add3A_1468 = arith.constant 4 : i32
        %add3A_1469 = arith.addi %add3A_1296, %add3A_1468 : i32
        %get3A_1470 = arith.index_cast %add3A_1469 : i32 to index
        %get3A_1471 = arith.constant 16 : index
        %get3A_1472 = tpu.vector_load %arg6[%get3A_1470, %get3A_1471] {strides = array<i32>} : memref<1280x32xf32, #tpu.memory_space<vmem>>, vector<1x16xf32>,
        %get3A_1473 = vector.shape_cast %get3A_1472 : vector<1x16xf32> to vector<16xf32>
        %add3A_1474 = arith.addf %add3A_1467, %get3A_1473 : vector<16xf32>
        %add3A_1475 = arith.constant 5 : i32
        %add3A_1476 = arith.addi %add3A_1296, %add3A_1475 : i32
        %get3A_1477 = arith.index_cast %add3A_1476 : i32 to index
        %get3A_1478 = arith.constant 16 : index
        %get3A_1479 = tpu.vector_load %arg6[%get3A_1477, %get3A_1478] {strides = array<i32>} : memref<1280x32xf32, #tpu.memory_space<vmem>>, vector<1x16xf32>,
        %get3A_1480 = vector.shape_cast %get3A_1479 : vector<1x16xf32> to vector<16xf32>
        %add3A_1481 = arith.addf %add3A_1474, %get3A_1480 : vector<16xf32>
        %add3A_1482 = arith.constant 6 : i32
        %add3A_1483 = arith.addi %add3A_1296, %add3A_1482 : i32
        %get3A_1484 = arith.index_cast %add3A_1483 : i32 to index
        %get3A_1485 = arith.constant 16 : index
        %get3A_1486 = tpu.vector_load %arg6[%get3A_1484, %get3A_1485] {strides = array<i32>} : memref<1280x32xf32, #tpu.memory_space<vmem>>, vector<1x16xf32>,
        %get3A_1487 = vector.shape_cast %get3A_1486 : vector<1x16xf32> to vector<16xf32>
        %add3A_1488 = arith.addf %add3A_1481, %get3A_1487 : vector<16xf32>
        %add3A_1489 = arith.constant 7 : i32
        %add3A_1490 = arith.addi %add3A_1296, %add3A_1489 : i32
        %get3A_1491 = arith.index_cast %add3A_1490 : i32 to index
        %get3A_1492 = arith.constant 16 : index
        %get3A_1493 = tpu.vector_load %arg6[%get3A_1491, %get3A_1492] {strides = array<i32>} : memref<1280x32xf32, #tpu.memory_space<vmem>>, vector<1x16xf32>,
        %get3A_1494 = vector.shape_cast %get3A_1493 : vector<1x16xf32> to vector<16xf32>
        %add3A_1495 = arith.addf %add3A_1488, %get3A_1494 : vector<16xf32>
        %add3A_1496 = arith.constant 8 : i32
        %add3A_1497 = arith.addi %add3A_1296, %add3A_1496 : i32
        %get3A_1498 = arith.index_cast %add3A_1497 : i32 to index
        %get3A_1499 = arith.constant 16 : index
        %get3A_1500 = tpu.vector_load %arg6[%get3A_1498, %get3A_1499] {strides = array<i32>} : memref<1280x32xf32, #tpu.memory_space<vmem>>, vector<1x16xf32>,
        %get3A_1501 = vector.shape_cast %get3A_1500 : vector<1x16xf32> to vector<16xf32>
        %add3A_1502 = arith.addf %add3A_1495, %get3A_1501 : vector<16xf32>
        %add3A_1503 = arith.constant 9 : i32
        %add3A_1504 = arith.addi %add3A_1296, %add3A_1503 : i32
        %get3A_1505 = arith.index_cast %add3A_1504 : i32 to index
        %get3A_1506 = arith.constant 16 : index
        %get3A_1507 = tpu.vector_load %arg6[%get3A_1505, %get3A_1506] {strides = array<i32>} : memref<1280x32xf32, #tpu.memory_space<vmem>>, vector<1x16xf32>,
        %get3A_1508 = vector.shape_cast %get3A_1507 : vector<1x16xf32> to vector<16xf32>
        %add3A_1509 = arith.addf %add3A_1502, %get3A_1508 : vector<16xf32>
        %add3A_1510 = arith.constant 10 : i32
        %add3A_1511 = arith.addi %add3A_1296, %add3A_1510 : i32
        %get3A_1512 = arith.index_cast %add3A_1511 : i32 to index
        %get3A_1513 = arith.constant 16 : index
        %get3A_1514 = tpu.vector_load %arg6[%get3A_1512, %get3A_1513] {strides = array<i32>} : memref<1280x32xf32, #tpu.memory_space<vmem>>, vector<1x16xf32>,
        %get3A_1515 = vector.shape_cast %get3A_1514 : vector<1x16xf32> to vector<16xf32>
        %add3A_1516 = arith.addf %add3A_1509, %get3A_1515 : vector<16xf32>
        %add3A_1517 = arith.constant 11 : i32
        %add3A_1518 = arith.addi %add3A_1296, %add3A_1517 : i32
        %get3A_1519 = arith.index_cast %add3A_1518 : i32 to index
        %get3A_1520 = arith.constant 16 : index
        %get3A_1521 = tpu.vector_load %arg6[%get3A_1519, %get3A_1520] {strides = array<i32>} : memref<1280x32xf32, #tpu.memory_space<vmem>>, vector<1x16xf32>,
        %get3A_1522 = vector.shape_cast %get3A_1521 : vector<1x16xf32> to vector<16xf32>
        %add3A_1523 = arith.addf %add3A_1516, %get3A_1522 : vector<16xf32>
        %add3A_1524 = arith.constant 12 : i32
        %add3A_1525 = arith.addi %add3A_1296, %add3A_1524 : i32
        %get3A_1526 = arith.index_cast %add3A_1525 : i32 to index
        %get3A_1527 = arith.constant 16 : index
        %get3A_1528 = tpu.vector_load %arg6[%get3A_1526, %get3A_1527] {strides = array<i32>} : memref<1280x32xf32, #tpu.memory_space<vmem>>, vector<1x16xf32>,
        %get3A_1529 = vector.shape_cast %get3A_1528 : vector<1x16xf32> to vector<16xf32>
        %add3A_1530 = arith.addf %add3A_1523, %get3A_1529 : vector<16xf32>
        %add3A_1531 = arith.constant 13 : i32
        %add3A_1532 = arith.addi %add3A_1296, %add3A_1531 : i32
        %get3A_1533 = arith.index_cast %add3A_1532 : i32 to index
        %get3A_1534 = arith.constant 16 : index
        %get3A_1535 = tpu.vector_load %arg6[%get3A_1533, %get3A_1534] {strides = array<i32>} : memref<1280x32xf32, #tpu.memory_space<vmem>>, vector<1x16xf32>,
        %get3A_1536 = vector.shape_cast %get3A_1535 : vector<1x16xf32> to vector<16xf32>
        %add3A_1537 = arith.addf %add3A_1530, %get3A_1536 : vector<16xf32>
        %add3A_1538 = arith.constant 14 : i32
        %add3A_1539 = arith.addi %add3A_1296, %add3A_1538 : i32
        %get3A_1540 = arith.index_cast %add3A_1539 : i32 to index
        %get3A_1541 = arith.constant 16 : index
        %get3A_1542 = tpu.vector_load %arg6[%get3A_1540, %get3A_1541] {strides = array<i32>} : memref<1280x32xf32, #tpu.memory_space<vmem>>, vector<1x16xf32>,
        %get3A_1543 = vector.shape_cast %get3A_1542 : vector<1x16xf32> to vector<16xf32>
        %add3A_1544 = arith.addf %add3A_1537, %get3A_1543 : vector<16xf32>
        %add3A_1545 = arith.constant 15 : i32
        %add3A_1546 = arith.addi %add3A_1296, %add3A_1545 : i32
        %get3A_1547 = arith.index_cast %add3A_1546 : i32 to index
        %get3A_1548 = arith.constant 16 : index
        %get3A_1549 = tpu.vector_load %arg6[%get3A_1547, %get3A_1548] {strides = array<i32>} : memref<1280x32xf32, #tpu.memory_space<vmem>>, vector<1x16xf32>,
        %get3A_1550 = vector.shape_cast %get3A_1549 : vector<1x16xf32> to vector<16xf32>
        %add3A_1551 = arith.addf %add3A_1544, %get3A_1550 : vector<16xf32>
        %add3A_1552 = arith.constant 16 : i32
        %add3A_1553 = arith.addi %add3A_1296, %add3A_1552 : i32
        %get3A_1554 = arith.index_cast %add3A_1553 : i32 to index
        %get3A_1555 = arith.constant 16 : index
        %get3A_1556 = tpu.vector_load %arg6[%get3A_1554, %get3A_1555] {strides = array<i32>} : memref<1280x32xf32, #tpu.memory_space<vmem>>, vector<1x16xf32>,
        %get3A_1557 = vector.shape_cast %get3A_1556 : vector<1x16xf32> to vector<16xf32>
        %add3A_1558 = arith.addf %add3A_1551, %get3A_1557 : vector<16xf32>
        %add3A_1559 = arith.constant 17 : i32
        %add3A_1560 = arith.addi %add3A_1296, %add3A_1559 : i32
        %get3A_1561 = arith.index_cast %add3A_1560 : i32 to index
        %get3A_1562 = arith.constant 16 : index
        %get3A_1563 = tpu.vector_load %arg6[%get3A_1561, %get3A_1562] {strides = array<i32>} : memref<1280x32xf32, #tpu.memory_space<vmem>>, vector<1x16xf32>,
        %get3A_1564 = vector.shape_cast %get3A_1563 : vector<1x16xf32> to vector<16xf32>
        %add3A_1565 = arith.addf %add3A_1558, %get3A_1564 : vector<16xf32>
        %add3A_1566 = arith.constant 18 : i32
        %add3A_1567 = arith.addi %add3A_1296, %add3A_1566 : i32
        %get3A_1568 = arith.index_cast %add3A_1567 : i32 to index
        %get3A_1569 = arith.constant 16 : index
        %get3A_1570 = tpu.vector_load %arg6[%get3A_1568, %get3A_1569] {strides = array<i32>} : memref<1280x32xf32, #tpu.memory_space<vmem>>, vector<1x16xf32>,
        %get3A_1571 = vector.shape_cast %get3A_1570 : vector<1x16xf32> to vector<16xf32>
        %add3A_1572 = arith.addf %add3A_1565, %get3A_1571 : vector<16xf32>
        %add3A_1573 = arith.constant 19 : i32
        %add3A_1574 = arith.addi %add3A_1296, %add3A_1573 : i32
        %get3A_1575 = arith.index_cast %add3A_1574 : i32 to index
        %get3A_1576 = arith.constant 16 : index
        %get3A_1577 = tpu.vector_load %arg6[%get3A_1575, %get3A_1576] {strides = array<i32>} : memref<1280x32xf32, #tpu.memory_space<vmem>>, vector<1x16xf32>,
        %get3A_1578 = vector.shape_cast %get3A_1577 : vector<1x16xf32> to vector<16xf32>
        %add3A_1579 = arith.addf %add3A_1572, %get3A_1578 : vector<16xf32>
        %mul3A_1580 = arith.constant 32 : i32
        %mul3A_1581 = arith.muli %mul3A_617, %mul3A_1580 : i32
        %add3A_1582 = arith.constant 16 : i32
        %add3A_1583 = arith.addi %mul3A_1581, %add3A_1582 : i32
        %swap3A_1584 = arith.index_cast %scan3A_1292 : i32 to index
        %swap3A_1585 = arith.index_cast %add3A_1583 : i32 to index
        %swap3A_1586 = tpu.vector_load %arg7[%swap3A_1584, %swap3A_1585] {strides = array<i32>} : memref<32x832xf32, #tpu.memory_space<vmem>>, vector<1x16xf32>,
        %swap3A_1587 = vector.shape_cast %swap3A_1586 : vector<1x16xf32> to vector<16xf32>
        %swap3A_1588 = vector.shape_cast %add3A_1579 : vector<16xf32> to vector<1x16xf32>
        tpu.vector_store %arg7[%swap3A_1584, %swap3A_1585], %swap3A_1588 {strides = array<i32>} : memref<32x832xf32, #tpu.memory_space<vmem>>, vector<1x16xf32>,
      }
      %scan3A_1216 = arith.constant 32 : i32
      %add3A_1217 = arith.constant 2 : i32
      %add3A_1218 = arith.addi %mul3A_617, %add3A_1217 : i32
      %lt3A = arith.constant 26 : i32
      %lt3A_1219 = arith.cmpi slt, %add3A_1218, %lt3A : i32
      %convert_element_type3A = arith.extui %lt3A_1219 : i1 to i32
      %cond3A = arith.constant 0 : i32
      %cond3A_1220 = arith.cmpi ne, %convert_element_type3A, %cond3A : i32
      scf.if %cond3A_1220 {
        %add3A_1292 = arith.constant 2 : i32
        %add3A_1293 = arith.addi %mul3A_617, %add3A_1292 : i32
        %mul3A_1294 = arith.constant 100000 : i32
        %mul3A_1295 = arith.muli %add3A_1293, %mul3A_1294 : i32
        %mul3A_1296 = arith.constant 5 : i32
        %mul3A_1297 = arith.muli %add3A_1293, %mul3A_1296 : i32
        %add3A_1298 = arith.constant 0 : i32
        %add3A_1299 = arith.addi %mul3A_1297, %add3A_1298 : i32
        %get3A_1300 = arith.index_cast %add3A_1299 : i32 to index
        %get3A_1301 = arith.constant 0 : index
        %get3A_1302 = tpu.vector_load %arg5[%get3A_1300, %get3A_1301] {strides = array<i32>} : memref<130x128xi32, #tpu.memory_space<vmem>>, vector<1x16xi32>,
        %get3A_1303 = vector.shape_cast %get3A_1302 : vector<1x16xi32> to vector<16xi32>
        %add3A_1304 = vector.broadcast %mul3A_1295 : i32 to vector<16xi32>
        %add3A_1305 = arith.addi %get3A_1303, %add3A_1304 : vector<16xi32>
        %swap3A_1306 = arith.index_cast %add3A_1299 : i32 to index
        %swap3A_1307 = arith.constant 0 : index
        %swap3A_1308 = tpu.vector_load %arg5[%swap3A_1306, %swap3A_1307] {strides = array<i32>} : memref<130x128xi32, #tpu.memory_space<vmem>>, vector<1x16xi32>,
        %swap3A_1309 = vector.shape_cast %swap3A_1308 : vector<1x16xi32> to vector<16xi32>
        %swap3A_1310 = vector.shape_cast %add3A_1305 : vector<16xi32> to vector<1x16xi32>
        tpu.vector_store %arg5[%swap3A_1306, %swap3A_1307], %swap3A_1310 {strides = array<i32>} : memref<130x128xi32, #tpu.memory_space<vmem>>, vector<1x16xi32>,
        %get3A_1311 = arith.index_cast %add3A_1299 : i32 to index
        %get3A_1312 = arith.constant 16 : index
        %get3A_1313 = tpu.vector_load %arg5[%get3A_1311, %get3A_1312] {strides = array<i32>} : memref<130x128xi32, #tpu.memory_space<vmem>>, vector<1x16xi32>,
        %get3A_1314 = vector.shape_cast %get3A_1313 : vector<1x16xi32> to vector<16xi32>
        %add3A_1315 = vector.broadcast %mul3A_1295 : i32 to vector<16xi32>
        %add3A_1316 = arith.addi %get3A_1314, %add3A_1315 : vector<16xi32>
        %swap3A_1317 = arith.index_cast %add3A_1299 : i32 to index
        %swap3A_1318 = arith.constant 16 : index
        %swap3A_1319 = tpu.vector_load %arg5[%swap3A_1317, %swap3A_1318] {strides = array<i32>} : memref<130x128xi32, #tpu.memory_space<vmem>>, vector<1x16xi32>,
        %swap3A_1320 = vector.shape_cast %swap3A_1319 : vector<1x16xi32> to vector<16xi32>
        %swap3A_1321 = vector.shape_cast %add3A_1316 : vector<16xi32> to vector<1x16xi32>
        tpu.vector_store %arg5[%swap3A_1317, %swap3A_1318], %swap3A_1321 {strides = array<i32>} : memref<130x128xi32, #tpu.memory_space<vmem>>, vector<1x16xi32>,
        %get3A_1322 = arith.index_cast %add3A_1299 : i32 to index
        %get3A_1323 = arith.constant 32 : index
        %get3A_1324 = tpu.vector_load %arg5[%get3A_1322, %get3A_1323] {strides = array<i32>} : memref<130x128xi32, #tpu.memory_space<vmem>>, vector<1x16xi32>,
        %get3A_1325 = vector.shape_cast %get3A_1324 : vector<1x16xi32> to vector<16xi32>
        %add3A_1326 = vector.broadcast %mul3A_1295 : i32 to vector<16xi32>
        %add3A_1327 = arith.addi %get3A_1325, %add3A_1326 : vector<16xi32>
        %swap3A_1328 = arith.index_cast %add3A_1299 : i32 to index
        %swap3A_1329 = arith.constant 32 : index
        %swap3A_1330 = tpu.vector_load %arg5[%swap3A_1328, %swap3A_1329] {strides = array<i32>} : memref<130x128xi32, #tpu.memory_space<vmem>>, vector<1x16xi32>,
        %swap3A_1331 = vector.shape_cast %swap3A_1330 : vector<1x16xi32> to vector<16xi32>
        %swap3A_1332 = vector.shape_cast %add3A_1327 : vector<16xi32> to vector<1x16xi32>
        tpu.vector_store %arg5[%swap3A_1328, %swap3A_1329], %swap3A_1332 {strides = array<i32>} : memref<130x128xi32, #tpu.memory_space<vmem>>, vector<1x16xi32>,
        %get3A_1333 = arith.index_cast %add3A_1299 : i32 to index
        %get3A_1334 = arith.constant 48 : index
        %get3A_1335 = tpu.vector_load %arg5[%get3A_1333, %get3A_1334] {strides = array<i32>} : memref<130x128xi32, #tpu.memory_space<vmem>>, vector<1x16xi32>,
        %get3A_1336 = vector.shape_cast %get3A_1335 : vector<1x16xi32> to vector<16xi32>
        %add3A_1337 = vector.broadcast %mul3A_1295 : i32 to vector<16xi32>
        %add3A_1338 = arith.addi %get3A_1336, %add3A_1337 : vector<16xi32>
        %swap3A_1339 = arith.index_cast %add3A_1299 : i32 to index
        %swap3A_1340 = arith.constant 48 : index
        %swap3A_1341 = tpu.vector_load %arg5[%swap3A_1339, %swap3A_1340] {strides = array<i32>} : memref<130x128xi32, #tpu.memory_space<vmem>>, vector<1x16xi32>,
        %swap3A_1342 = vector.shape_cast %swap3A_1341 : vector<1x16xi32> to vector<16xi32>
        %swap3A_1343 = vector.shape_cast %add3A_1338 : vector<16xi32> to vector<1x16xi32>
        tpu.vector_store %arg5[%swap3A_1339, %swap3A_1340], %swap3A_1343 {strides = array<i32>} : memref<130x128xi32, #tpu.memory_space<vmem>>, vector<1x16xi32>,
        %get3A_1344 = arith.index_cast %add3A_1299 : i32 to index
        %get3A_1345 = arith.constant 64 : index
        %get3A_1346 = tpu.vector_load %arg5[%get3A_1344, %get3A_1345] {strides = array<i32>} : memref<130x128xi32, #tpu.memory_space<vmem>>, vector<1x16xi32>,
        %get3A_1347 = vector.shape_cast %get3A_1346 : vector<1x16xi32> to vector<16xi32>
        %add3A_1348 = vector.broadcast %mul3A_1295 : i32 to vector<16xi32>
        %add3A_1349 = arith.addi %get3A_1347, %add3A_1348 : vector<16xi32>
        %swap3A_1350 = arith.index_cast %add3A_1299 : i32 to index
        %swap3A_1351 = arith.constant 64 : index
        %swap3A_1352 = tpu.vector_load %arg5[%swap3A_1350, %swap3A_1351] {strides = array<i32>} : memref<130x128xi32, #tpu.memory_space<vmem>>, vector<1x16xi32>,
        %swap3A_1353 = vector.shape_cast %swap3A_1352 : vector<1x16xi32> to vector<16xi32>
        %swap3A_1354 = vector.shape_cast %add3A_1349 : vector<16xi32> to vector<1x16xi32>
        tpu.vector_store %arg5[%swap3A_1350, %swap3A_1351], %swap3A_1354 {strides = array<i32>} : memref<130x128xi32, #tpu.memory_space<vmem>>, vector<1x16xi32>,
        %get3A_1355 = arith.index_cast %add3A_1299 : i32 to index
        %get3A_1356 = arith.constant 80 : index
        %get3A_1357 = tpu.vector_load %arg5[%get3A_1355, %get3A_1356] {strides = array<i32>} : memref<130x128xi32, #tpu.memory_space<vmem>>, vector<1x16xi32>,
        %get3A_1358 = vector.shape_cast %get3A_1357 : vector<1x16xi32> to vector<16xi32>
        %add3A_1359 = vector.broadcast %mul3A_1295 : i32 to vector<16xi32>
        %add3A_1360 = arith.addi %get3A_1358, %add3A_1359 : vector<16xi32>
        %swap3A_1361 = arith.index_cast %add3A_1299 : i32 to index
        %swap3A_1362 = arith.constant 80 : index
        %swap3A_1363 = tpu.vector_load %arg5[%swap3A_1361, %swap3A_1362] {strides = array<i32>} : memref<130x128xi32, #tpu.memory_space<vmem>>, vector<1x16xi32>,
        %swap3A_1364 = vector.shape_cast %swap3A_1363 : vector<1x16xi32> to vector<16xi32>
        %swap3A_1365 = vector.shape_cast %add3A_1360 : vector<16xi32> to vector<1x16xi32>
        tpu.vector_store %arg5[%swap3A_1361, %swap3A_1362], %swap3A_1365 {strides = array<i32>} : memref<130x128xi32, #tpu.memory_space<vmem>>, vector<1x16xi32>,
        %get3A_1366 = arith.index_cast %add3A_1299 : i32 to index
        %get3A_1367 = arith.constant 96 : index
        %get3A_1368 = tpu.vector_load %arg5[%get3A_1366, %get3A_1367] {strides = array<i32>} : memref<130x128xi32, #tpu.memory_space<vmem>>, vector<1x16xi32>,
        %get3A_1369 = vector.shape_cast %get3A_1368 : vector<1x16xi32> to vector<16xi32>
        %add3A_1370 = vector.broadcast %mul3A_1295 : i32 to vector<16xi32>
        %add3A_1371 = arith.addi %get3A_1369, %add3A_1370 : vector<16xi32>
        %swap3A_1372 = arith.index_cast %add3A_1299 : i32 to index
        %swap3A_1373 = arith.constant 96 : index
        %swap3A_1374 = tpu.vector_load %arg5[%swap3A_1372, %swap3A_1373] {strides = array<i32>} : memref<130x128xi32, #tpu.memory_space<vmem>>, vector<1x16xi32>,
        %swap3A_1375 = vector.shape_cast %swap3A_1374 : vector<1x16xi32> to vector<16xi32>
        %swap3A_1376 = vector.shape_cast %add3A_1371 : vector<16xi32> to vector<1x16xi32>
        tpu.vector_store %arg5[%swap3A_1372, %swap3A_1373], %swap3A_1376 {strides = array<i32>} : memref<130x128xi32, #tpu.memory_space<vmem>>, vector<1x16xi32>,
        %get3A_1377 = arith.index_cast %add3A_1299 : i32 to index
        %get3A_1378 = arith.constant 112 : index
        %get3A_1379 = tpu.vector_load %arg5[%get3A_1377, %get3A_1378] {strides = array<i32>} : memref<130x128xi32, #tpu.memory_space<vmem>>, vector<1x16xi32>,
        %get3A_1380 = vector.shape_cast %get3A_1379 : vector<1x16xi32> to vector<16xi32>
        %add3A_1381 = vector.broadcast %mul3A_1295 : i32 to vector<16xi32>
        %add3A_1382 = arith.addi %get3A_1380, %add3A_1381 : vector<16xi32>
        %swap3A_1383 = arith.index_cast %add3A_1299 : i32 to index
        %swap3A_1384 = arith.constant 112 : index
        %swap3A_1385 = tpu.vector_load %arg5[%swap3A_1383, %swap3A_1384] {strides = array<i32>} : memref<130x128xi32, #tpu.memory_space<vmem>>, vector<1x16xi32>,
        %swap3A_1386 = vector.shape_cast %swap3A_1385 : vector<1x16xi32> to vector<16xi32>
        %swap3A_1387 = vector.shape_cast %add3A_1382 : vector<16xi32> to vector<1x16xi32>
        tpu.vector_store %arg5[%swap3A_1383, %swap3A_1384], %swap3A_1387 {strides = array<i32>} : memref<130x128xi32, #tpu.memory_space<vmem>>, vector<1x16xi32>,
        %mul3A_1388 = arith.constant 5 : i32
        %mul3A_1389 = arith.muli %add3A_1293, %mul3A_1388 : i32
        %add3A_1390 = arith.constant 1 : i32
        %add3A_1391 = arith.addi %mul3A_1389, %add3A_1390 : i32
        %get3A_1392 = arith.index_cast %add3A_1391 : i32 to index
        %get3A_1393 = arith.constant 0 : index
        %get3A_1394 = tpu.vector_load %arg5[%get3A_1392, %get3A_1393] {strides = array<i32>} : memref<130x128xi32, #tpu.memory_space<vmem>>, vector<1x16xi32>,
        %get3A_1395 = vector.shape_cast %get3A_1394 : vector<1x16xi32> to vector<16xi32>
        %add3A_1396 = vector.broadcast %mul3A_1295 : i32 to vector<16xi32>
        %add3A_1397 = arith.addi %get3A_1395, %add3A_1396 : vector<16xi32>
        %swap3A_1398 = arith.index_cast %add3A_1391 : i32 to index
        %swap3A_1399 = arith.constant 0 : index
        %swap3A_1400 = tpu.vector_load %arg5[%swap3A_1398, %swap3A_1399] {strides = array<i32>} : memref<130x128xi32, #tpu.memory_space<vmem>>, vector<1x16xi32>,
        %swap3A_1401 = vector.shape_cast %swap3A_1400 : vector<1x16xi32> to vector<16xi32>
        %swap3A_1402 = vector.shape_cast %add3A_1397 : vector<16xi32> to vector<1x16xi32>
        tpu.vector_store %arg5[%swap3A_1398, %swap3A_1399], %swap3A_1402 {strides = array<i32>} : memref<130x128xi32, #tpu.memory_space<vmem>>, vector<1x16xi32>,
        %get3A_1403 = arith.index_cast %add3A_1391 : i32 to index
        %get3A_1404 = arith.constant 16 : index
        %get3A_1405 = tpu.vector_load %arg5[%get3A_1403, %get3A_1404] {strides = array<i32>} : memref<130x128xi32, #tpu.memory_space<vmem>>, vector<1x16xi32>,
        %get3A_1406 = vector.shape_cast %get3A_1405 : vector<1x16xi32> to vector<16xi32>
        %add3A_1407 = vector.broadcast %mul3A_1295 : i32 to vector<16xi32>
        %add3A_1408 = arith.addi %get3A_1406, %add3A_1407 : vector<16xi32>
        %swap3A_1409 = arith.index_cast %add3A_1391 : i32 to index
        %swap3A_1410 = arith.constant 16 : index
        %swap3A_1411 = tpu.vector_load %arg5[%swap3A_1409, %swap3A_1410] {strides = array<i32>} : memref<130x128xi32, #tpu.memory_space<vmem>>, vector<1x16xi32>,
        %swap3A_1412 = vector.shape_cast %swap3A_1411 : vector<1x16xi32> to vector<16xi32>
        %swap3A_1413 = vector.shape_cast %add3A_1408 : vector<16xi32> to vector<1x16xi32>
        tpu.vector_store %arg5[%swap3A_1409, %swap3A_1410], %swap3A_1413 {strides = array<i32>} : memref<130x128xi32, #tpu.memory_space<vmem>>, vector<1x16xi32>,
        %get3A_1414 = arith.index_cast %add3A_1391 : i32 to index
        %get3A_1415 = arith.constant 32 : index
        %get3A_1416 = tpu.vector_load %arg5[%get3A_1414, %get3A_1415] {strides = array<i32>} : memref<130x128xi32, #tpu.memory_space<vmem>>, vector<1x16xi32>,
        %get3A_1417 = vector.shape_cast %get3A_1416 : vector<1x16xi32> to vector<16xi32>
        %add3A_1418 = vector.broadcast %mul3A_1295 : i32 to vector<16xi32>
        %add3A_1419 = arith.addi %get3A_1417, %add3A_1418 : vector<16xi32>
        %swap3A_1420 = arith.index_cast %add3A_1391 : i32 to index
        %swap3A_1421 = arith.constant 32 : index
        %swap3A_1422 = tpu.vector_load %arg5[%swap3A_1420, %swap3A_1421] {strides = array<i32>} : memref<130x128xi32, #tpu.memory_space<vmem>>, vector<1x16xi32>,
        %swap3A_1423 = vector.shape_cast %swap3A_1422 : vector<1x16xi32> to vector<16xi32>
        %swap3A_1424 = vector.shape_cast %add3A_1419 : vector<16xi32> to vector<1x16xi32>
        tpu.vector_store %arg5[%swap3A_1420, %swap3A_1421], %swap3A_1424 {strides = array<i32>} : memref<130x128xi32, #tpu.memory_space<vmem>>, vector<1x16xi32>,
        %get3A_1425 = arith.index_cast %add3A_1391 : i32 to index
        %get3A_1426 = arith.constant 48 : index
        %get3A_1427 = tpu.vector_load %arg5[%get3A_1425, %get3A_1426] {strides = array<i32>} : memref<130x128xi32, #tpu.memory_space<vmem>>, vector<1x16xi32>,
        %get3A_1428 = vector.shape_cast %get3A_1427 : vector<1x16xi32> to vector<16xi32>
        %add3A_1429 = vector.broadcast %mul3A_1295 : i32 to vector<16xi32>
        %add3A_1430 = arith.addi %get3A_1428, %add3A_1429 : vector<16xi32>
        %swap3A_1431 = arith.index_cast %add3A_1391 : i32 to index
        %swap3A_1432 = arith.constant 48 : index
        %swap3A_1433 = tpu.vector_load %arg5[%swap3A_1431, %swap3A_1432] {strides = array<i32>} : memref<130x128xi32, #tpu.memory_space<vmem>>, vector<1x16xi32>,
        %swap3A_1434 = vector.shape_cast %swap3A_1433 : vector<1x16xi32> to vector<16xi32>
        %swap3A_1435 = vector.shape_cast %add3A_1430 : vector<16xi32> to vector<1x16xi32>
        tpu.vector_store %arg5[%swap3A_1431, %swap3A_1432], %swap3A_1435 {strides = array<i32>} : memref<130x128xi32, #tpu.memory_space<vmem>>, vector<1x16xi32>,
        %get3A_1436 = arith.index_cast %add3A_1391 : i32 to index
        %get3A_1437 = arith.constant 64 : index
        %get3A_1438 = tpu.vector_load %arg5[%get3A_1436, %get3A_1437] {strides = array<i32>} : memref<130x128xi32, #tpu.memory_space<vmem>>, vector<1x16xi32>,
        %get3A_1439 = vector.shape_cast %get3A_1438 : vector<1x16xi32> to vector<16xi32>
        %add3A_1440 = vector.broadcast %mul3A_1295 : i32 to vector<16xi32>
        %add3A_1441 = arith.addi %get3A_1439, %add3A_1440 : vector<16xi32>
        %swap3A_1442 = arith.index_cast %add3A_1391 : i32 to index
        %swap3A_1443 = arith.constant 64 : index
        %swap3A_1444 = tpu.vector_load %arg5[%swap3A_1442, %swap3A_1443] {strides = array<i32>} : memref<130x128xi32, #tpu.memory_space<vmem>>, vector<1x16xi32>,
        %swap3A_1445 = vector.shape_cast %swap3A_1444 : vector<1x16xi32> to vector<16xi32>
        %swap3A_1446 = vector.shape_cast %add3A_1441 : vector<16xi32> to vector<1x16xi32>
        tpu.vector_store %arg5[%swap3A_1442, %swap3A_1443], %swap3A_1446 {strides = array<i32>} : memref<130x128xi32, #tpu.memory_space<vmem>>, vector<1x16xi32>,
        %get3A_1447 = arith.index_cast %add3A_1391 : i32 to index
        %get3A_1448 = arith.constant 80 : index
        %get3A_1449 = tpu.vector_load %arg5[%get3A_1447, %get3A_1448] {strides = array<i32>} : memref<130x128xi32, #tpu.memory_space<vmem>>, vector<1x16xi32>,
        %get3A_1450 = vector.shape_cast %get3A_1449 : vector<1x16xi32> to vector<16xi32>
        %add3A_1451 = vector.broadcast %mul3A_1295 : i32 to vector<16xi32>
        %add3A_1452 = arith.addi %get3A_1450, %add3A_1451 : vector<16xi32>
        %swap3A_1453 = arith.index_cast %add3A_1391 : i32 to index
        %swap3A_1454 = arith.constant 80 : index
        %swap3A_1455 = tpu.vector_load %arg5[%swap3A_1453, %swap3A_1454] {strides = array<i32>} : memref<130x128xi32, #tpu.memory_space<vmem>>, vector<1x16xi32>,
        %swap3A_1456 = vector.shape_cast %swap3A_1455 : vector<1x16xi32> to vector<16xi32>
        %swap3A_1457 = vector.shape_cast %add3A_1452 : vector<16xi32> to vector<1x16xi32>
        tpu.vector_store %arg5[%swap3A_1453, %swap3A_1454], %swap3A_1457 {strides = array<i32>} : memref<130x128xi32, #tpu.memory_space<vmem>>, vector<1x16xi32>,
        %get3A_1458 = arith.index_cast %add3A_1391 : i32 to index
        %get3A_1459 = arith.constant 96 : index
        %get3A_1460 = tpu.vector_load %arg5[%get3A_1458, %get3A_1459] {strides = array<i32>} : memref<130x128xi32, #tpu.memory_space<vmem>>, vector<1x16xi32>,
        %get3A_1461 = vector.shape_cast %get3A_1460 : vector<1x16xi32> to vector<16xi32>
        %add3A_1462 = vector.broadcast %mul3A_1295 : i32 to vector<16xi32>
        %add3A_1463 = arith.addi %get3A_1461, %add3A_1462 : vector<16xi32>
        %swap3A_1464 = arith.index_cast %add3A_1391 : i32 to index
        %swap3A_1465 = arith.constant 96 : index
        %swap3A_1466 = tpu.vector_load %arg5[%swap3A_1464, %swap3A_1465] {strides = array<i32>} : memref<130x128xi32, #tpu.memory_space<vmem>>, vector<1x16xi32>,
        %swap3A_1467 = vector.shape_cast %swap3A_1466 : vector<1x16xi32> to vector<16xi32>
        %swap3A_1468 = vector.shape_cast %add3A_1463 : vector<16xi32> to vector<1x16xi32>
        tpu.vector_store %arg5[%swap3A_1464, %swap3A_1465], %swap3A_1468 {strides = array<i32>} : memref<130x128xi32, #tpu.memory_space<vmem>>, vector<1x16xi32>,
        %get3A_1469 = arith.index_cast %add3A_1391 : i32 to index
        %get3A_1470 = arith.constant 112 : index
        %get3A_1471 = tpu.vector_load %arg5[%get3A_1469, %get3A_1470] {strides = array<i32>} : memref<130x128xi32, #tpu.memory_space<vmem>>, vector<1x16xi32>,
        %get3A_1472 = vector.shape_cast %get3A_1471 : vector<1x16xi32> to vector<16xi32>
        %add3A_1473 = vector.broadcast %mul3A_1295 : i32 to vector<16xi32>
        %add3A_1474 = arith.addi %get3A_1472, %add3A_1473 : vector<16xi32>
        %swap3A_1475 = arith.index_cast %add3A_1391 : i32 to index
        %swap3A_1476 = arith.constant 112 : index
        %swap3A_1477 = tpu.vector_load %arg5[%swap3A_1475, %swap3A_1476] {strides = array<i32>} : memref<130x128xi32, #tpu.memory_space<vmem>>, vector<1x16xi32>,
        %swap3A_1478 = vector.shape_cast %swap3A_1477 : vector<1x16xi32> to vector<16xi32>
        %swap3A_1479 = vector.shape_cast %add3A_1474 : vector<16xi32> to vector<1x16xi32>
        tpu.vector_store %arg5[%swap3A_1475, %swap3A_1476], %swap3A_1479 {strides = array<i32>} : memref<130x128xi32, #tpu.memory_space<vmem>>, vector<1x16xi32>,
        %mul3A_1480 = arith.constant 5 : i32
        %mul3A_1481 = arith.muli %add3A_1293, %mul3A_1480 : i32
        %add3A_1482 = arith.constant 2 : i32
        %add3A_1483 = arith.addi %mul3A_1481, %add3A_1482 : i32
        %get3A_1484 = arith.index_cast %add3A_1483 : i32 to index
        %get3A_1485 = arith.constant 0 : index
        %get3A_1486 = tpu.vector_load %arg5[%get3A_1484, %get3A_1485] {strides = array<i32>} : memref<130x128xi32, #tpu.memory_space<vmem>>, vector<1x16xi32>,
        %get3A_1487 = vector.shape_cast %get3A_1486 : vector<1x16xi32> to vector<16xi32>
        %add3A_1488 = vector.broadcast %mul3A_1295 : i32 to vector<16xi32>
        %add3A_1489 = arith.addi %get3A_1487, %add3A_1488 : vector<16xi32>
        %swap3A_1490 = arith.index_cast %add3A_1483 : i32 to index
        %swap3A_1491 = arith.constant 0 : index
        %swap3A_1492 = tpu.vector_load %arg5[%swap3A_1490, %swap3A_1491] {strides = array<i32>} : memref<130x128xi32, #tpu.memory_space<vmem>>, vector<1x16xi32>,
        %swap3A_1493 = vector.shape_cast %swap3A_1492 : vector<1x16xi32> to vector<16xi32>
        %swap3A_1494 = vector.shape_cast %add3A_1489 : vector<16xi32> to vector<1x16xi32>
        tpu.vector_store %arg5[%swap3A_1490, %swap3A_1491], %swap3A_1494 {strides = array<i32>} : memref<130x128xi32, #tpu.memory_space<vmem>>, vector<1x16xi32>,
        %get3A_1495 = arith.index_cast %add3A_1483 : i32 to index
        %get3A_1496 = arith.constant 16 : index
        %get3A_1497 = tpu.vector_load %arg5[%get3A_1495, %get3A_1496] {strides = array<i32>} : memref<130x128xi32, #tpu.memory_space<vmem>>, vector<1x16xi32>,
        %get3A_1498 = vector.shape_cast %get3A_1497 : vector<1x16xi32> to vector<16xi32>
        %add3A_1499 = vector.broadcast %mul3A_1295 : i32 to vector<16xi32>
        %add3A_1500 = arith.addi %get3A_1498, %add3A_1499 : vector<16xi32>
        %swap3A_1501 = arith.index_cast %add3A_1483 : i32 to index
        %swap3A_1502 = arith.constant 16 : index
        %swap3A_1503 = tpu.vector_load %arg5[%swap3A_1501, %swap3A_1502] {strides = array<i32>} : memref<130x128xi32, #tpu.memory_space<vmem>>, vector<1x16xi32>,
        %swap3A_1504 = vector.shape_cast %swap3A_1503 : vector<1x16xi32> to vector<16xi32>
        %swap3A_1505 = vector.shape_cast %add3A_1500 : vector<16xi32> to vector<1x16xi32>
        tpu.vector_store %arg5[%swap3A_1501, %swap3A_1502], %swap3A_1505 {strides = array<i32>} : memref<130x128xi32, #tpu.memory_space<vmem>>, vector<1x16xi32>,
        %get3A_1506 = arith.index_cast %add3A_1483 : i32 to index
        %get3A_1507 = arith.constant 32 : index
        %get3A_1508 = tpu.vector_load %arg5[%get3A_1506, %get3A_1507] {strides = array<i32>} : memref<130x128xi32, #tpu.memory_space<vmem>>, vector<1x16xi32>,
        %get3A_1509 = vector.shape_cast %get3A_1508 : vector<1x16xi32> to vector<16xi32>
        %add3A_1510 = vector.broadcast %mul3A_1295 : i32 to vector<16xi32>
        %add3A_1511 = arith.addi %get3A_1509, %add3A_1510 : vector<16xi32>
        %swap3A_1512 = arith.index_cast %add3A_1483 : i32 to index
        %swap3A_1513 = arith.constant 32 : index
        %swap3A_1514 = tpu.vector_load %arg5[%swap3A_1512, %swap3A_1513] {strides = array<i32>} : memref<130x128xi32, #tpu.memory_space<vmem>>, vector<1x16xi32>,
        %swap3A_1515 = vector.shape_cast %swap3A_1514 : vector<1x16xi32> to vector<16xi32>
        %swap3A_1516 = vector.shape_cast %add3A_1511 : vector<16xi32> to vector<1x16xi32>
        tpu.vector_store %arg5[%swap3A_1512, %swap3A_1513], %swap3A_1516 {strides = array<i32>} : memref<130x128xi32, #tpu.memory_space<vmem>>, vector<1x16xi32>,
        %get3A_1517 = arith.index_cast %add3A_1483 : i32 to index
        %get3A_1518 = arith.constant 48 : index
        %get3A_1519 = tpu.vector_load %arg5[%get3A_1517, %get3A_1518] {strides = array<i32>} : memref<130x128xi32, #tpu.memory_space<vmem>>, vector<1x16xi32>,
        %get3A_1520 = vector.shape_cast %get3A_1519 : vector<1x16xi32> to vector<16xi32>
        %add3A_1521 = vector.broadcast %mul3A_1295 : i32 to vector<16xi32>
        %add3A_1522 = arith.addi %get3A_1520, %add3A_1521 : vector<16xi32>
        %swap3A_1523 = arith.index_cast %add3A_1483 : i32 to index
        %swap3A_1524 = arith.constant 48 : index
        %swap3A_1525 = tpu.vector_load %arg5[%swap3A_1523, %swap3A_1524] {strides = array<i32>} : memref<130x128xi32, #tpu.memory_space<vmem>>, vector<1x16xi32>,
        %swap3A_1526 = vector.shape_cast %swap3A_1525 : vector<1x16xi32> to vector<16xi32>
        %swap3A_1527 = vector.shape_cast %add3A_1522 : vector<16xi32> to vector<1x16xi32>
        tpu.vector_store %arg5[%swap3A_1523, %swap3A_1524], %swap3A_1527 {strides = array<i32>} : memref<130x128xi32, #tpu.memory_space<vmem>>, vector<1x16xi32>,
        %get3A_1528 = arith.index_cast %add3A_1483 : i32 to index
        %get3A_1529 = arith.constant 64 : index
        %get3A_1530 = tpu.vector_load %arg5[%get3A_1528, %get3A_1529] {strides = array<i32>} : memref<130x128xi32, #tpu.memory_space<vmem>>, vector<1x16xi32>,
        %get3A_1531 = vector.shape_cast %get3A_1530 : vector<1x16xi32> to vector<16xi32>
        %add3A_1532 = vector.broadcast %mul3A_1295 : i32 to vector<16xi32>
        %add3A_1533 = arith.addi %get3A_1531, %add3A_1532 : vector<16xi32>
        %swap3A_1534 = arith.index_cast %add3A_1483 : i32 to index
        %swap3A_1535 = arith.constant 64 : index
        %swap3A_1536 = tpu.vector_load %arg5[%swap3A_1534, %swap3A_1535] {strides = array<i32>} : memref<130x128xi32, #tpu.memory_space<vmem>>, vector<1x16xi32>,
        %swap3A_1537 = vector.shape_cast %swap3A_1536 : vector<1x16xi32> to vector<16xi32>
        %swap3A_1538 = vector.shape_cast %add3A_1533 : vector<16xi32> to vector<1x16xi32>
        tpu.vector_store %arg5[%swap3A_1534, %swap3A_1535], %swap3A_1538 {strides = array<i32>} : memref<130x128xi32, #tpu.memory_space<vmem>>, vector<1x16xi32>,
        %get3A_1539 = arith.index_cast %add3A_1483 : i32 to index
        %get3A_1540 = arith.constant 80 : index
        %get3A_1541 = tpu.vector_load %arg5[%get3A_1539, %get3A_1540] {strides = array<i32>} : memref<130x128xi32, #tpu.memory_space<vmem>>, vector<1x16xi32>,
        %get3A_1542 = vector.shape_cast %get3A_1541 : vector<1x16xi32> to vector<16xi32>
        %add3A_1543 = vector.broadcast %mul3A_1295 : i32 to vector<16xi32>
        %add3A_1544 = arith.addi %get3A_1542, %add3A_1543 : vector<16xi32>
        %swap3A_1545 = arith.index_cast %add3A_1483 : i32 to index
        %swap3A_1546 = arith.constant 80 : index
        %swap3A_1547 = tpu.vector_load %arg5[%swap3A_1545, %swap3A_1546] {strides = array<i32>} : memref<130x128xi32, #tpu.memory_space<vmem>>, vector<1x16xi32>,
        %swap3A_1548 = vector.shape_cast %swap3A_1547 : vector<1x16xi32> to vector<16xi32>
        %swap3A_1549 = vector.shape_cast %add3A_1544 : vector<16xi32> to vector<1x16xi32>
        tpu.vector_store %arg5[%swap3A_1545, %swap3A_1546], %swap3A_1549 {strides = array<i32>} : memref<130x128xi32, #tpu.memory_space<vmem>>, vector<1x16xi32>,
        %get3A_1550 = arith.index_cast %add3A_1483 : i32 to index
        %get3A_1551 = arith.constant 96 : index
        %get3A_1552 = tpu.vector_load %arg5[%get3A_1550, %get3A_1551] {strides = array<i32>} : memref<130x128xi32, #tpu.memory_space<vmem>>, vector<1x16xi32>,
        %get3A_1553 = vector.shape_cast %get3A_1552 : vector<1x16xi32> to vector<16xi32>
        %add3A_1554 = vector.broadcast %mul3A_1295 : i32 to vector<16xi32>
        %add3A_1555 = arith.addi %get3A_1553, %add3A_1554 : vector<16xi32>
        %swap3A_1556 = arith.index_cast %add3A_1483 : i32 to index
        %swap3A_1557 = arith.constant 96 : index
        %swap3A_1558 = tpu.vector_load %arg5[%swap3A_1556, %swap3A_1557] {strides = array<i32>} : memref<130x128xi32, #tpu.memory_space<vmem>>, vector<1x16xi32>,
        %swap3A_1559 = vector.shape_cast %swap3A_1558 : vector<1x16xi32> to vector<16xi32>
        %swap3A_1560 = vector.shape_cast %add3A_1555 : vector<16xi32> to vector<1x16xi32>
        tpu.vector_store %arg5[%swap3A_1556, %swap3A_1557], %swap3A_1560 {strides = array<i32>} : memref<130x128xi32, #tpu.memory_space<vmem>>, vector<1x16xi32>,
        %get3A_1561 = arith.index_cast %add3A_1483 : i32 to index
        %get3A_1562 = arith.constant 112 : index
        %get3A_1563 = tpu.vector_load %arg5[%get3A_1561, %get3A_1562] {strides = array<i32>} : memref<130x128xi32, #tpu.memory_space<vmem>>, vector<1x16xi32>,
        %get3A_1564 = vector.shape_cast %get3A_1563 : vector<1x16xi32> to vector<16xi32>
        %add3A_1565 = vector.broadcast %mul3A_1295 : i32 to vector<16xi32>
        %add3A_1566 = arith.addi %get3A_1564, %add3A_1565 : vector<16xi32>
        %swap3A_1567 = arith.index_cast %add3A_1483 : i32 to index
        %swap3A_1568 = arith.constant 112 : index
        %swap3A_1569 = tpu.vector_load %arg5[%swap3A_1567, %swap3A_1568] {strides = array<i32>} : memref<130x128xi32, #tpu.memory_space<vmem>>, vector<1x16xi32>,
        %swap3A_1570 = vector.shape_cast %swap3A_1569 : vector<1x16xi32> to vector<16xi32>
        %swap3A_1571 = vector.shape_cast %add3A_1566 : vector<16xi32> to vector<1x16xi32>
        tpu.vector_store %arg5[%swap3A_1567, %swap3A_1568], %swap3A_1571 {strides = array<i32>} : memref<130x128xi32, #tpu.memory_space<vmem>>, vector<1x16xi32>,
        %mul3A_1572 = arith.constant 5 : i32
        %mul3A_1573 = arith.muli %add3A_1293, %mul3A_1572 : i32
        %add3A_1574 = arith.constant 3 : i32
        %add3A_1575 = arith.addi %mul3A_1573, %add3A_1574 : i32
        %get3A_1576 = arith.index_cast %add3A_1575 : i32 to index
        %get3A_1577 = arith.constant 0 : index
        %get3A_1578 = tpu.vector_load %arg5[%get3A_1576, %get3A_1577] {strides = array<i32>} : memref<130x128xi32, #tpu.memory_space<vmem>>, vector<1x16xi32>,
        %get3A_1579 = vector.shape_cast %get3A_1578 : vector<1x16xi32> to vector<16xi32>
        %add3A_1580 = vector.broadcast %mul3A_1295 : i32 to vector<16xi32>
        %add3A_1581 = arith.addi %get3A_1579, %add3A_1580 : vector<16xi32>
        %swap3A_1582 = arith.index_cast %add3A_1575 : i32 to index
        %swap3A_1583 = arith.constant 0 : index
        %swap3A_1584 = tpu.vector_load %arg5[%swap3A_1582, %swap3A_1583] {strides = array<i32>} : memref<130x128xi32, #tpu.memory_space<vmem>>, vector<1x16xi32>,
        %swap3A_1585 = vector.shape_cast %swap3A_1584 : vector<1x16xi32> to vector<16xi32>
        %swap3A_1586 = vector.shape_cast %add3A_1581 : vector<16xi32> to vector<1x16xi32>
        tpu.vector_store %arg5[%swap3A_1582, %swap3A_1583], %swap3A_1586 {strides = array<i32>} : memref<130x128xi32, #tpu.memory_space<vmem>>, vector<1x16xi32>,
        %get3A_1587 = arith.index_cast %add3A_1575 : i32 to index
        %get3A_1588 = arith.constant 16 : index
        %get3A_1589 = tpu.vector_load %arg5[%get3A_1587, %get3A_1588] {strides = array<i32>} : memref<130x128xi32, #tpu.memory_space<vmem>>, vector<1x16xi32>,
        %get3A_1590 = vector.shape_cast %get3A_1589 : vector<1x16xi32> to vector<16xi32>
        %add3A_1591 = vector.broadcast %mul3A_1295 : i32 to vector<16xi32>
        %add3A_1592 = arith.addi %get3A_1590, %add3A_1591 : vector<16xi32>
        %swap3A_1593 = arith.index_cast %add3A_1575 : i32 to index
        %swap3A_1594 = arith.constant 16 : index
        %swap3A_1595 = tpu.vector_load %arg5[%swap3A_1593, %swap3A_1594] {strides = array<i32>} : memref<130x128xi32, #tpu.memory_space<vmem>>, vector<1x16xi32>,
        %swap3A_1596 = vector.shape_cast %swap3A_1595 : vector<1x16xi32> to vector<16xi32>
        %swap3A_1597 = vector.shape_cast %add3A_1592 : vector<16xi32> to vector<1x16xi32>
        tpu.vector_store %arg5[%swap3A_1593, %swap3A_1594], %swap3A_1597 {strides = array<i32>} : memref<130x128xi32, #tpu.memory_space<vmem>>, vector<1x16xi32>,
        %get3A_1598 = arith.index_cast %add3A_1575 : i32 to index
        %get3A_1599 = arith.constant 32 : index
        %get3A_1600 = tpu.vector_load %arg5[%get3A_1598, %get3A_1599] {strides = array<i32>} : memref<130x128xi32, #tpu.memory_space<vmem>>, vector<1x16xi32>,
        %get3A_1601 = vector.shape_cast %get3A_1600 : vector<1x16xi32> to vector<16xi32>
        %add3A_1602 = vector.broadcast %mul3A_1295 : i32 to vector<16xi32>
        %add3A_1603 = arith.addi %get3A_1601, %add3A_1602 : vector<16xi32>
        %swap3A_1604 = arith.index_cast %add3A_1575 : i32 to index
        %swap3A_1605 = arith.constant 32 : index
        %swap3A_1606 = tpu.vector_load %arg5[%swap3A_1604, %swap3A_1605] {strides = array<i32>} : memref<130x128xi32, #tpu.memory_space<vmem>>, vector<1x16xi32>,
        %swap3A_1607 = vector.shape_cast %swap3A_1606 : vector<1x16xi32> to vector<16xi32>
        %swap3A_1608 = vector.shape_cast %add3A_1603 : vector<16xi32> to vector<1x16xi32>
        tpu.vector_store %arg5[%swap3A_1604, %swap3A_1605], %swap3A_1608 {strides = array<i32>} : memref<130x128xi32, #tpu.memory_space<vmem>>, vector<1x16xi32>,
        %get3A_1609 = arith.index_cast %add3A_1575 : i32 to index
        %get3A_1610 = arith.constant 48 : index
        %get3A_1611 = tpu.vector_load %arg5[%get3A_1609, %get3A_1610] {strides = array<i32>} : memref<130x128xi32, #tpu.memory_space<vmem>>, vector<1x16xi32>,
        %get3A_1612 = vector.shape_cast %get3A_1611 : vector<1x16xi32> to vector<16xi32>
        %add3A_1613 = vector.broadcast %mul3A_1295 : i32 to vector<16xi32>
        %add3A_1614 = arith.addi %get3A_1612, %add3A_1613 : vector<16xi32>
        %swap3A_1615 = arith.index_cast %add3A_1575 : i32 to index
        %swap3A_1616 = arith.constant 48 : index
        %swap3A_1617 = tpu.vector_load %arg5[%swap3A_1615, %swap3A_1616] {strides = array<i32>} : memref<130x128xi32, #tpu.memory_space<vmem>>, vector<1x16xi32>,
        %swap3A_1618 = vector.shape_cast %swap3A_1617 : vector<1x16xi32> to vector<16xi32>
        %swap3A_1619 = vector.shape_cast %add3A_1614 : vector<16xi32> to vector<1x16xi32>
        tpu.vector_store %arg5[%swap3A_1615, %swap3A_1616], %swap3A_1619 {strides = array<i32>} : memref<130x128xi32, #tpu.memory_space<vmem>>, vector<1x16xi32>,
        %get3A_1620 = arith.index_cast %add3A_1575 : i32 to index
        %get3A_1621 = arith.constant 64 : index
        %get3A_1622 = tpu.vector_load %arg5[%get3A_1620, %get3A_1621] {strides = array<i32>} : memref<130x128xi32, #tpu.memory_space<vmem>>, vector<1x16xi32>,
        %get3A_1623 = vector.shape_cast %get3A_1622 : vector<1x16xi32> to vector<16xi32>
        %add3A_1624 = vector.broadcast %mul3A_1295 : i32 to vector<16xi32>
        %add3A_1625 = arith.addi %get3A_1623, %add3A_1624 : vector<16xi32>
        %swap3A_1626 = arith.index_cast %add3A_1575 : i32 to index
        %swap3A_1627 = arith.constant 64 : index
        %swap3A_1628 = tpu.vector_load %arg5[%swap3A_1626, %swap3A_1627] {strides = array<i32>} : memref<130x128xi32, #tpu.memory_space<vmem>>, vector<1x16xi32>,
        %swap3A_1629 = vector.shape_cast %swap3A_1628 : vector<1x16xi32> to vector<16xi32>
        %swap3A_1630 = vector.shape_cast %add3A_1625 : vector<16xi32> to vector<1x16xi32>
        tpu.vector_store %arg5[%swap3A_1626, %swap3A_1627], %swap3A_1630 {strides = array<i32>} : memref<130x128xi32, #tpu.memory_space<vmem>>, vector<1x16xi32>,
        %get3A_1631 = arith.index_cast %add3A_1575 : i32 to index
        %get3A_1632 = arith.constant 80 : index
        %get3A_1633 = tpu.vector_load %arg5[%get3A_1631, %get3A_1632] {strides = array<i32>} : memref<130x128xi32, #tpu.memory_space<vmem>>, vector<1x16xi32>,
        %get3A_1634 = vector.shape_cast %get3A_1633 : vector<1x16xi32> to vector<16xi32>
        %add3A_1635 = vector.broadcast %mul3A_1295 : i32 to vector<16xi32>
        %add3A_1636 = arith.addi %get3A_1634, %add3A_1635 : vector<16xi32>
        %swap3A_1637 = arith.index_cast %add3A_1575 : i32 to index
        %swap3A_1638 = arith.constant 80 : index
        %swap3A_1639 = tpu.vector_load %arg5[%swap3A_1637, %swap3A_1638] {strides = array<i32>} : memref<130x128xi32, #tpu.memory_space<vmem>>, vector<1x16xi32>,
        %swap3A_1640 = vector.shape_cast %swap3A_1639 : vector<1x16xi32> to vector<16xi32>
        %swap3A_1641 = vector.shape_cast %add3A_1636 : vector<16xi32> to vector<1x16xi32>
        tpu.vector_store %arg5[%swap3A_1637, %swap3A_1638], %swap3A_1641 {strides = array<i32>} : memref<130x128xi32, #tpu.memory_space<vmem>>, vector<1x16xi32>,
        %get3A_1642 = arith.index_cast %add3A_1575 : i32 to index
        %get3A_1643 = arith.constant 96 : index
        %get3A_1644 = tpu.vector_load %arg5[%get3A_1642, %get3A_1643] {strides = array<i32>} : memref<130x128xi32, #tpu.memory_space<vmem>>, vector<1x16xi32>,
        %get3A_1645 = vector.shape_cast %get3A_1644 : vector<1x16xi32> to vector<16xi32>
        %add3A_1646 = vector.broadcast %mul3A_1295 : i32 to vector<16xi32>
        %add3A_1647 = arith.addi %get3A_1645, %add3A_1646 : vector<16xi32>
        %swap3A_1648 = arith.index_cast %add3A_1575 : i32 to index
        %swap3A_1649 = arith.constant 96 : index
        %swap3A_1650 = tpu.vector_load %arg5[%swap3A_1648, %swap3A_1649] {strides = array<i32>} : memref<130x128xi32, #tpu.memory_space<vmem>>, vector<1x16xi32>,
        %swap3A_1651 = vector.shape_cast %swap3A_1650 : vector<1x16xi32> to vector<16xi32>
        %swap3A_1652 = vector.shape_cast %add3A_1647 : vector<16xi32> to vector<1x16xi32>
        tpu.vector_store %arg5[%swap3A_1648, %swap3A_1649], %swap3A_1652 {strides = array<i32>} : memref<130x128xi32, #tpu.memory_space<vmem>>, vector<1x16xi32>,
        %get3A_1653 = arith.index_cast %add3A_1575 : i32 to index
        %get3A_1654 = arith.constant 112 : index
        %get3A_1655 = tpu.vector_load %arg5[%get3A_1653, %get3A_1654] {strides = array<i32>} : memref<130x128xi32, #tpu.memory_space<vmem>>, vector<1x16xi32>,
        %get3A_1656 = vector.shape_cast %get3A_1655 : vector<1x16xi32> to vector<16xi32>
        %add3A_1657 = vector.broadcast %mul3A_1295 : i32 to vector<16xi32>
        %add3A_1658 = arith.addi %get3A_1656, %add3A_1657 : vector<16xi32>
        %swap3A_1659 = arith.index_cast %add3A_1575 : i32 to index
        %swap3A_1660 = arith.constant 112 : index
        %swap3A_1661 = tpu.vector_load %arg5[%swap3A_1659, %swap3A_1660] {strides = array<i32>} : memref<130x128xi32, #tpu.memory_space<vmem>>, vector<1x16xi32>,
        %swap3A_1662 = vector.shape_cast %swap3A_1661 : vector<1x16xi32> to vector<16xi32>
        %swap3A_1663 = vector.shape_cast %add3A_1658 : vector<16xi32> to vector<1x16xi32>
        tpu.vector_store %arg5[%swap3A_1659, %swap3A_1660], %swap3A_1663 {strides = array<i32>} : memref<130x128xi32, #tpu.memory_space<vmem>>, vector<1x16xi32>,
        %mul3A_1664 = arith.constant 5 : i32
        %mul3A_1665 = arith.muli %add3A_1293, %mul3A_1664 : i32
        %add3A_1666 = arith.constant 4 : i32
        %add3A_1667 = arith.addi %mul3A_1665, %add3A_1666 : i32
        %get3A_1668 = arith.index_cast %add3A_1667 : i32 to index
        %get3A_1669 = arith.constant 0 : index
        %get3A_1670 = tpu.vector_load %arg5[%get3A_1668, %get3A_1669] {strides = array<i32>} : memref<130x128xi32, #tpu.memory_space<vmem>>, vector<1x16xi32>,
        %get3A_1671 = vector.shape_cast %get3A_1670 : vector<1x16xi32> to vector<16xi32>
        %add3A_1672 = vector.broadcast %mul3A_1295 : i32 to vector<16xi32>
        %add3A_1673 = arith.addi %get3A_1671, %add3A_1672 : vector<16xi32>
        %swap3A_1674 = arith.index_cast %add3A_1667 : i32 to index
        %swap3A_1675 = arith.constant 0 : index
        %swap3A_1676 = tpu.vector_load %arg5[%swap3A_1674, %swap3A_1675] {strides = array<i32>} : memref<130x128xi32, #tpu.memory_space<vmem>>, vector<1x16xi32>,
        %swap3A_1677 = vector.shape_cast %swap3A_1676 : vector<1x16xi32> to vector<16xi32>
        %swap3A_1678 = vector.shape_cast %add3A_1673 : vector<16xi32> to vector<1x16xi32>
        tpu.vector_store %arg5[%swap3A_1674, %swap3A_1675], %swap3A_1678 {strides = array<i32>} : memref<130x128xi32, #tpu.memory_space<vmem>>, vector<1x16xi32>,
        %get3A_1679 = arith.index_cast %add3A_1667 : i32 to index
        %get3A_1680 = arith.constant 16 : index
        %get3A_1681 = tpu.vector_load %arg5[%get3A_1679, %get3A_1680] {strides = array<i32>} : memref<130x128xi32, #tpu.memory_space<vmem>>, vector<1x16xi32>,
        %get3A_1682 = vector.shape_cast %get3A_1681 : vector<1x16xi32> to vector<16xi32>
        %add3A_1683 = vector.broadcast %mul3A_1295 : i32 to vector<16xi32>
        %add3A_1684 = arith.addi %get3A_1682, %add3A_1683 : vector<16xi32>
        %swap3A_1685 = arith.index_cast %add3A_1667 : i32 to index
        %swap3A_1686 = arith.constant 16 : index
        %swap3A_1687 = tpu.vector_load %arg5[%swap3A_1685, %swap3A_1686] {strides = array<i32>} : memref<130x128xi32, #tpu.memory_space<vmem>>, vector<1x16xi32>,
        %swap3A_1688 = vector.shape_cast %swap3A_1687 : vector<1x16xi32> to vector<16xi32>
        %swap3A_1689 = vector.shape_cast %add3A_1684 : vector<16xi32> to vector<1x16xi32>
        tpu.vector_store %arg5[%swap3A_1685, %swap3A_1686], %swap3A_1689 {strides = array<i32>} : memref<130x128xi32, #tpu.memory_space<vmem>>, vector<1x16xi32>,
        %get3A_1690 = arith.index_cast %add3A_1667 : i32 to index
        %get3A_1691 = arith.constant 32 : index
        %get3A_1692 = tpu.vector_load %arg5[%get3A_1690, %get3A_1691] {strides = array<i32>} : memref<130x128xi32, #tpu.memory_space<vmem>>, vector<1x16xi32>,
        %get3A_1693 = vector.shape_cast %get3A_1692 : vector<1x16xi32> to vector<16xi32>
        %add3A_1694 = vector.broadcast %mul3A_1295 : i32 to vector<16xi32>
        %add3A_1695 = arith.addi %get3A_1693, %add3A_1694 : vector<16xi32>
        %swap3A_1696 = arith.index_cast %add3A_1667 : i32 to index
        %swap3A_1697 = arith.constant 32 : index
        %swap3A_1698 = tpu.vector_load %arg5[%swap3A_1696, %swap3A_1697] {strides = array<i32>} : memref<130x128xi32, #tpu.memory_space<vmem>>, vector<1x16xi32>,
        %swap3A_1699 = vector.shape_cast %swap3A_1698 : vector<1x16xi32> to vector<16xi32>
        %swap3A_1700 = vector.shape_cast %add3A_1695 : vector<16xi32> to vector<1x16xi32>
        tpu.vector_store %arg5[%swap3A_1696, %swap3A_1697], %swap3A_1700 {strides = array<i32>} : memref<130x128xi32, #tpu.memory_space<vmem>>, vector<1x16xi32>,
        %get3A_1701 = arith.index_cast %add3A_1667 : i32 to index
        %get3A_1702 = arith.constant 48 : index
        %get3A_1703 = tpu.vector_load %arg5[%get3A_1701, %get3A_1702] {strides = array<i32>} : memref<130x128xi32, #tpu.memory_space<vmem>>, vector<1x16xi32>,
        %get3A_1704 = vector.shape_cast %get3A_1703 : vector<1x16xi32> to vector<16xi32>
        %add3A_1705 = vector.broadcast %mul3A_1295 : i32 to vector<16xi32>
        %add3A_1706 = arith.addi %get3A_1704, %add3A_1705 : vector<16xi32>
        %swap3A_1707 = arith.index_cast %add3A_1667 : i32 to index
        %swap3A_1708 = arith.constant 48 : index
        %swap3A_1709 = tpu.vector_load %arg5[%swap3A_1707, %swap3A_1708] {strides = array<i32>} : memref<130x128xi32, #tpu.memory_space<vmem>>, vector<1x16xi32>,
        %swap3A_1710 = vector.shape_cast %swap3A_1709 : vector<1x16xi32> to vector<16xi32>
        %swap3A_1711 = vector.shape_cast %add3A_1706 : vector<16xi32> to vector<1x16xi32>
        tpu.vector_store %arg5[%swap3A_1707, %swap3A_1708], %swap3A_1711 {strides = array<i32>} : memref<130x128xi32, #tpu.memory_space<vmem>>, vector<1x16xi32>,
        %get3A_1712 = arith.index_cast %add3A_1667 : i32 to index
        %get3A_1713 = arith.constant 64 : index
        %get3A_1714 = tpu.vector_load %arg5[%get3A_1712, %get3A_1713] {strides = array<i32>} : memref<130x128xi32, #tpu.memory_space<vmem>>, vector<1x16xi32>,
        %get3A_1715 = vector.shape_cast %get3A_1714 : vector<1x16xi32> to vector<16xi32>
        %add3A_1716 = vector.broadcast %mul3A_1295 : i32 to vector<16xi32>
        %add3A_1717 = arith.addi %get3A_1715, %add3A_1716 : vector<16xi32>
        %swap3A_1718 = arith.index_cast %add3A_1667 : i32 to index
        %swap3A_1719 = arith.constant 64 : index
        %swap3A_1720 = tpu.vector_load %arg5[%swap3A_1718, %swap3A_1719] {strides = array<i32>} : memref<130x128xi32, #tpu.memory_space<vmem>>, vector<1x16xi32>,
        %swap3A_1721 = vector.shape_cast %swap3A_1720 : vector<1x16xi32> to vector<16xi32>
        %swap3A_1722 = vector.shape_cast %add3A_1717 : vector<16xi32> to vector<1x16xi32>
        tpu.vector_store %arg5[%swap3A_1718, %swap3A_1719], %swap3A_1722 {strides = array<i32>} : memref<130x128xi32, #tpu.memory_space<vmem>>, vector<1x16xi32>,
        %get3A_1723 = arith.index_cast %add3A_1667 : i32 to index
        %get3A_1724 = arith.constant 80 : index
        %get3A_1725 = tpu.vector_load %arg5[%get3A_1723, %get3A_1724] {strides = array<i32>} : memref<130x128xi32, #tpu.memory_space<vmem>>, vector<1x16xi32>,
        %get3A_1726 = vector.shape_cast %get3A_1725 : vector<1x16xi32> to vector<16xi32>
        %add3A_1727 = vector.broadcast %mul3A_1295 : i32 to vector<16xi32>
        %add3A_1728 = arith.addi %get3A_1726, %add3A_1727 : vector<16xi32>
        %swap3A_1729 = arith.index_cast %add3A_1667 : i32 to index
        %swap3A_1730 = arith.constant 80 : index
        %swap3A_1731 = tpu.vector_load %arg5[%swap3A_1729, %swap3A_1730] {strides = array<i32>} : memref<130x128xi32, #tpu.memory_space<vmem>>, vector<1x16xi32>,
        %swap3A_1732 = vector.shape_cast %swap3A_1731 : vector<1x16xi32> to vector<16xi32>
        %swap3A_1733 = vector.shape_cast %add3A_1728 : vector<16xi32> to vector<1x16xi32>
        tpu.vector_store %arg5[%swap3A_1729, %swap3A_1730], %swap3A_1733 {strides = array<i32>} : memref<130x128xi32, #tpu.memory_space<vmem>>, vector<1x16xi32>,
        %get3A_1734 = arith.index_cast %add3A_1667 : i32 to index
        %get3A_1735 = arith.constant 96 : index
        %get3A_1736 = tpu.vector_load %arg5[%get3A_1734, %get3A_1735] {strides = array<i32>} : memref<130x128xi32, #tpu.memory_space<vmem>>, vector<1x16xi32>,
        %get3A_1737 = vector.shape_cast %get3A_1736 : vector<1x16xi32> to vector<16xi32>
        %add3A_1738 = vector.broadcast %mul3A_1295 : i32 to vector<16xi32>
        %add3A_1739 = arith.addi %get3A_1737, %add3A_1738 : vector<16xi32>
        %swap3A_1740 = arith.index_cast %add3A_1667 : i32 to index
        %swap3A_1741 = arith.constant 96 : index
        %swap3A_1742 = tpu.vector_load %arg5[%swap3A_1740, %swap3A_1741] {strides = array<i32>} : memref<130x128xi32, #tpu.memory_space<vmem>>, vector<1x16xi32>,
        %swap3A_1743 = vector.shape_cast %swap3A_1742 : vector<1x16xi32> to vector<16xi32>
        %swap3A_1744 = vector.shape_cast %add3A_1739 : vector<16xi32> to vector<1x16xi32>
        tpu.vector_store %arg5[%swap3A_1740, %swap3A_1741], %swap3A_1744 {strides = array<i32>} : memref<130x128xi32, #tpu.memory_space<vmem>>, vector<1x16xi32>,
        %get3A_1745 = arith.index_cast %add3A_1667 : i32 to index
        %get3A_1746 = arith.constant 112 : index
        %get3A_1747 = tpu.vector_load %arg5[%get3A_1745, %get3A_1746] {strides = array<i32>} : memref<130x128xi32, #tpu.memory_space<vmem>>, vector<1x16xi32>,
        %get3A_1748 = vector.shape_cast %get3A_1747 : vector<1x16xi32> to vector<16xi32>
        %add3A_1749 = vector.broadcast %mul3A_1295 : i32 to vector<16xi32>
        %add3A_1750 = arith.addi %get3A_1748, %add3A_1749 : vector<16xi32>
        %swap3A_1751 = arith.index_cast %add3A_1667 : i32 to index
        %swap3A_1752 = arith.constant 112 : index
        %swap3A_1753 = tpu.vector_load %arg5[%swap3A_1751, %swap3A_1752] {strides = array<i32>} : memref<130x128xi32, #tpu.memory_space<vmem>>, vector<1x16xi32>,
        %swap3A_1754 = vector.shape_cast %swap3A_1753 : vector<1x16xi32> to vector<16xi32>
        %swap3A_1755 = vector.shape_cast %add3A_1750 : vector<16xi32> to vector<1x16xi32>
        tpu.vector_store %arg5[%swap3A_1751, %swap3A_1752], %swap3A_1755 {strides = array<i32>} : memref<130x128xi32, #tpu.memory_space<vmem>>, vector<1x16xi32>,
        %mul3A_1756 = arith.constant 5 : i32
        %mul3A_1757 = arith.muli %add3A_1293, %mul3A_1756 : i32
        %add3A_1758 = arith.constant 0 : i32
        %add3A_1759 = arith.addi %mul3A_1757, %add3A_1758 : i32
        %mul3A_1760 = arith.constant 5 : i32
        %mul3A_1761 = arith.muli %add3A_1293, %mul3A_1760 : i32
        %add3A_1762 = arith.constant 1 : i32
        %add3A_1763 = arith.addi %mul3A_1761, %add3A_1762 : i32
        %mul3A_1764 = arith.constant 5 : i32
        %mul3A_1765 = arith.muli %add3A_1293, %mul3A_1764 : i32
        %add3A_1766 = arith.constant 2 : i32
        %add3A_1767 = arith.addi %mul3A_1765, %add3A_1766 : i32
        %mul3A_1768 = arith.constant 5 : i32
        %mul3A_1769 = arith.muli %add3A_1293, %mul3A_1768 : i32
        %add3A_1770 = arith.constant 3 : i32
        %add3A_1771 = arith.addi %mul3A_1769, %add3A_1770 : i32
        %mul3A_1772 = arith.constant 5 : i32
        %mul3A_1773 = arith.muli %add3A_1293, %mul3A_1772 : i32
        %add3A_1774 = arith.constant 4 : i32
        %add3A_1775 = arith.addi %mul3A_1773, %add3A_1774 : i32
        %dma_start3A_1776 = arith.constant 0 : i32
        %dma_start3A_1777 = arith.constant 0 : i32
        %dma_start3A_1778 = tpu.memref_slice %arg6[%dma_start3A_1776, %dma_start3A_1777] : memref<1280x32xf32, #tpu.memory_space<vmem>> -> memref<128x32xf32, #tpu.memory_space<vmem>>
        %dma_start3A_1779 = arith.constant 0 : i32
        %dma_start3A_1780 = tpu.memref_slice %arg5[%add3A_1759, %dma_start3A_1779] : memref<130x128xi32, #tpu.memory_space<vmem>> -> memref<1x128xi32, #tpu.memory_space<vmem>>
        %dma_start3A_1781 = tpu.memref_squeeze %dma_start3A_1780 : memref<1x128xi32, #tpu.memory_space<vmem>> -> memref<128xi32, #tpu.memory_space<vmem>>
        %dma_start3A_1782 = arith.constant 0 : i32
        %dma_start3A_1783 = arith.constant 0 : i32
        %dma_start3A_1784 = tpu.memref_slice %arg3[%dma_start3A_1782, %dma_start3A_1783] : memref<2600000x32xf32, #tpu.memory_space<hbm>> -> memref<2600000x32xf32, #tpu.memory_space<hbm>>
        tpu.enqueue_indirect_dma source(%dma_start3A_1784 : memref<2600000x32xf32, #tpu.memory_space<hbm>>) target(%dma_start3A_1778 : memref<128x32xf32, #tpu.memory_space<vmem>>) offsets(%dma_start3A_1781 : memref<128xi32, #tpu.memory_space<vmem>>) semaphore(%arg8 : memref<!tpu.dma_semaphore, #tpu.memory_space<semaphore_mem>>)
        %dma_start3A_1785 = arith.constant 128 : i32
        %dma_start3A_1786 = arith.constant 0 : i32
        %dma_start3A_1787 = tpu.memref_slice %arg6[%dma_start3A_1785, %dma_start3A_1786] : memref<1280x32xf32, #tpu.memory_space<vmem>> -> memref<128x32xf32, #tpu.memory_space<vmem>>
        %dma_start3A_1788 = arith.constant 0 : i32
        %dma_start3A_1789 = tpu.memref_slice %arg5[%add3A_1763, %dma_start3A_1788] : memref<130x128xi32, #tpu.memory_space<vmem>> -> memref<1x128xi32, #tpu.memory_space<vmem>>
        %dma_start3A_1790 = tpu.memref_squeeze %dma_start3A_1789 : memref<1x128xi32, #tpu.memory_space<vmem>> -> memref<128xi32, #tpu.memory_space<vmem>>
        %dma_start3A_1791 = arith.constant 0 : i32
        %dma_start3A_1792 = arith.constant 0 : i32
        %dma_start3A_1793 = tpu.memref_slice %arg3[%dma_start3A_1791, %dma_start3A_1792] : memref<2600000x32xf32, #tpu.memory_space<hbm>> -> memref<2600000x32xf32, #tpu.memory_space<hbm>>
        tpu.enqueue_indirect_dma source(%dma_start3A_1793 : memref<2600000x32xf32, #tpu.memory_space<hbm>>) target(%dma_start3A_1787 : memref<128x32xf32, #tpu.memory_space<vmem>>) offsets(%dma_start3A_1790 : memref<128xi32, #tpu.memory_space<vmem>>) semaphore(%arg8 : memref<!tpu.dma_semaphore, #tpu.memory_space<semaphore_mem>>)
        %dma_start3A_1794 = arith.constant 256 : i32
        %dma_start3A_1795 = arith.constant 0 : i32
        %dma_start3A_1796 = tpu.memref_slice %arg6[%dma_start3A_1794, %dma_start3A_1795] : memref<1280x32xf32, #tpu.memory_space<vmem>> -> memref<128x32xf32, #tpu.memory_space<vmem>>
        %dma_start3A_1797 = arith.constant 0 : i32
        %dma_start3A_1798 = tpu.memref_slice %arg5[%add3A_1767, %dma_start3A_1797] : memref<130x128xi32, #tpu.memory_space<vmem>> -> memref<1x128xi32, #tpu.memory_space<vmem>>
        %dma_start3A_1799 = tpu.memref_squeeze %dma_start3A_1798 : memref<1x128xi32, #tpu.memory_space<vmem>> -> memref<128xi32, #tpu.memory_space<vmem>>
        %dma_start3A_1800 = arith.constant 0 : i32
        %dma_start3A_1801 = arith.constant 0 : i32
        %dma_start3A_1802 = tpu.memref_slice %arg3[%dma_start3A_1800, %dma_start3A_1801] : memref<2600000x32xf32, #tpu.memory_space<hbm>> -> memref<2600000x32xf32, #tpu.memory_space<hbm>>
        tpu.enqueue_indirect_dma source(%dma_start3A_1802 : memref<2600000x32xf32, #tpu.memory_space<hbm>>) target(%dma_start3A_1796 : memref<128x32xf32, #tpu.memory_space<vmem>>) offsets(%dma_start3A_1799 : memref<128xi32, #tpu.memory_space<vmem>>) semaphore(%arg8 : memref<!tpu.dma_semaphore, #tpu.memory_space<semaphore_mem>>)
        %dma_start3A_1803 = arith.constant 384 : i32
        %dma_start3A_1804 = arith.constant 0 : i32
        %dma_start3A_1805 = tpu.memref_slice %arg6[%dma_start3A_1803, %dma_start3A_1804] : memref<1280x32xf32, #tpu.memory_space<vmem>> -> memref<128x32xf32, #tpu.memory_space<vmem>>
        %dma_start3A_1806 = arith.constant 0 : i32
        %dma_start3A_1807 = tpu.memref_slice %arg5[%add3A_1771, %dma_start3A_1806] : memref<130x128xi32, #tpu.memory_space<vmem>> -> memref<1x128xi32, #tpu.memory_space<vmem>>
        %dma_start3A_1808 = tpu.memref_squeeze %dma_start3A_1807 : memref<1x128xi32, #tpu.memory_space<vmem>> -> memref<128xi32, #tpu.memory_space<vmem>>
        %dma_start3A_1809 = arith.constant 0 : i32
        %dma_start3A_1810 = arith.constant 0 : i32
        %dma_start3A_1811 = tpu.memref_slice %arg3[%dma_start3A_1809, %dma_start3A_1810] : memref<2600000x32xf32, #tpu.memory_space<hbm>> -> memref<2600000x32xf32, #tpu.memory_space<hbm>>
        tpu.enqueue_indirect_dma source(%dma_start3A_1811 : memref<2600000x32xf32, #tpu.memory_space<hbm>>) target(%dma_start3A_1805 : memref<128x32xf32, #tpu.memory_space<vmem>>) offsets(%dma_start3A_1808 : memref<128xi32, #tpu.memory_space<vmem>>) semaphore(%arg8 : memref<!tpu.dma_semaphore, #tpu.memory_space<semaphore_mem>>)
        %dma_start3A_1812 = arith.constant 512 : i32
        %dma_start3A_1813 = arith.constant 0 : i32
        %dma_start3A_1814 = tpu.memref_slice %arg6[%dma_start3A_1812, %dma_start3A_1813] : memref<1280x32xf32, #tpu.memory_space<vmem>> -> memref<128x32xf32, #tpu.memory_space<vmem>>
        %dma_start3A_1815 = arith.constant 0 : i32
        %dma_start3A_1816 = tpu.memref_slice %arg5[%add3A_1775, %dma_start3A_1815] : memref<130x128xi32, #tpu.memory_space<vmem>> -> memref<1x128xi32, #tpu.memory_space<vmem>>
        %dma_start3A_1817 = tpu.memref_squeeze %dma_start3A_1816 : memref<1x128xi32, #tpu.memory_space<vmem>> -> memref<128xi32, #tpu.memory_space<vmem>>
        %dma_start3A_1818 = arith.constant 0 : i32
        %dma_start3A_1819 = arith.constant 0 : i32
        %dma_start3A_1820 = tpu.memref_slice %arg3[%dma_start3A_1818, %dma_start3A_1819] : memref<2600000x32xf32, #tpu.memory_space<hbm>> -> memref<2600000x32xf32, #tpu.memory_space<hbm>>
        tpu.enqueue_indirect_dma source(%dma_start3A_1820 : memref<2600000x32xf32, #tpu.memory_space<hbm>>) target(%dma_start3A_1814 : memref<128x32xf32, #tpu.memory_space<vmem>>) offsets(%dma_start3A_1817 : memref<128xi32, #tpu.memory_space<vmem>>) semaphore(%arg8 : memref<!tpu.dma_semaphore, #tpu.memory_space<semaphore_mem>>)
      } else {
      }
      %mul3A_1221 = arith.constant 5 : i32
      %mul3A_1222 = arith.muli %add3A_619, %mul3A_1221 : i32
      %add3A_1223 = arith.constant 0 : i32
      %add3A_1224 = arith.addi %mul3A_1222, %add3A_1223 : i32
      %mul3A_1225 = arith.constant 5 : i32
      %mul3A_1226 = arith.muli %add3A_619, %mul3A_1225 : i32
      %add3A_1227 = arith.constant 1 : i32
      %add3A_1228 = arith.addi %mul3A_1226, %add3A_1227 : i32
      %mul3A_1229 = arith.constant 5 : i32
      %mul3A_1230 = arith.muli %add3A_619, %mul3A_1229 : i32
      %add3A_1231 = arith.constant 2 : i32
      %add3A_1232 = arith.addi %mul3A_1230, %add3A_1231 : i32
      %mul3A_1233 = arith.constant 5 : i32
      %mul3A_1234 = arith.muli %add3A_619, %mul3A_1233 : i32
      %add3A_1235 = arith.constant 3 : i32
      %add3A_1236 = arith.addi %mul3A_1234, %add3A_1235 : i32
      %mul3A_1237 = arith.constant 5 : i32
      %mul3A_1238 = arith.muli %add3A_619, %mul3A_1237 : i32
      %add3A_1239 = arith.constant 4 : i32
      %add3A_1240 = arith.addi %mul3A_1238, %add3A_1239 : i32
      %dma_wait3A_1241 = arith.constant 640 : i32
      %dma_wait3A_1242 = arith.constant 0 : i32
      %dma_wait3A_1243 = tpu.memref_slice %arg6[%dma_wait3A_1241, %dma_wait3A_1242] : memref<1280x32xf32, #tpu.memory_space<vmem>> -> memref<128x32xf32, #tpu.memory_space<vmem>>
      %dma_wait3A_1244 = arith.constant 0 : i32
      %dma_wait3A_1245 = tpu.memref_slice %arg5[%add3A_1224, %dma_wait3A_1244] : memref<130x128xi32, #tpu.memory_space<vmem>> -> memref<1x128xi32, #tpu.memory_space<vmem>>
      %dma_wait3A_1246 = tpu.memref_squeeze %dma_wait3A_1245 : memref<1x128xi32, #tpu.memory_space<vmem>> -> memref<128xi32, #tpu.memory_space<vmem>>
      %dma_wait3A_1247 = arith.constant 0 : i32
      %dma_wait3A_1248 = arith.constant 0 : i32
      %dma_wait3A_1249 = tpu.memref_slice %arg3[%dma_wait3A_1247, %dma_wait3A_1248] : memref<2600000x32xf32, #tpu.memory_space<hbm>> -> memref<2600000x32xf32, #tpu.memory_space<hbm>>
      tpu.wait_indirect_dma semaphore(%arg9 : memref<!tpu.dma_semaphore, #tpu.memory_space<semaphore_mem>>) src(%dma_wait3A_1249 : memref<2600000x32xf32, #tpu.memory_space<hbm>>) dst(%dma_wait3A_1243 : memref<128x32xf32, #tpu.memory_space<vmem>>)
      %dma_wait3A_1250 = arith.constant 768 : i32
      %dma_wait3A_1251 = arith.constant 0 : i32
      %dma_wait3A_1252 = tpu.memref_slice %arg6[%dma_wait3A_1250, %dma_wait3A_1251] : memref<1280x32xf32, #tpu.memory_space<vmem>> -> memref<128x32xf32, #tpu.memory_space<vmem>>
      %dma_wait3A_1253 = arith.constant 0 : i32
      %dma_wait3A_1254 = tpu.memref_slice %arg5[%add3A_1228, %dma_wait3A_1253] : memref<130x128xi32, #tpu.memory_space<vmem>> -> memref<1x128xi32, #tpu.memory_space<vmem>>
      %dma_wait3A_1255 = tpu.memref_squeeze %dma_wait3A_1254 : memref<1x128xi32, #tpu.memory_space<vmem>> -> memref<128xi32, #tpu.memory_space<vmem>>
      %dma_wait3A_1256 = arith.constant 0 : i32
      %dma_wait3A_1257 = arith.constant 0 : i32
      %dma_wait3A_1258 = tpu.memref_slice %arg3[%dma_wait3A_1256, %dma_wait3A_1257] : memref<2600000x32xf32, #tpu.memory_space<hbm>> -> memref<2600000x32xf32, #tpu.memory_space<hbm>>
      tpu.wait_indirect_dma semaphore(%arg9 : memref<!tpu.dma_semaphore, #tpu.memory_space<semaphore_mem>>) src(%dma_wait3A_1258 : memref<2600000x32xf32, #tpu.memory_space<hbm>>) dst(%dma_wait3A_1252 : memref<128x32xf32, #tpu.memory_space<vmem>>)
      %dma_wait3A_1259 = arith.constant 896 : i32
      %dma_wait3A_1260 = arith.constant 0 : i32
      %dma_wait3A_1261 = tpu.memref_slice %arg6[%dma_wait3A_1259, %dma_wait3A_1260] : memref<1280x32xf32, #tpu.memory_space<vmem>> -> memref<128x32xf32, #tpu.memory_space<vmem>>
      %dma_wait3A_1262 = arith.constant 0 : i32
      %dma_wait3A_1263 = tpu.memref_slice %arg5[%add3A_1232, %dma_wait3A_1262] : memref<130x128xi32, #tpu.memory_space<vmem>> -> memref<1x128xi32, #tpu.memory_space<vmem>>
      %dma_wait3A_1264 = tpu.memref_squeeze %dma_wait3A_1263 : memref<1x128xi32, #tpu.memory_space<vmem>> -> memref<128xi32, #tpu.memory_space<vmem>>
      %dma_wait3A_1265 = arith.constant 0 : i32
      %dma_wait3A_1266 = arith.constant 0 : i32
      %dma_wait3A_1267 = tpu.memref_slice %arg3[%dma_wait3A_1265, %dma_wait3A_1266] : memref<2600000x32xf32, #tpu.memory_space<hbm>> -> memref<2600000x32xf32, #tpu.memory_space<hbm>>
      tpu.wait_indirect_dma semaphore(%arg9 : memref<!tpu.dma_semaphore, #tpu.memory_space<semaphore_mem>>) src(%dma_wait3A_1267 : memref<2600000x32xf32, #tpu.memory_space<hbm>>) dst(%dma_wait3A_1261 : memref<128x32xf32, #tpu.memory_space<vmem>>)
      %dma_wait3A_1268 = arith.constant 1024 : i32
      %dma_wait3A_1269 = arith.constant 0 : i32
      %dma_wait3A_1270 = tpu.memref_slice %arg6[%dma_wait3A_1268, %dma_wait3A_1269] : memref<1280x32xf32, #tpu.memory_space<vmem>> -> memref<128x32xf32, #tpu.memory_space<vmem>>
      %dma_wait3A_1271 = arith.constant 0 : i32
      %dma_wait3A_1272 = tpu.memref_slice %arg5[%add3A_1236, %dma_wait3A_1271] : memref<130x128xi32, #tpu.memory_space<vmem>> -> memref<1x128xi32, #tpu.memory_space<vmem>>
      %dma_wait3A_1273 = tpu.memref_squeeze %dma_wait3A_1272 : memref<1x128xi32, #tpu.memory_space<vmem>> -> memref<128xi32, #tpu.memory_space<vmem>>
      %dma_wait3A_1274 = arith.constant 0 : i32
      %dma_wait3A_1275 = arith.constant 0 : i32
      %dma_wait3A_1276 = tpu.memref_slice %arg3[%dma_wait3A_1274, %dma_wait3A_1275] : memref<2600000x32xf32, #tpu.memory_space<hbm>> -> memref<2600000x32xf32, #tpu.memory_space<hbm>>
      tpu.wait_indirect_dma semaphore(%arg9 : memref<!tpu.dma_semaphore, #tpu.memory_space<semaphore_mem>>) src(%dma_wait3A_1276 : memref<2600000x32xf32, #tpu.memory_space<hbm>>) dst(%dma_wait3A_1270 : memref<128x32xf32, #tpu.memory_space<vmem>>)
      %dma_wait3A_1277 = arith.constant 1152 : i32
      %dma_wait3A_1278 = arith.constant 0 : i32
      %dma_wait3A_1279 = tpu.memref_slice %arg6[%dma_wait3A_1277, %dma_wait3A_1278] : memref<1280x32xf32, #tpu.memory_space<vmem>> -> memref<128x32xf32, #tpu.memory_space<vmem>>
      %dma_wait3A_1280 = arith.constant 0 : i32
      %dma_wait3A_1281 = tpu.memref_slice %arg5[%add3A_1240, %dma_wait3A_1280] : memref<130x128xi32, #tpu.memory_space<vmem>> -> memref<1x128xi32, #tpu.memory_space<vmem>>
      %dma_wait3A_1282 = tpu.memref_squeeze %dma_wait3A_1281 : memref<1x128xi32, #tpu.memory_space<vmem>> -> memref<128xi32, #tpu.memory_space<vmem>>
      %dma_wait3A_1283 = arith.constant 0 : i32
      %dma_wait3A_1284 = arith.constant 0 : i32
      %dma_wait3A_1285 = tpu.memref_slice %arg3[%dma_wait3A_1283, %dma_wait3A_1284] : memref<2600000x32xf32, #tpu.memory_space<hbm>> -> memref<2600000x32xf32, #tpu.memory_space<hbm>>
      tpu.wait_indirect_dma semaphore(%arg9 : memref<!tpu.dma_semaphore, #tpu.memory_space<semaphore_mem>>) src(%dma_wait3A_1285 : memref<2600000x32xf32, #tpu.memory_space<hbm>>) dst(%dma_wait3A_1279 : memref<128x32xf32, #tpu.memory_space<vmem>>)
      %scan3A_1286 = arith.constant 0 : i32
      %scan3A_1287 = arith.constant 0 : i32
      %scan3A_1288 = arith.constant 32 : i32
      %scan3A_1289 = arith.addi %scan3A_1287, %scan3A_1288 : i32
      %scan3A_1290 = arith.constant 1 : i32
      scf.for %scan3A_1292 = %scan3A_1287 to %scan3A_1289 step %scan3A_1290  : i32 {
        %mul3A_1293 = arith.constant 20 : i32
        %mul3A_1294 = arith.muli %scan3A_1292, %mul3A_1293 : i32
        %add3A_1295 = arith.constant 640 : i32
        %add3A_1296 = arith.addi %add3A_1295, %mul3A_1294 : i32
        %get3A_1297 = arith.index_cast %add3A_1296 : i32 to index
        %get3A_1298 = arith.constant 0 : index
        %get3A_1299 = tpu.vector_load %arg6[%get3A_1297, %get3A_1298] {strides = array<i32>} : memref<1280x32xf32, #tpu.memory_space<vmem>>, vector<1x16xf32>,
        %get3A_1300 = vector.shape_cast %get3A_1299 : vector<1x16xf32> to vector<16xf32>
        %add3A_1301 = arith.constant 1 : i32
        %add3A_1302 = arith.addi %add3A_1296, %add3A_1301 : i32
        %get3A_1303 = arith.index_cast %add3A_1302 : i32 to index
        %get3A_1304 = arith.constant 0 : index
        %get3A_1305 = tpu.vector_load %arg6[%get3A_1303, %get3A_1304] {strides = array<i32>} : memref<1280x32xf32, #tpu.memory_space<vmem>>, vector<1x16xf32>,
        %get3A_1306 = vector.shape_cast %get3A_1305 : vector<1x16xf32> to vector<16xf32>
        %add3A_1307 = arith.addf %get3A_1300, %get3A_1306 : vector<16xf32>
        %add3A_1308 = arith.constant 2 : i32
        %add3A_1309 = arith.addi %add3A_1296, %add3A_1308 : i32
        %get3A_1310 = arith.index_cast %add3A_1309 : i32 to index
        %get3A_1311 = arith.constant 0 : index
        %get3A_1312 = tpu.vector_load %arg6[%get3A_1310, %get3A_1311] {strides = array<i32>} : memref<1280x32xf32, #tpu.memory_space<vmem>>, vector<1x16xf32>,
        %get3A_1313 = vector.shape_cast %get3A_1312 : vector<1x16xf32> to vector<16xf32>
        %add3A_1314 = arith.addf %add3A_1307, %get3A_1313 : vector<16xf32>
        %add3A_1315 = arith.constant 3 : i32
        %add3A_1316 = arith.addi %add3A_1296, %add3A_1315 : i32
        %get3A_1317 = arith.index_cast %add3A_1316 : i32 to index
        %get3A_1318 = arith.constant 0 : index
        %get3A_1319 = tpu.vector_load %arg6[%get3A_1317, %get3A_1318] {strides = array<i32>} : memref<1280x32xf32, #tpu.memory_space<vmem>>, vector<1x16xf32>,
        %get3A_1320 = vector.shape_cast %get3A_1319 : vector<1x16xf32> to vector<16xf32>
        %add3A_1321 = arith.addf %add3A_1314, %get3A_1320 : vector<16xf32>
        %add3A_1322 = arith.constant 4 : i32
        %add3A_1323 = arith.addi %add3A_1296, %add3A_1322 : i32
        %get3A_1324 = arith.index_cast %add3A_1323 : i32 to index
        %get3A_1325 = arith.constant 0 : index
        %get3A_1326 = tpu.vector_load %arg6[%get3A_1324, %get3A_1325] {strides = array<i32>} : memref<1280x32xf32, #tpu.memory_space<vmem>>, vector<1x16xf32>,
        %get3A_1327 = vector.shape_cast %get3A_1326 : vector<1x16xf32> to vector<16xf32>
        %add3A_1328 = arith.addf %add3A_1321, %get3A_1327 : vector<16xf32>
        %add3A_1329 = arith.constant 5 : i32
        %add3A_1330 = arith.addi %add3A_1296, %add3A_1329 : i32
        %get3A_1331 = arith.index_cast %add3A_1330 : i32 to index
        %get3A_1332 = arith.constant 0 : index
        %get3A_1333 = tpu.vector_load %arg6[%get3A_1331, %get3A_1332] {strides = array<i32>} : memref<1280x32xf32, #tpu.memory_space<vmem>>, vector<1x16xf32>,
        %get3A_1334 = vector.shape_cast %get3A_1333 : vector<1x16xf32> to vector<16xf32>
        %add3A_1335 = arith.addf %add3A_1328, %get3A_1334 : vector<16xf32>
        %add3A_1336 = arith.constant 6 : i32
        %add3A_1337 = arith.addi %add3A_1296, %add3A_1336 : i32
        %get3A_1338 = arith.index_cast %add3A_1337 : i32 to index
        %get3A_1339 = arith.constant 0 : index
        %get3A_1340 = tpu.vector_load %arg6[%get3A_1338, %get3A_1339] {strides = array<i32>} : memref<1280x32xf32, #tpu.memory_space<vmem>>, vector<1x16xf32>,
        %get3A_1341 = vector.shape_cast %get3A_1340 : vector<1x16xf32> to vector<16xf32>
        %add3A_1342 = arith.addf %add3A_1335, %get3A_1341 : vector<16xf32>
        %add3A_1343 = arith.constant 7 : i32
        %add3A_1344 = arith.addi %add3A_1296, %add3A_1343 : i32
        %get3A_1345 = arith.index_cast %add3A_1344 : i32 to index
        %get3A_1346 = arith.constant 0 : index
        %get3A_1347 = tpu.vector_load %arg6[%get3A_1345, %get3A_1346] {strides = array<i32>} : memref<1280x32xf32, #tpu.memory_space<vmem>>, vector<1x16xf32>,
        %get3A_1348 = vector.shape_cast %get3A_1347 : vector<1x16xf32> to vector<16xf32>
        %add3A_1349 = arith.addf %add3A_1342, %get3A_1348 : vector<16xf32>
        %add3A_1350 = arith.constant 8 : i32
        %add3A_1351 = arith.addi %add3A_1296, %add3A_1350 : i32
        %get3A_1352 = arith.index_cast %add3A_1351 : i32 to index
        %get3A_1353 = arith.constant 0 : index
        %get3A_1354 = tpu.vector_load %arg6[%get3A_1352, %get3A_1353] {strides = array<i32>} : memref<1280x32xf32, #tpu.memory_space<vmem>>, vector<1x16xf32>,
        %get3A_1355 = vector.shape_cast %get3A_1354 : vector<1x16xf32> to vector<16xf32>
        %add3A_1356 = arith.addf %add3A_1349, %get3A_1355 : vector<16xf32>
        %add3A_1357 = arith.constant 9 : i32
        %add3A_1358 = arith.addi %add3A_1296, %add3A_1357 : i32
        %get3A_1359 = arith.index_cast %add3A_1358 : i32 to index
        %get3A_1360 = arith.constant 0 : index
        %get3A_1361 = tpu.vector_load %arg6[%get3A_1359, %get3A_1360] {strides = array<i32>} : memref<1280x32xf32, #tpu.memory_space<vmem>>, vector<1x16xf32>,
        %get3A_1362 = vector.shape_cast %get3A_1361 : vector<1x16xf32> to vector<16xf32>
        %add3A_1363 = arith.addf %add3A_1356, %get3A_1362 : vector<16xf32>
        %add3A_1364 = arith.constant 10 : i32
        %add3A_1365 = arith.addi %add3A_1296, %add3A_1364 : i32
        %get3A_1366 = arith.index_cast %add3A_1365 : i32 to index
        %get3A_1367 = arith.constant 0 : index
        %get3A_1368 = tpu.vector_load %arg6[%get3A_1366, %get3A_1367] {strides = array<i32>} : memref<1280x32xf32, #tpu.memory_space<vmem>>, vector<1x16xf32>,
        %get3A_1369 = vector.shape_cast %get3A_1368 : vector<1x16xf32> to vector<16xf32>
        %add3A_1370 = arith.addf %add3A_1363, %get3A_1369 : vector<16xf32>
        %add3A_1371 = arith.constant 11 : i32
        %add3A_1372 = arith.addi %add3A_1296, %add3A_1371 : i32
        %get3A_1373 = arith.index_cast %add3A_1372 : i32 to index
        %get3A_1374 = arith.constant 0 : index
        %get3A_1375 = tpu.vector_load %arg6[%get3A_1373, %get3A_1374] {strides = array<i32>} : memref<1280x32xf32, #tpu.memory_space<vmem>>, vector<1x16xf32>,
        %get3A_1376 = vector.shape_cast %get3A_1375 : vector<1x16xf32> to vector<16xf32>
        %add3A_1377 = arith.addf %add3A_1370, %get3A_1376 : vector<16xf32>
        %add3A_1378 = arith.constant 12 : i32
        %add3A_1379 = arith.addi %add3A_1296, %add3A_1378 : i32
        %get3A_1380 = arith.index_cast %add3A_1379 : i32 to index
        %get3A_1381 = arith.constant 0 : index
        %get3A_1382 = tpu.vector_load %arg6[%get3A_1380, %get3A_1381] {strides = array<i32>} : memref<1280x32xf32, #tpu.memory_space<vmem>>, vector<1x16xf32>,
        %get3A_1383 = vector.shape_cast %get3A_1382 : vector<1x16xf32> to vector<16xf32>
        %add3A_1384 = arith.addf %add3A_1377, %get3A_1383 : vector<16xf32>
        %add3A_1385 = arith.constant 13 : i32
        %add3A_1386 = arith.addi %add3A_1296, %add3A_1385 : i32
        %get3A_1387 = arith.index_cast %add3A_1386 : i32 to index
        %get3A_1388 = arith.constant 0 : index
        %get3A_1389 = tpu.vector_load %arg6[%get3A_1387, %get3A_1388] {strides = array<i32>} : memref<1280x32xf32, #tpu.memory_space<vmem>>, vector<1x16xf32>,
        %get3A_1390 = vector.shape_cast %get3A_1389 : vector<1x16xf32> to vector<16xf32>
        %add3A_1391 = arith.addf %add3A_1384, %get3A_1390 : vector<16xf32>
        %add3A_1392 = arith.constant 14 : i32
        %add3A_1393 = arith.addi %add3A_1296, %add3A_1392 : i32
        %get3A_1394 = arith.index_cast %add3A_1393 : i32 to index
        %get3A_1395 = arith.constant 0 : index
        %get3A_1396 = tpu.vector_load %arg6[%get3A_1394, %get3A_1395] {strides = array<i32>} : memref<1280x32xf32, #tpu.memory_space<vmem>>, vector<1x16xf32>,
        %get3A_1397 = vector.shape_cast %get3A_1396 : vector<1x16xf32> to vector<16xf32>
        %add3A_1398 = arith.addf %add3A_1391, %get3A_1397 : vector<16xf32>
        %add3A_1399 = arith.constant 15 : i32
        %add3A_1400 = arith.addi %add3A_1296, %add3A_1399 : i32
        %get3A_1401 = arith.index_cast %add3A_1400 : i32 to index
        %get3A_1402 = arith.constant 0 : index
        %get3A_1403 = tpu.vector_load %arg6[%get3A_1401, %get3A_1402] {strides = array<i32>} : memref<1280x32xf32, #tpu.memory_space<vmem>>, vector<1x16xf32>,
        %get3A_1404 = vector.shape_cast %get3A_1403 : vector<1x16xf32> to vector<16xf32>
        %add3A_1405 = arith.addf %add3A_1398, %get3A_1404 : vector<16xf32>
        %add3A_1406 = arith.constant 16 : i32
        %add3A_1407 = arith.addi %add3A_1296, %add3A_1406 : i32
        %get3A_1408 = arith.index_cast %add3A_1407 : i32 to index
        %get3A_1409 = arith.constant 0 : index
        %get3A_1410 = tpu.vector_load %arg6[%get3A_1408, %get3A_1409] {strides = array<i32>} : memref<1280x32xf32, #tpu.memory_space<vmem>>, vector<1x16xf32>,
        %get3A_1411 = vector.shape_cast %get3A_1410 : vector<1x16xf32> to vector<16xf32>
        %add3A_1412 = arith.addf %add3A_1405, %get3A_1411 : vector<16xf32>
        %add3A_1413 = arith.constant 17 : i32
        %add3A_1414 = arith.addi %add3A_1296, %add3A_1413 : i32
        %get3A_1415 = arith.index_cast %add3A_1414 : i32 to index
        %get3A_1416 = arith.constant 0 : index
        %get3A_1417 = tpu.vector_load %arg6[%get3A_1415, %get3A_1416] {strides = array<i32>} : memref<1280x32xf32, #tpu.memory_space<vmem>>, vector<1x16xf32>,
        %get3A_1418 = vector.shape_cast %get3A_1417 : vector<1x16xf32> to vector<16xf32>
        %add3A_1419 = arith.addf %add3A_1412, %get3A_1418 : vector<16xf32>
        %add3A_1420 = arith.constant 18 : i32
        %add3A_1421 = arith.addi %add3A_1296, %add3A_1420 : i32
        %get3A_1422 = arith.index_cast %add3A_1421 : i32 to index
        %get3A_1423 = arith.constant 0 : index
        %get3A_1424 = tpu.vector_load %arg6[%get3A_1422, %get3A_1423] {strides = array<i32>} : memref<1280x32xf32, #tpu.memory_space<vmem>>, vector<1x16xf32>,
        %get3A_1425 = vector.shape_cast %get3A_1424 : vector<1x16xf32> to vector<16xf32>
        %add3A_1426 = arith.addf %add3A_1419, %get3A_1425 : vector<16xf32>
        %add3A_1427 = arith.constant 19 : i32
        %add3A_1428 = arith.addi %add3A_1296, %add3A_1427 : i32
        %get3A_1429 = arith.index_cast %add3A_1428 : i32 to index
        %get3A_1430 = arith.constant 0 : index
        %get3A_1431 = tpu.vector_load %arg6[%get3A_1429, %get3A_1430] {strides = array<i32>} : memref<1280x32xf32, #tpu.memory_space<vmem>>, vector<1x16xf32>,
        %get3A_1432 = vector.shape_cast %get3A_1431 : vector<1x16xf32> to vector<16xf32>
        %add3A_1433 = arith.addf %add3A_1426, %get3A_1432 : vector<16xf32>
        %mul3A_1434 = arith.constant 32 : i32
        %mul3A_1435 = arith.muli %add3A_619, %mul3A_1434 : i32
        %add3A_1436 = arith.constant 0 : i32
        %add3A_1437 = arith.addi %mul3A_1435, %add3A_1436 : i32
        %swap3A_1438 = arith.index_cast %scan3A_1292 : i32 to index
        %swap3A_1439 = arith.index_cast %add3A_1437 : i32 to index
        %swap3A_1440 = tpu.vector_load %arg7[%swap3A_1438, %swap3A_1439] {strides = array<i32>} : memref<32x832xf32, #tpu.memory_space<vmem>>, vector<1x16xf32>,
        %swap3A_1441 = vector.shape_cast %swap3A_1440 : vector<1x16xf32> to vector<16xf32>
        %swap3A_1442 = vector.shape_cast %add3A_1433 : vector<16xf32> to vector<1x16xf32>
        tpu.vector_store %arg7[%swap3A_1438, %swap3A_1439], %swap3A_1442 {strides = array<i32>} : memref<32x832xf32, #tpu.memory_space<vmem>>, vector<1x16xf32>,
        %get3A_1443 = arith.index_cast %add3A_1296 : i32 to index
        %get3A_1444 = arith.constant 16 : index
        %get3A_1445 = tpu.vector_load %arg6[%get3A_1443, %get3A_1444] {strides = array<i32>} : memref<1280x32xf32, #tpu.memory_space<vmem>>, vector<1x16xf32>,
        %get3A_1446 = vector.shape_cast %get3A_1445 : vector<1x16xf32> to vector<16xf32>
        %add3A_1447 = arith.constant 1 : i32
        %add3A_1448 = arith.addi %add3A_1296, %add3A_1447 : i32
        %get3A_1449 = arith.index_cast %add3A_1448 : i32 to index
        %get3A_1450 = arith.constant 16 : index
        %get3A_1451 = tpu.vector_load %arg6[%get3A_1449, %get3A_1450] {strides = array<i32>} : memref<1280x32xf32, #tpu.memory_space<vmem>>, vector<1x16xf32>,
        %get3A_1452 = vector.shape_cast %get3A_1451 : vector<1x16xf32> to vector<16xf32>
        %add3A_1453 = arith.addf %get3A_1446, %get3A_1452 : vector<16xf32>
        %add3A_1454 = arith.constant 2 : i32
        %add3A_1455 = arith.addi %add3A_1296, %add3A_1454 : i32
        %get3A_1456 = arith.index_cast %add3A_1455 : i32 to index
        %get3A_1457 = arith.constant 16 : index
        %get3A_1458 = tpu.vector_load %arg6[%get3A_1456, %get3A_1457] {strides = array<i32>} : memref<1280x32xf32, #tpu.memory_space<vmem>>, vector<1x16xf32>,
        %get3A_1459 = vector.shape_cast %get3A_1458 : vector<1x16xf32> to vector<16xf32>
        %add3A_1460 = arith.addf %add3A_1453, %get3A_1459 : vector<16xf32>
        %add3A_1461 = arith.constant 3 : i32
        %add3A_1462 = arith.addi %add3A_1296, %add3A_1461 : i32
        %get3A_1463 = arith.index_cast %add3A_1462 : i32 to index
        %get3A_1464 = arith.constant 16 : index
        %get3A_1465 = tpu.vector_load %arg6[%get3A_1463, %get3A_1464] {strides = array<i32>} : memref<1280x32xf32, #tpu.memory_space<vmem>>, vector<1x16xf32>,
        %get3A_1466 = vector.shape_cast %get3A_1465 : vector<1x16xf32> to vector<16xf32>
        %add3A_1467 = arith.addf %add3A_1460, %get3A_1466 : vector<16xf32>
        %add3A_1468 = arith.constant 4 : i32
        %add3A_1469 = arith.addi %add3A_1296, %add3A_1468 : i32
        %get3A_1470 = arith.index_cast %add3A_1469 : i32 to index
        %get3A_1471 = arith.constant 16 : index
        %get3A_1472 = tpu.vector_load %arg6[%get3A_1470, %get3A_1471] {strides = array<i32>} : memref<1280x32xf32, #tpu.memory_space<vmem>>, vector<1x16xf32>,
        %get3A_1473 = vector.shape_cast %get3A_1472 : vector<1x16xf32> to vector<16xf32>
        %add3A_1474 = arith.addf %add3A_1467, %get3A_1473 : vector<16xf32>
        %add3A_1475 = arith.constant 5 : i32
        %add3A_1476 = arith.addi %add3A_1296, %add3A_1475 : i32
        %get3A_1477 = arith.index_cast %add3A_1476 : i32 to index
        %get3A_1478 = arith.constant 16 : index
        %get3A_1479 = tpu.vector_load %arg6[%get3A_1477, %get3A_1478] {strides = array<i32>} : memref<1280x32xf32, #tpu.memory_space<vmem>>, vector<1x16xf32>,
        %get3A_1480 = vector.shape_cast %get3A_1479 : vector<1x16xf32> to vector<16xf32>
        %add3A_1481 = arith.addf %add3A_1474, %get3A_1480 : vector<16xf32>
        %add3A_1482 = arith.constant 6 : i32
        %add3A_1483 = arith.addi %add3A_1296, %add3A_1482 : i32
        %get3A_1484 = arith.index_cast %add3A_1483 : i32 to index
        %get3A_1485 = arith.constant 16 : index
        %get3A_1486 = tpu.vector_load %arg6[%get3A_1484, %get3A_1485] {strides = array<i32>} : memref<1280x32xf32, #tpu.memory_space<vmem>>, vector<1x16xf32>,
        %get3A_1487 = vector.shape_cast %get3A_1486 : vector<1x16xf32> to vector<16xf32>
        %add3A_1488 = arith.addf %add3A_1481, %get3A_1487 : vector<16xf32>
        %add3A_1489 = arith.constant 7 : i32
        %add3A_1490 = arith.addi %add3A_1296, %add3A_1489 : i32
        %get3A_1491 = arith.index_cast %add3A_1490 : i32 to index
        %get3A_1492 = arith.constant 16 : index
        %get3A_1493 = tpu.vector_load %arg6[%get3A_1491, %get3A_1492] {strides = array<i32>} : memref<1280x32xf32, #tpu.memory_space<vmem>>, vector<1x16xf32>,
        %get3A_1494 = vector.shape_cast %get3A_1493 : vector<1x16xf32> to vector<16xf32>
        %add3A_1495 = arith.addf %add3A_1488, %get3A_1494 : vector<16xf32>
        %add3A_1496 = arith.constant 8 : i32
        %add3A_1497 = arith.addi %add3A_1296, %add3A_1496 : i32
        %get3A_1498 = arith.index_cast %add3A_1497 : i32 to index
        %get3A_1499 = arith.constant 16 : index
        %get3A_1500 = tpu.vector_load %arg6[%get3A_1498, %get3A_1499] {strides = array<i32>} : memref<1280x32xf32, #tpu.memory_space<vmem>>, vector<1x16xf32>,
        %get3A_1501 = vector.shape_cast %get3A_1500 : vector<1x16xf32> to vector<16xf32>
        %add3A_1502 = arith.addf %add3A_1495, %get3A_1501 : vector<16xf32>
        %add3A_1503 = arith.constant 9 : i32
        %add3A_1504 = arith.addi %add3A_1296, %add3A_1503 : i32
        %get3A_1505 = arith.index_cast %add3A_1504 : i32 to index
        %get3A_1506 = arith.constant 16 : index
        %get3A_1507 = tpu.vector_load %arg6[%get3A_1505, %get3A_1506] {strides = array<i32>} : memref<1280x32xf32, #tpu.memory_space<vmem>>, vector<1x16xf32>,
        %get3A_1508 = vector.shape_cast %get3A_1507 : vector<1x16xf32> to vector<16xf32>
        %add3A_1509 = arith.addf %add3A_1502, %get3A_1508 : vector<16xf32>
        %add3A_1510 = arith.constant 10 : i32
        %add3A_1511 = arith.addi %add3A_1296, %add3A_1510 : i32
        %get3A_1512 = arith.index_cast %add3A_1511 : i32 to index
        %get3A_1513 = arith.constant 16 : index
        %get3A_1514 = tpu.vector_load %arg6[%get3A_1512, %get3A_1513] {strides = array<i32>} : memref<1280x32xf32, #tpu.memory_space<vmem>>, vector<1x16xf32>,
        %get3A_1515 = vector.shape_cast %get3A_1514 : vector<1x16xf32> to vector<16xf32>
        %add3A_1516 = arith.addf %add3A_1509, %get3A_1515 : vector<16xf32>
        %add3A_1517 = arith.constant 11 : i32
        %add3A_1518 = arith.addi %add3A_1296, %add3A_1517 : i32
        %get3A_1519 = arith.index_cast %add3A_1518 : i32 to index
        %get3A_1520 = arith.constant 16 : index
        %get3A_1521 = tpu.vector_load %arg6[%get3A_1519, %get3A_1520] {strides = array<i32>} : memref<1280x32xf32, #tpu.memory_space<vmem>>, vector<1x16xf32>,
        %get3A_1522 = vector.shape_cast %get3A_1521 : vector<1x16xf32> to vector<16xf32>
        %add3A_1523 = arith.addf %add3A_1516, %get3A_1522 : vector<16xf32>
        %add3A_1524 = arith.constant 12 : i32
        %add3A_1525 = arith.addi %add3A_1296, %add3A_1524 : i32
        %get3A_1526 = arith.index_cast %add3A_1525 : i32 to index
        %get3A_1527 = arith.constant 16 : index
        %get3A_1528 = tpu.vector_load %arg6[%get3A_1526, %get3A_1527] {strides = array<i32>} : memref<1280x32xf32, #tpu.memory_space<vmem>>, vector<1x16xf32>,
        %get3A_1529 = vector.shape_cast %get3A_1528 : vector<1x16xf32> to vector<16xf32>
        %add3A_1530 = arith.addf %add3A_1523, %get3A_1529 : vector<16xf32>
        %add3A_1531 = arith.constant 13 : i32
        %add3A_1532 = arith.addi %add3A_1296, %add3A_1531 : i32
        %get3A_1533 = arith.index_cast %add3A_1532 : i32 to index
        %get3A_1534 = arith.constant 16 : index
        %get3A_1535 = tpu.vector_load %arg6[%get3A_1533, %get3A_1534] {strides = array<i32>} : memref<1280x32xf32, #tpu.memory_space<vmem>>, vector<1x16xf32>,
        %get3A_1536 = vector.shape_cast %get3A_1535 : vector<1x16xf32> to vector<16xf32>
        %add3A_1537 = arith.addf %add3A_1530, %get3A_1536 : vector<16xf32>
        %add3A_1538 = arith.constant 14 : i32
        %add3A_1539 = arith.addi %add3A_1296, %add3A_1538 : i32
        %get3A_1540 = arith.index_cast %add3A_1539 : i32 to index
        %get3A_1541 = arith.constant 16 : index
        %get3A_1542 = tpu.vector_load %arg6[%get3A_1540, %get3A_1541] {strides = array<i32>} : memref<1280x32xf32, #tpu.memory_space<vmem>>, vector<1x16xf32>,
        %get3A_1543 = vector.shape_cast %get3A_1542 : vector<1x16xf32> to vector<16xf32>
        %add3A_1544 = arith.addf %add3A_1537, %get3A_1543 : vector<16xf32>
        %add3A_1545 = arith.constant 15 : i32
        %add3A_1546 = arith.addi %add3A_1296, %add3A_1545 : i32
        %get3A_1547 = arith.index_cast %add3A_1546 : i32 to index
        %get3A_1548 = arith.constant 16 : index
        %get3A_1549 = tpu.vector_load %arg6[%get3A_1547, %get3A_1548] {strides = array<i32>} : memref<1280x32xf32, #tpu.memory_space<vmem>>, vector<1x16xf32>,
        %get3A_1550 = vector.shape_cast %get3A_1549 : vector<1x16xf32> to vector<16xf32>
        %add3A_1551 = arith.addf %add3A_1544, %get3A_1550 : vector<16xf32>
        %add3A_1552 = arith.constant 16 : i32
        %add3A_1553 = arith.addi %add3A_1296, %add3A_1552 : i32
        %get3A_1554 = arith.index_cast %add3A_1553 : i32 to index
        %get3A_1555 = arith.constant 16 : index
        %get3A_1556 = tpu.vector_load %arg6[%get3A_1554, %get3A_1555] {strides = array<i32>} : memref<1280x32xf32, #tpu.memory_space<vmem>>, vector<1x16xf32>,
        %get3A_1557 = vector.shape_cast %get3A_1556 : vector<1x16xf32> to vector<16xf32>
        %add3A_1558 = arith.addf %add3A_1551, %get3A_1557 : vector<16xf32>
        %add3A_1559 = arith.constant 17 : i32
        %add3A_1560 = arith.addi %add3A_1296, %add3A_1559 : i32
        %get3A_1561 = arith.index_cast %add3A_1560 : i32 to index
        %get3A_1562 = arith.constant 16 : index
        %get3A_1563 = tpu.vector_load %arg6[%get3A_1561, %get3A_1562] {strides = array<i32>} : memref<1280x32xf32, #tpu.memory_space<vmem>>, vector<1x16xf32>,
        %get3A_1564 = vector.shape_cast %get3A_1563 : vector<1x16xf32> to vector<16xf32>
        %add3A_1565 = arith.addf %add3A_1558, %get3A_1564 : vector<16xf32>
        %add3A_1566 = arith.constant 18 : i32
        %add3A_1567 = arith.addi %add3A_1296, %add3A_1566 : i32
        %get3A_1568 = arith.index_cast %add3A_1567 : i32 to index
        %get3A_1569 = arith.constant 16 : index
        %get3A_1570 = tpu.vector_load %arg6[%get3A_1568, %get3A_1569] {strides = array<i32>} : memref<1280x32xf32, #tpu.memory_space<vmem>>, vector<1x16xf32>,
        %get3A_1571 = vector.shape_cast %get3A_1570 : vector<1x16xf32> to vector<16xf32>
        %add3A_1572 = arith.addf %add3A_1565, %get3A_1571 : vector<16xf32>
        %add3A_1573 = arith.constant 19 : i32
        %add3A_1574 = arith.addi %add3A_1296, %add3A_1573 : i32
        %get3A_1575 = arith.index_cast %add3A_1574 : i32 to index
        %get3A_1576 = arith.constant 16 : index
        %get3A_1577 = tpu.vector_load %arg6[%get3A_1575, %get3A_1576] {strides = array<i32>} : memref<1280x32xf32, #tpu.memory_space<vmem>>, vector<1x16xf32>,
        %get3A_1578 = vector.shape_cast %get3A_1577 : vector<1x16xf32> to vector<16xf32>
        %add3A_1579 = arith.addf %add3A_1572, %get3A_1578 : vector<16xf32>
        %mul3A_1580 = arith.constant 32 : i32
        %mul3A_1581 = arith.muli %add3A_619, %mul3A_1580 : i32
        %add3A_1582 = arith.constant 16 : i32
        %add3A_1583 = arith.addi %mul3A_1581, %add3A_1582 : i32
        %swap3A_1584 = arith.index_cast %scan3A_1292 : i32 to index
        %swap3A_1585 = arith.index_cast %add3A_1583 : i32 to index
        %swap3A_1586 = tpu.vector_load %arg7[%swap3A_1584, %swap3A_1585] {strides = array<i32>} : memref<32x832xf32, #tpu.memory_space<vmem>>, vector<1x16xf32>,
        %swap3A_1587 = vector.shape_cast %swap3A_1586 : vector<1x16xf32> to vector<16xf32>
        %swap3A_1588 = vector.shape_cast %add3A_1579 : vector<16xf32> to vector<1x16xf32>
        tpu.vector_store %arg7[%swap3A_1584, %swap3A_1585], %swap3A_1588 {strides = array<i32>} : memref<32x832xf32, #tpu.memory_space<vmem>>, vector<1x16xf32>,
      }
      %scan3A_1291 = arith.constant 32 : i32
    }
    %scan3A_612 = arith.constant 13 : i32
    %mul3A_613 = arith.constant 32 : i32
    %mul3A_614 = arith.muli %add3A, %mul3A_613 : i32
    "tpu.region"() ({
      %run_scoped3A = tpu.sem_alloc : memref<!tpu.dma_semaphore, #tpu.memory_space<semaphore_mem>>
      %dma_start3A_615 = arith.constant 0 : i32
      %dma_start3A_616 = tpu.memref_slice %arg4[%mul3A_614, %dma_start3A_615] : memref<1024x832xf32, #tpu.memory_space<hbm>> -> memref<32x832xf32, #tpu.memory_space<hbm>>
      %dma_start3A_617 = arith.constant 0 : i32
      %dma_start3A_618 = tpu.memref_slice %arg4[%mul3A_614, %dma_start3A_617] : memref<1024x832xf32, #tpu.memory_space<hbm>> -> memref<32x832xf32, #tpu.memory_space<hbm>>
      tpu.enqueue_dma source(%arg7 : memref<32x832xf32, #tpu.memory_space<vmem>>) target(%dma_start3A_618 : memref<32x832xf32, #tpu.memory_space<hbm>>) target_semaphore(%run_scoped3A : memref<!tpu.dma_semaphore, #tpu.memory_space<semaphore_mem>>)
      %dma_wait3A = arith.constant 0 : i32
      %dma_wait3A_619 = tpu.memref_slice %arg4[%mul3A_614, %dma_wait3A] : memref<1024x832xf32, #tpu.memory_space<hbm>> -> memref<32x832xf32, #tpu.memory_space<hbm>>
      %dma_wait3A_620 = arith.constant 0 : i32
      %dma_wait3A_621 = tpu.memref_slice %arg4[%mul3A_614, %dma_wait3A_620] : memref<1024x832xf32, #tpu.memory_space<hbm>> -> memref<32x832xf32, #tpu.memory_space<hbm>>
      tpu.wait_dma2 semaphore(%run_scoped3A : memref<!tpu.dma_semaphore, #tpu.memory_space<semaphore_mem>>) src(%arg7 : memref<32x832xf32, #tpu.memory_space<vmem>>) dst(%dma_wait3A_621 : memref<32x832xf32, #tpu.memory_space<hbm>>)
      tpu.yield
    }) : () -> ()
    return
  }
}

</mosaic_0001>

<sc_bundles>
// kernel: kernel.3.cloned.1.call-start
scs
__scs_entry_jumppad:
0x0: {  	(pc) =	sbr.rel $0x88, $3  }
0x1: {  	(tag) =	ssettag $0x0;
	lr =	simm.s32 $0x1  }
0x2: {  	[smem:$0x3F9F] =	sst lr;
	_ =	strace $0xD0000000  }
0x3: {  	_ = 	snop  }
0x4: {  	_ = 	snop  }
0x5: {  	_ = 	snop  }
0x6: {  	_ = 	snop  }
0x7: {  	_ = 	snop  }
__scs_overlays_trampoline_lowered:
0x8: {  	[smem:$0x3FAE] =	sst s0  }
0x9: {  	[smem:$0x3FAF] =	sst s1  }
0xa: {  	[smem:$0x3FB0] =	sst s2  }
0xb: {  	[smem:$0x3FB1] =	sst s3  }
0xc: {  	[smem:$0x3FB2] =	sst s4  }
0xd: {  	[smem:$0x3FB3] =	sst s5  }
0xe: {  	[smem:$0x3FB4] =	sst s6  }
0xf: {  	[smem:$0x3FB5] =	sst s7  }
0x10: {  	[smem:$0x3FB6] =	sst s8  }
0x11: {  	[smem:$0x3FB7] =	sst s9;
	s0 =	simm.s32 @!p0 $0x0  }
0x12: {  	s1 =	sld [smem:$0x3F9D];
	s0 =	simm.s32 @p0 $0x1  }
0x13: {  	[smem:$0x3FB8] =	sst s0;
	s0 =	simm.s32 @!p1 $0x0  }
0x14: {  	s2 =	sld [smem:$0x3F9C];
	s0 =	simm.s32 @p1 $0x1  }
0x15: {  	[smem:$0x3FB9] =	sst s0;
	s0 =	simm.s32 @!p2 $0x0  }
0x16: {  	s3 =	sld [smem:$0x3FDB];
	s0 =	simm.s32 @p2 $0x1  }
0x17: {  	s4 =	simm.s32 $0x1BF5;
	[smem:$0x3FBB] =	sst s0  }
0x18: {  	s0 =	sld [smem:$0x3F9E];
	_ =	swait.ge [sflag:s4], $0x0  }
0x19: {  	s7 =	sld [smem:$0x3F9F]  }
0x1a: {  	s8 =	sadd.s32 $0xFFFFE003, lr  }
0x1b: {  	s9 =	sadd.s32 $0xFFFFFEF7, lr;
	s5 =	simm.s32 $0xFFFFFFFF;
	p2 =	slt.u32 s8, $0xFFFFF086  }
0x1c: {  	p1 =	slt.u32 s9, $0xF7A;
	s5 =	simm.s32 @!p2 $0x0  }
0x1d: {  	s5 =	simm.s32 @p1 $0x1;
	p0 =	seq.s32 s7, s2  }
0x1e: {  	s7 =	smul.u32 @!p0 $0xF7A, s2;
	p2 =	seq.s32 @!p0 s5, $0x0  }
0x1f: {  	s9 =	smul.u32 $0xF7A, s1;
	s8 =	simm.s32 @!p0 $0x1BF5;
	p2 =	por !p2, p0  }
0x20: {  	[sflag:s8] =	ssyncset.s32 @!p0 $0xFFFFF086;
	s6 =	sadd.s32 @!p0 s3, s7;
	s7 =	simm.s32 @!p0 $0x108  }
0x21: {  	s3 =	sadd.s32 s3, s9;
	s6 =	sadd.s32 @!p0 $0x88, s6;
	s7 =	simm.s32 @p2 $0x1082  }
0x22: {  	[simem:s7], [sflag:s8] =	dma.local @!p0 [hbm:s6], $0xF7A  }
0x23: {  	s9 =	sor.u32 $0xD0000000, s2;
	s6 =	simm.s32 $0x108;
	_ =	swait.ge @!p0 [sflag:s8], $0x0  }
0x24: {  	s3 =	sadd.s32 $0x88, s3;
	s6 =	simm.s32 @!p1 $0x1082;
	[sflag:s4] =	ssyncset.s32 $0xFFFFF086  }
0x25: {  	[simem:s6], [sflag:s4] =	dma.local [hbm:s3], $0xF7A  }
0x26: {  	[smem:$0x3F9F] =	sst s1;
	(tag) =	ssettag s2;
	_ =	strace s9  }
0x27: {  	s1 =	sld [smem:$0x3FAF]  }
0x28: {  	s2 =	sld [smem:$0x3FB0]  }
0x29: {  	s4 =	sld [smem:$0x3FB2]  }
0x2a: {  	p0 =	seq.s32 s5, $0x0;
	s5 =	sld [smem:$0x3FB3]  }
0x2b: {  	s6 =	sld [smem:$0x3FB4]  }
0x2c: {  	s7 =	sld [smem:$0x3FB5]  }
0x2d: {  	s3 =	simm.s32 $0x108;
	s8 =	sld [smem:$0x3FB6]  }
0x2e: {  	s3 =	simm.s32 @!p0 $0x1082;
	s9 =	sld [smem:$0x3FB7]  }
0x2f: {  	lr =	sadd.s32 s0, s3;
	s0 =	sld [smem:$0x3FAE]  }
0x30: {  	s3 =	sld [smem:$0x3FB1]  }
0x31: {  	[smem:$0x3FBA] =	sst s10  }
0x32: {  	s10 =	sld [smem:$0x3FB8];
	_ =	sdelay $0x3  }
0x33: {  	p0 =	seq.s32 s10, $0x1;
	s10 =	sld [smem:$0x3FBA];
	_ =	sdelay $0x3  }
0x34: {  	[smem:$0x3FBA] =	sst s10  }
0x35: {  	s10 =	sld [smem:$0x3FB9];
	_ =	sdelay $0x3  }
0x36: {  	p1 =	seq.s32 s10, $0x1;
	s10 =	sld [smem:$0x3FBA];
	_ =	sdelay $0x3  }
0x37: {  	[smem:$0x3FBA] =	sst s10  }
0x38: {  	s10 =	sld [smem:$0x3FBB]  }
0x39: {  	_ = 	snop;
	(pc) =	sbr.ind lr, $3  }
0x3a: {  	_ = 	snop  }
0x3b: {  	_ = 	snop  }
0x3c: {  	p2 =	seq.s32 s10, $0x1;
	s10 =	sld [smem:$0x3FBA]  }
0x3d: {  	_ =	shalt  }
0x3e: {  	_ =	shalt  }
0x3f: {  	_ =	shalt  }
0x40: {  	_ =	shalt  }
0x41: {  	_ =	shalt  }
0x42: {  	_ =	shalt  }
0x43: {  	_ =	shalt  }
0x44: {  	_ =	shalt  }
0x45: {  	_ =	shalt  }
0x46: {  	_ =	shalt  }
0x47: {  	_ =	shalt  }
0x48: {  	_ =	shalt  }
0x49: {  	_ =	shalt  }
0x4a: {  	_ =	shalt  }
0x4b: {  	_ =	shalt  }
0x4c: {  	_ =	shalt  }
0x4d: {  	_ =	shalt  }
0x4e: {  	_ =	shalt  }
0x4f: {  	_ =	shalt  }
0x50: {  	_ =	shalt  }
0x51: {  	_ =	shalt  }
0x52: {  	_ =	shalt  }
0x53: {  	_ =	shalt  }
0x54: {  	_ =	shalt  }
0x55: {  	_ =	shalt  }
0x56: {  	_ =	shalt  }
0x57: {  	_ =	shalt  }
0x58: {  	_ =	shalt  }
0x59: {  	_ =	shalt  }
0x5a: {  	_ =	shalt  }
0x5b: {  	_ =	shalt  }
0x5c: {  	_ =	shalt  }
0x5d: {  	_ =	shalt  }
0x5e: {  	_ =	shalt  }
0x5f: {  	_ =	shalt  }
0x60: {  	_ =	shalt  }
0x61: {  	_ =	shalt  }
0x62: {  	_ =	shalt  }
0x63: {  	_ =	shalt  }
0x64: {  	_ =	shalt  }
0x65: {  	_ =	shalt  }
0x66: {  	_ =	shalt  }
0x67: {  	_ =	shalt  }
0x68: {  	_ =	shalt  }
0x69: {  	_ =	shalt  }
0x6a: {  	_ =	shalt  }
0x6b: {  	_ =	shalt  }
0x6c: {  	_ =	shalt  }
0x6d: {  	_ =	shalt  }
0x6e: {  	_ =	shalt  }
0x6f: {  	_ =	shalt  }
0x70: {  	_ =	shalt  }
0x71: {  	_ =	shalt  }
0x72: {  	_ =	shalt  }
0x73: {  	_ =	shalt  }
0x74: {  	_ =	shalt  }
0x75: {  	_ =	shalt  }
0x76: {  	_ =	shalt  }
0x77: {  	_ =	shalt  }
0x78: {  	_ =	shalt  }
0x79: {  	_ =	shalt  }
0x7a: {  	_ =	shalt  }
0x7b: {  	_ =	shalt  }
0x7c: {  	_ =	shalt  }
0x7d: {  	_ =	shalt  }
0x7e: {  	_ =	shalt  }
0x7f: {  	_ =	shalt  }
0x80: {  	_ =	shalt  }
0x81: {  	_ =	shalt  }
0x82: {  	_ =	shalt  }
0x83: {  	_ =	shalt  }
0x84: {  	_ =	shalt  }
0x85: {  	_ =	shalt  }
0x86: {  	_ =	shalt  }
0x87: {  	_ =	shalt  }
.Lfunc_end0:
.L_simem_size_0:
called_computation_lowered:
.L_overlay_start_0:
0x88: {  	s2 =	sld [smem:$0x3FD9]  }
0x89: {  	s3 =	sld [smem:$0x3FFE];
	_ =	sdelay $0x1  }
0x8a: {  	s1 =	srdreg.scid  }
0x8b: {  	s0 =	sand.u32 $0x1, s1  }
0x8c: {  	s17 =	sshll.u32 s0, $0xA;
	s2 =	sadd.s32 s3, s2  }
0x8d: {  	s2 =	sadd.s32 s2, s17  }
0x8e: {  	[smem:$0x3FC6] =	sst s2  }
0x8f: {  	_ = 	snop  }
0x90: {  	s2 =	sld [smem:$0x3FD0];
	(tm) =	ssettm $0x1  }
0x91: {  	s18 =	sld [smem:$0x3FFB];
	_ =	sdelay $0x3  }
0x92: {  	_ =	strace s18  }
0x93: {  	s3 =	sld [smem:$0x3FFC];
	_ =	sdelay $0x3  }
0x94: {  	_ =	strace s3  }
0x95: {  	s3 =	sld [smem:$0x3FFD];
	_ =	sdelay $0x3  }
0x96: {  	_ =	strace s3  }
0x97: {  	_ =	strace $0x8FFFFFFF  }
0x98: {  	s19 =	sld [smem:$0x3FDB];
	_ =	sdelay $0x1  }
0x99: {  	s4 =	simm.s32 $_scs_section_size  }
0x9a: {  	s5 =	simm.s32 $_size__tile_overlayer_lowered;
	s6 =	simm.s32 $_tile_overlayer_lowered  }
0x9b: {  	s22 =	simm.s32 $0x1BFF;
	s21 =	sshll.u32 s6, $0x1;
	s3 =	sadd.s32 s4, s19  }
0x9c: {  	s7 =	simm.s32 $0x0;
	s20 =	sshll.u32 s5, $0x1;
	s5 =	sadd.s32 s21, s3  }
0x9d: {  	[timem:s7], [sflag:s22] =	dma.local [hbm:s5], s20  }
0x9e: {  	_ =	swait.ge [sflag:s22], s20  }
0x9f: {  	s4 =	ssub.s32 $0x0, s20;
	[sflag:s22] =	ssyncset.done $0x0  }
0xa0: {  	[sflag:s22] =	ssyncadd.s32 s4;
	_ =	sdelay $0x1  }
0xa1: {  	s23 =	simm.s32 $0x1B8B  }
0xa2: {  	_ =	swait.ge [sflag:s23], $0x1  }
0xa3: {  	[sflag:s23] =	ssyncset.done $0x0  }
0xa4: {  	s25 =	simm.s32 $0x1B8E;
	s24 =	sld [smem:$0x3FFE];
	[sflag:s23] =	ssyncadd.s32 $0xFFFFFFFF  }
0xa5: {  	s26 =	simm.s32 $execute0_lowered;
	[smem:$0x3FD2] =	sst s25  }
0xa6: {  	s5 =	sshll.u32 s26, $0x1;
	_ =	strace $0x80000046;
	[dreg:$0x1] =	wrdreg $0xFFFFFFFF  }
0xa7: {  	s28 =	simm.s32 $_size_execute0_lowered;
	s3 =	sadd.s32 s3, s5;
	[dreg:$0x0] =	wrdreg $0x0  }
0xa8: {  	s5 =	sshll.u32 s28, $0x1;
	[dreg:$0x2] =	wrdreg s3  }
0xa9: {  	[dreg:$0x3] =	wrdreg s5  }
0xaa: {  	[dreg:$0x4] =	wrdreg $0xC0  }
0xab: {  	_ =	task [dreg:s7], $0x5FFFF  }
0xac: {  	[dreg:$0x1] =	wrdreg $0xFFFFFFFF  }
0xad: {  	[dreg:$0x0] =	wrdreg $0x60  }
0xae: {  	[dreg:$0x2] =	wrdreg s24  }
0xaf: {  	[dreg:$0x3] =	wrdreg s2  }
0xb0: {  	[dreg:$0x4] =	wrdreg $0x9  }
0xb1: {  	_ =	task.clear_ibuf [dreg:s7], $0x5FFFF;
	_ =	strace $0x90000046  }
0xb2: {  	s29 =	simm.s32 $0x9;
	_ =	strace $0x80000048  }
0xb3: {  	_ =	swait.ge [sflag:s29], $0x1  }
0xb4: {  	[sflag:s29] =	ssyncadd.s32 $0xFFFFFFFF  }
0xb5: {  	_ =	strace $0x90000048  }
0xb6: {  	_ =	sfence  }
0xb7: {  	s30 =	sld [smem:$0x0];
	_ =	sdelay $0x2  }
0xb8: {  	s31 =	sshll.u32 s1, $0xD;
	s1 =	sshrl.u32 s1, $0x2  }
0xb9: {  	s3 =	sand.u32 $0x4000, s31;
	s1 =	sadd.s32 s1, s30  }
0xba: {  	s0 =	sor.u32 s3, s0;
	s1 =	sshll.u32 s1, $0x11  }
0xbb: {  	s0 =	sor.u32 s1, s0  }
0xbc: {  	s0 =	sadd.s32 $0x8F2B, s0  }
0xbd: {  	[sflag:s0] =	ssyncadd.remote.s32 $0x1  }
0xbe: {  	_ =	sfence.sel $0xFFFF  }
0xbf: {  	[dreg:$0x0] =	wrdreg $0xFFFFFFFF;
	(pc) =	sbr.abs _section_cstart, $3  }
0xc0: {  	[dreg:$0x1] =	wrdreg $0xFFFFFFFF  }
0xc1: {  	_ =	task.clear_ibuf [dreg:s7], $0x2FFFF;
	_ =	strace $0x9FFFFFFF  }
0xc2: {  	(tm) =	ssettm $0x7FFFFFFF  }
0xc3: {  	_ =	shalt  }
tec
execute0_lowered:
.L_overlay_start_1:
0x0: {  	(tag) =	ssettag $0x1  }
0x1: {  	s0 =	rddreg [dreg:$0x0];
	s1 =	srdreg.scid  }
0x2: {  	s2 =	stileid.u32;
	s5 =	rddreg [dreg:$0x1];
	s8 =	simm.s32 $0x80  }
0x3: {  	s9 =	simm.s32 $0x4100;
	s10 =	simm.s32 $0x5100;
	s12 =	simm.s32 $0x6100  }
0x4: {  	s13 =	simm.s32 $0x180;
	s14 =	simm.s32 $0x7100;
	s15 =	simm.s32 $0x200  }
0x5: {  	s16 =	simm.s32 $0x8100;
	s17 =	simm.s32 $0x9100;
	s18 =	simm.s32 $0xA100  }
0x6: {  	s19 =	simm.s32 $0xB100;
	s20 =	simm.s32 $0xC100;
	s21 =	simm.s32 $0xD100  }
0x7: {  	s22 =	simm.s32 $0x1;
	s1 =	sand.u32 $0x1, s1;
	s3 =	sshll.u32 s2, $0x1  }
0x8: {  	s23 =	simm.s32 $0x2;
	s24 =	simm.s32 $0xE100;
	s3 =	sor.u32 s1, s3  }
0x9: {  	s25 =	simm.s32 $0x0;
	s2 =	simm.s32 $0x0;
	s4 =	smul.u32 $0x820, s3  }
0xa: {  	[smem:$0x7FF] =	sst s2;
	s1 =	ssub.s32 $0x2, s1;
	s7 =	smul.u32 $0xD00, s3  }
0xb: {  	_ =	strace $0x80000047;
	s6 =	sshrl.u32 s1, $0x1;
	s3 =	sadd.s32 $0x27ACA00, s0  }
0xc: {  	s31 =	ssub.s32 s1, s6;
	s4 =	sadd.s32 s4, s0;
	s5 =	sadd.s32 s5, s7  }
0xd: {  	s6 =	smax.u32 s31, $0x1;
	s7 =	simm.s32 $0x3;
	s4 =	sadd.s32 $0x600, s4  }
.LBB2_1:
0xe: {  	[tilespmem:s2], [sflag:$0x3] =	stream.linear.gather [hbm4b:s4+s2], $0x4100, $0x38;
	[tilespmem:$0x14900] =	vst v63  }
0xf: {  	_ =	swait.ge [sflag:s7], $0x4100  }
0x10: {  	[sflag:s7] =	ssyncset.done $0x0  }
0x11: {  	[sflag:s7] =	ssyncadd.s32 $0xFFFFBF00  }
0x12: {  	[tilespmem:s9], [sflag:$0x1] =	stream.indirect.gather [hbm4b:s3+s8], $0x20, s2, s8, $0xb8;
	[tilespmem:$0x14900] =	vst v63  }
0x13: {  	_ = 	snop  }
0x14: {  	[tilespmem:s10], [sflag:$0x1] =	stream.indirect.gather [hbm4b:s3+s8], $0x20, s8, s8, $0xb8;
	[tilespmem:$0x14900] =	vst v63  }
0x15: {  	s0 =	simm.s32 $0x100  }
0x16: {  	[tilespmem:s12], [sflag:$0x1] =	stream.indirect.gather [hbm4b:s3+s8], $0x20, s0, s8, $0xb8;
	[tilespmem:$0x14900] =	vst v63  }
0x17: {  	_ = 	snop  }
0x18: {  	[tilespmem:s14], [sflag:$0x1] =	stream.indirect.gather [hbm4b:s3+s8], $0x20, s13, s8, $0xb8;
	[tilespmem:$0x14900] =	vst v63  }
0x19: {  	s1 =	simm.s32 $0xE130;
	s28 =	simm.s32 $0xE100;
	s29 =	simm.s32 $0x0  }
0x1a: {  	[tilespmem:s16], [sflag:$0x1] =	stream.indirect.gather [hbm4b:s3+s8], $0x20, s15, s8, $0xb8;
	[tilespmem:$0x14900] =	vst v63  }
.LBB2_2:
0x1b: {  	s11 =	sshllo.u32 s29, $0x1  }
0x1c: {  	s0 =	smul.u32 $0xA00, s11;
	_ =	sdelay $0x1  }
0x1d: {  	s0 =	sshra.s32 s0, $0x2  }
0x1e: {  	v0 =	vld [tilespmem:s0+$0x0]  }
0x1f: {  	v1 =	vld [tilespmem:s0+$0x10]  }
0x20: {  	v2 =	vld [tilespmem:s0+$0x20]  }
0x21: {  	s26 =	smul.u32 $0x186A0, s11;
	v3 =	vld [tilespmem:s0+$0x30]  }
0x22: {  	v4 =	vld [tilespmem:s0+$0x40]  }
0x23: {  	v5 =	vld [tilespmem:s0+$0x50];
	v0 =	vadd.s32 s26, v0  }
0x24: {  	[tilespmem:s0+$0x0] =	vst v0;
	v0 =	vadd.s32 s26, v1;
	v1 =	vld [tilespmem:s0+$0x60]  }
0x25: {  	[tilespmem:s0+$0x10] =	vst v0;
	v0 =	vadd.s32 s26, v2;
	v2 =	vld [tilespmem:s0+$0x70]  }
0x26: {  	[tilespmem:s0+$0x20] =	vst v0;
	v0 =	vadd.s32 s26, v3;
	v3 =	vld [tilespmem:s0+$0x80]  }
0x27: {  	v45 =	vld [tilespmem:s0+$0x90];
	[tilespmem:s0+$0x30] =	vst v0;
	v0 =	vadd.s32 s26, v4  }
0x28: {  	v46 =	vld [tilespmem:s0+$0xA0];
	[tilespmem:s0+$0x40] =	vst v0;
	v0 =	vadd.s32 s26, v5  }
0x29: {  	[tilespmem:s0+$0x50] =	vst v0;
	v0 =	vadd.s32 s26, v1;
	v1 =	vld [tilespmem:s0+$0xB0]  }
0x2a: {  	[tilespmem:s0+$0x60] =	vst v0;
	v0 =	vadd.s32 s26, v2;
	v2 =	vld [tilespmem:s0+$0xC0]  }
0x2b: {  	[tilespmem:s0+$0x70] =	vst v0;
	v0 =	vadd.s32 s26, v3;
	v3 =	vld [tilespmem:s0+$0xD0]  }
0x2c: {  	v47 =	vld [tilespmem:s0+$0xE0];
	[tilespmem:s0+$0x80] =	vst v0;
	v0 =	vadd.s32 s26, v45  }
0x2d: {  	v48 =	vld [tilespmem:s0+$0xF0];
	[tilespmem:s0+$0x90] =	vst v0;
	v0 =	vadd.s32 s26, v46  }
0x2e: {  	[tilespmem:s0+$0xA0] =	vst v0;
	v0 =	vadd.s32 s26, v1;
	v1 =	vld [tilespmem:s0+$0x100]  }
0x2f: {  	[tilespmem:s0+$0xB0] =	vst v0;
	v0 =	vadd.s32 s26, v2;
	v2 =	vld [tilespmem:s0+$0x110]  }
0x30: {  	[tilespmem:s0+$0xC0] =	vst v0;
	v0 =	vadd.s32 s26, v3;
	v3 =	vld [tilespmem:s0+$0x120]  }
0x31: {  	v49 =	vld [tilespmem:s0+$0x130];
	[tilespmem:s0+$0xD0] =	vst v0;
	v0 =	vadd.s32 s26, v47  }
0x32: {  	v50 =	vld [tilespmem:s0+$0x140];
	[tilespmem:s0+$0xE0] =	vst v0;
	v0 =	vadd.s32 s26, v48  }
0x33: {  	[tilespmem:s0+$0xF0] =	vst v0;
	v0 =	vadd.s32 s26, v1;
	v1 =	vld [tilespmem:s0+$0x150]  }
0x34: {  	[tilespmem:s0+$0x100] =	vst v0;
	v0 =	vadd.s32 s26, v2;
	v2 =	vld [tilespmem:s0+$0x160]  }
0x35: {  	[tilespmem:s0+$0x110] =	vst v0;
	v0 =	vadd.s32 s26, v3;
	v3 =	vld [tilespmem:s0+$0x170]  }
0x36: {  	v51 =	vld [tilespmem:s0+$0x180];
	[tilespmem:s0+$0x120] =	vst v0;
	v0 =	vadd.s32 s26, v49  }
0x37: {  	v52 =	vld [tilespmem:s0+$0x190];
	[tilespmem:s0+$0x130] =	vst v0;
	v0 =	vadd.s32 s26, v50  }
0x38: {  	[tilespmem:s0+$0x140] =	vst v0;
	v0 =	vadd.s32 s26, v1;
	v1 =	vld [tilespmem:s0+$0x1A0]  }
0x39: {  	[tilespmem:s0+$0x150] =	vst v0;
	v0 =	vadd.s32 s26, v2;
	v2 =	vld [tilespmem:s0+$0x1B0]  }
0x3a: {  	[tilespmem:s0+$0x160] =	vst v0;
	v0 =	vadd.s32 s26, v3;
	v3 =	vld [tilespmem:s0+$0x1C0]  }
0x3b: {  	v53 =	vld [tilespmem:s0+$0x1D0];
	[tilespmem:s0+$0x170] =	vst v0;
	v0 =	vadd.s32 s26, v51  }
0x3c: {  	v54 =	vld [tilespmem:s0+$0x1E0];
	[tilespmem:s0+$0x180] =	vst v0;
	v0 =	vadd.s32 s26, v52  }
0x3d: {  	[tilespmem:s0+$0x190] =	vst v0;
	v0 =	vadd.s32 s26, v1;
	v1 =	vld [tilespmem:s0+$0x1F0]  }
0x3e: {  	[tilespmem:s0+$0x1A0] =	vst v0;
	v0 =	vadd.s32 s26, v2;
	v2 =	vld [tilespmem:s0+$0x200]  }
0x3f: {  	[tilespmem:s0+$0x1B0] =	vst v0;
	v0 =	vadd.s32 s26, v3;
	v3 =	vld [tilespmem:s0+$0x210]  }
0x40: {  	v55 =	vld [tilespmem:s0+$0x220];
	[tilespmem:s0+$0x1C0] =	vst v0;
	v0 =	vadd.s32 s26, v53  }
0x41: {  	v56 =	vld [tilespmem:s0+$0x230];
	[tilespmem:s0+$0x1D0] =	vst v0;
	v0 =	vadd.s32 s26, v54  }
0x42: {  	[tilespmem:s0+$0x1E0] =	vst v0;
	v0 =	vadd.s32 s26, v1;
	v1 =	vld [tilespmem:s0+$0x240]  }
0x43: {  	[tilespmem:s0+$0x1F0] =	vst v0;
	v0 =	vadd.s32 s26, v2;
	v2 =	vld [tilespmem:s0+$0x250]  }
0x44: {  	[tilespmem:s0+$0x200] =	vst v0;
	v0 =	vadd.s32 s26, v3;
	v3 =	vld [tilespmem:s0+$0x260]  }
0x45: {  	v57 =	vld [tilespmem:s0+$0x270];
	[tilespmem:s0+$0x210] =	vst v0;
	v0 =	vadd.s32 s26, v55  }
0x46: {  	[tilespmem:s0+$0x220] =	vst v0;
	v0 =	vadd.s32 s26, v56  }
0x47: {  	[tilespmem:s0+$0x230] =	vst v0;
	v0 =	vadd.s32 s26, v1  }
0x48: {  	[tilespmem:s0+$0x240] =	vst v0;
	v0 =	vadd.s32 s26, v2  }
0x49: {  	[tilespmem:s0+$0x250] =	vst v0;
	v0 =	vadd.s32 s26, v3  }
0x4a: {  	[tilespmem:s0+$0x260] =	vst v0;
	v0 =	vadd.s32 s26, v57  }
0x4b: {  	[tilespmem:s0+$0x270] =	vst v0  }
0x4c: {  	[tilespmem:s17], [sflag:$0x2] =	stream.indirect.gather [hbm4b:s3+s8], $0x20, s0, s8, $0xb8;
	[tilespmem:$0x14900] =	vst v63  }
0x4d: {  	s26 =	sadd.s32 $0x80, s0  }
0x4e: {  	[tilespmem:s18], [sflag:$0x2] =	stream.indirect.gather [hbm4b:s3+s8], $0x20, s26, s8, $0xb8;
	[tilespmem:$0x14900] =	vst v63  }
0x4f: {  	s26 =	sadd.s32 $0x100, s0  }
0x50: {  	[tilespmem:s19], [sflag:$0x2] =	stream.indirect.gather [hbm4b:s3+s8], $0x20, s26, s8, $0xb8;
	[tilespmem:$0x14900] =	vst v63  }
0x51: {  	s26 =	sadd.s32 $0x180, s0  }
0x52: {  	[tilespmem:s20], [sflag:$0x2] =	stream.indirect.gather [hbm4b:s3+s8], $0x20, s26, s8, $0xb8;
	[tilespmem:$0x14900] =	vst v63  }
0x53: {  	s0 =	sadd.s32 $0x200, s0  }
0x54: {  	[tilespmem:s21], [sflag:$0x2] =	stream.indirect.gather [hbm4b:s3+s8], $0x20, s0, s8, $0xb8;
	[tilespmem:$0x14900] =	vst v63  }
0x55: {  	_ =	swait.ge [sflag:s22], $0x1000  }
0x56: {  	[sflag:s22] =	ssyncset.done $0x0  }
0x57: {  	[sflag:s22] =	ssyncadd.s32 $0xFFFFF000  }
0x58: {  	_ =	swait.ge [sflag:s22], $0x1000  }
0x59: {  	[sflag:s22] =	ssyncset.done $0x0  }
0x5a: {  	[sflag:s22] =	ssyncadd.s32 $0xFFFFF000  }
0x5b: {  	_ =	swait.ge [sflag:s22], $0x1000  }
0x5c: {  	[sflag:s22] =	ssyncset.done $0x0  }
0x5d: {  	[sflag:s22] =	ssyncadd.s32 $0xFFFFF000  }
0x5e: {  	_ =	swait.ge [sflag:s22], $0x1000  }
0x5f: {  	[sflag:s22] =	ssyncset.done $0x0  }
0x60: {  	[sflag:s22] =	ssyncadd.s32 $0xFFFFF000  }
0x61: {  	_ =	swait.ge [sflag:s22], $0x1000  }
0x62: {  	[sflag:s22] =	ssyncset.done $0x0  }
0x63: {  	s30 =	simm.s32 $0x4240;
	[sflag:s22] =	ssyncadd.s32 $0xFFFFF000  }
0x64: {  	v0 =	vld [tilespmem:s30+$0xFFFFFEC0]  }
0x65: {  	v1 =	vld [tilespmem:s30+$0xFFFFFEE0];
	_ =	sdelay $0x1  }
0x66: {  	v2 =	vld [tilespmem:s30+$0xFFFFFF00];
	_ =	sdelay $0x1  }
0x67: {  	v3 =	vld [tilespmem:s30+$0xFFFFFF20]  }
0x68: {  	v0 =	vadd.f32 v1, v0  }
0x69: {  	v1 =	vld [tilespmem:s30+$0xFFFFFF40]  }
0x6a: {  	v0 =	vadd.f32 v2, v0  }
0x6b: {  	v2 =	vld [tilespmem:s30+$0xFFFFFF60]  }
0x6c: {  	v0 =	vadd.f32 v3, v0  }
0x6d: {  	v3 =	vld [tilespmem:s30+$0xFFFFFF80]  }
0x6e: {  	v0 =	vadd.f32 v1, v0  }
0x6f: {  	v1 =	vld [tilespmem:s30+$0xFFFFFFA0]  }
0x70: {  	v0 =	vadd.f32 v2, v0  }
0x71: {  	v2 =	vld [tilespmem:s30+$0xFFFFFFC0]  }
0x72: {  	v0 =	vadd.f32 v3, v0  }
0x73: {  	v3 =	vld [tilespmem:s30+$0xFFFFFFE0]  }
0x74: {  	v0 =	vadd.f32 v1, v0  }
0x75: {  	v1 =	vld [tilespmem:s30+$0x0]  }
0x76: {  	v0 =	vadd.f32 v2, v0  }
0x77: {  	v2 =	vld [tilespmem:s30+$0x20]  }
0x78: {  	v0 =	vadd.f32 v3, v0  }
0x79: {  	v3 =	vld [tilespmem:s30+$0x40]  }
0x7a: {  	v0 =	vadd.f32 v1, v0  }
0x7b: {  	v1 =	vld [tilespmem:s30+$0x60]  }
0x7c: {  	v0 =	vadd.f32 v2, v0  }
0x7d: {  	v2 =	vld [tilespmem:s30+$0x80]  }
0x7e: {  	v0 =	vadd.f32 v3, v0  }
0x7f: {  	v3 =	vld [tilespmem:s30+$0xA0]  }
0x80: {  	v0 =	vadd.f32 v1, v0  }
0x81: {  	v1 =	vld [tilespmem:s30+$0xC0]  }
0x82: {  	v0 =	vadd.f32 v2, v0  }
0x83: {  	v2 =	vld [tilespmem:s30+$0xE0]  }
0x84: {  	v0 =	vadd.f32 v3, v0  }
0x85: {  	v3 =	vld [tilespmem:s30+$0x100]  }
0x86: {  	v0 =	vadd.f32 v1, v0  }
0x87: {  	v1 =	vld [tilespmem:s30+$0x120]  }
0x88: {  	v2 =	vadd.f32 v2, v0  }
0x89: {  	v0 =	vmov s28  }
0x8a: {  	v2 =	vadd.f32 v3, v2;
	_ =	sdelay $0x1  }
0x8b: {  	v1 =	vadd.f32 v1, v2  }
0x8c: {  	s0 =	simm.s32 $0x10  }
0x8d: {  	[tilespmem:v0+s0+$0xFFFFFFF0 ss:$0x1] =	vst.idx.msk $0xffff, v1  }
0x8e: {  	v1 =	vld [tilespmem:s30+$0xFFFFFED0]  }
0x8f: {  	v2 =	vld [tilespmem:s30+$0xFFFFFEF0];
	_ =	sdelay $0x1  }
0x90: {  	v3 =	vld [tilespmem:s30+$0xFFFFFF10];
	_ =	sdelay $0x1  }
0x91: {  	v58 =	vld [tilespmem:s30+$0xFFFFFF30]  }
0x92: {  	v1 =	vadd.f32 v2, v1  }
0x93: {  	v2 =	vld [tilespmem:s30+$0xFFFFFF50]  }
0x94: {  	v1 =	vadd.f32 v3, v1  }
0x95: {  	v3 =	vld [tilespmem:s30+$0xFFFFFF70]  }
0x96: {  	v1 =	vadd.f32 v58, v1  }
0x97: {  	v59 =	vld [tilespmem:s30+$0xFFFFFF90]  }
0x98: {  	v1 =	vadd.f32 v2, v1  }
0x99: {  	v2 =	vld [tilespmem:s30+$0xFFFFFFB0]  }
0x9a: {  	v1 =	vadd.f32 v3, v1  }
0x9b: {  	v3 =	vld [tilespmem:s30+$0xFFFFFFD0]  }
0x9c: {  	v1 =	vadd.f32 v59, v1  }
0x9d: {  	v60 =	vld [tilespmem:s30+$0xFFFFFFF0]  }
0x9e: {  	v1 =	vadd.f32 v2, v1  }
0x9f: {  	v2 =	vld [tilespmem:s30+$0x10]  }
0xa0: {  	v1 =	vadd.f32 v3, v1  }
0xa1: {  	v3 =	vld [tilespmem:s30+$0x30]  }
0xa2: {  	v1 =	vadd.f32 v60, v1  }
0xa3: {  	v61 =	vld [tilespmem:s30+$0x50]  }
0xa4: {  	v1 =	vadd.f32 v2, v1  }
0xa5: {  	v2 =	vld [tilespmem:s30+$0x70]  }
0xa6: {  	v1 =	vadd.f32 v3, v1  }
0xa7: {  	v3 =	vld [tilespmem:s30+$0x90]  }
0xa8: {  	v1 =	vadd.f32 v61, v1  }
0xa9: {  	v62 =	vld [tilespmem:s30+$0xB0]  }
0xaa: {  	v1 =	vadd.f32 v2, v1  }
0xab: {  	v2 =	vld [tilespmem:s30+$0xD0]  }
0xac: {  	v1 =	vadd.f32 v3, v1  }
0xad: {  	v3 =	vld [tilespmem:s30+$0xF0]  }
0xae: {  	v1 =	vadd.f32 v62, v1  }
0xaf: {  	v63 =	vld [tilespmem:s30+$0x110]  }
0xb0: {  	v1 =	vadd.f32 v2, v1  }
0xb1: {  	v2 =	vld [tilespmem:s30+$0x130]  }
0xb2: {  	v1 =	vadd.f32 v3, v1;
	_ =	sdelay $0x1  }
0xb3: {  	v1 =	vadd.f32 v63, v1;
	_ =	sdelay $0x1  }
0xb4: {  	s31 =	sshll.u32 s29, $0x1;
	s26 =	simm.s32 $0xD40;
	v1 =	vadd.f32 v2, v1  }
.LBB2_3:
0xb5: {  	p0 =	sne.s32 s26, $0x19340  }
0xb6: {  	s30 =	sadd.s32 $0x280, s30;
	s11 =	smov.u32 s26;
	s26 =	sadd.s32 $0xD00, s26  }
0xb7: {  	[tilespmem:v0+s0+$0x0 ss:$0x1] =	vst.idx.msk $0xffff, v1  }
0xb8: {  	v1 =	vld [tilespmem:s30+$0xFFFFFEC0]  }
0xb9: {  	v2 =	vld [tilespmem:s30+$0xFFFFFEE0];
	_ =	sdelay $0x1  }
0xba: {  	v3 =	vld [tilespmem:s30+$0xFFFFFF00];
	_ =	sdelay $0x1  }
0xbb: {  	v4 =	vld [tilespmem:s30+$0xFFFFFF20]  }
0xbc: {  	v1 =	vadd.f32 v2, v1  }
0xbd: {  	v2 =	vld [tilespmem:s30+$0xFFFFFF40]  }
0xbe: {  	v1 =	vadd.f32 v3, v1  }
0xbf: {  	v3 =	vld [tilespmem:s30+$0xFFFFFF60]  }
0xc0: {  	v1 =	vadd.f32 v4, v1  }
0xc1: {  	v4 =	vld [tilespmem:s30+$0xFFFFFF80]  }
0xc2: {  	v1 =	vadd.f32 v2, v1  }
0xc3: {  	v2 =	vld [tilespmem:s30+$0xFFFFFFA0]  }
0xc4: {  	v1 =	vadd.f32 v3, v1  }
0xc5: {  	v3 =	vld [tilespmem:s30+$0xFFFFFFC0]  }
0xc6: {  	v1 =	vadd.f32 v4, v1  }
0xc7: {  	v4 =	vld [tilespmem:s30+$0xFFFFFFE0]  }
0xc8: {  	v1 =	vadd.f32 v2, v1  }
0xc9: {  	v2 =	vld [tilespmem:s30+$0x0]  }
0xca: {  	v1 =	vadd.f32 v3, v1  }
0xcb: {  	v3 =	vld [tilespmem:s30+$0x20]  }
0xcc: {  	v1 =	vadd.f32 v4, v1  }
0xcd: {  	v4 =	vld [tilespmem:s30+$0x40]  }
0xce: {  	v1 =	vadd.f32 v2, v1  }
0xcf: {  	v2 =	vld [tilespmem:s30+$0x60]  }
0xd0: {  	v1 =	vadd.f32 v3, v1  }
0xd1: {  	v3 =	vld [tilespmem:s30+$0x80]  }
0xd2: {  	v1 =	vadd.f32 v4, v1  }
0xd3: {  	v4 =	vld [tilespmem:s30+$0xA0]  }
0xd4: {  	v1 =	vadd.f32 v2, v1  }
0xd5: {  	v2 =	vld [tilespmem:s30+$0xC0]  }
0xd6: {  	v1 =	vadd.f32 v3, v1  }
0xd7: {  	v3 =	vld [tilespmem:s30+$0xE0]  }
0xd8: {  	v1 =	vadd.f32 v4, v1  }
0xd9: {  	v4 =	vld [tilespmem:s30+$0x100]  }
0xda: {  	v1 =	vadd.f32 v2, v1  }
0xdb: {  	v2 =	vld [tilespmem:s30+$0x120]  }
0xdc: {  	v1 =	vadd.f32 v3, v1;
	_ =	sdelay $0x1  }
0xdd: {  	v1 =	vadd.f32 v4, v1;
	_ =	sdelay $0x1  }
0xde: {  	v1 =	vadd.f32 v2, v1  }
0xdf: {  	s0 =	sshra.s32 s11, $0x2  }
0xe0: {  	[tilespmem:v0+s0+$0xFFFFFFF0 ss:$0x1] =	vst.idx.msk $0xffff, v1  }
0xe1: {  	v1 =	vld [tilespmem:s30+$0xFFFFFED0]  }
0xe2: {  	v2 =	vld [tilespmem:s30+$0xFFFFFEF0]  }
0xe3: {  	v3 =	vld [tilespmem:s30+$0xFFFFFF10];
	_ =	sdelay $0x1  }
0xe4: {  	v4 =	vld [tilespmem:s30+$0xFFFFFF30];
	_ =	sdelay $0x1  }
0xe5: {  	v1 =	vadd.f32 v2, v1;
	v2 =	vld [tilespmem:s30+$0xFFFFFF50];
	_ =	sdelay $0x1  }
0xe6: {  	v1 =	vadd.f32 v3, v1;
	v3 =	vld [tilespmem:s30+$0xFFFFFF70];
	_ =	sdelay $0x1  }
0xe7: {  	v1 =	vadd.f32 v4, v1;
	v4 =	vld [tilespmem:s30+$0xFFFFFF90];
	_ =	sdelay $0x1  }
0xe8: {  	v1 =	vadd.f32 v2, v1;
	v2 =	vld [tilespmem:s30+$0xFFFFFFB0];
	_ =	sdelay $0x1  }
0xe9: {  	v1 =	vadd.f32 v3, v1;
	v3 =	vld [tilespmem:s30+$0xFFFFFFD0];
	_ =	sdelay $0x1  }
0xea: {  	v1 =	vadd.f32 v4, v1;
	v4 =	vld [tilespmem:s30+$0xFFFFFFF0];
	_ =	sdelay $0x1  }
0xeb: {  	v1 =	vadd.f32 v2, v1;
	v2 =	vld [tilespmem:s30+$0x10];
	_ =	sdelay $0x1  }
0xec: {  	v1 =	vadd.f32 v3, v1;
	v3 =	vld [tilespmem:s30+$0x30];
	_ =	sdelay $0x1  }
0xed: {  	v1 =	vadd.f32 v4, v1;
	v4 =	vld [tilespmem:s30+$0x50];
	_ =	sdelay $0x1  }
0xee: {  	v1 =	vadd.f32 v2, v1;
	v2 =	vld [tilespmem:s30+$0x70];
	_ =	sdelay $0x1  }
0xef: {  	v1 =	vadd.f32 v3, v1;
	v3 =	vld [tilespmem:s30+$0x90];
	_ =	sdelay $0x1  }
0xf0: {  	v1 =	vadd.f32 v4, v1;
	v4 =	vld [tilespmem:s30+$0xB0];
	_ =	sdelay $0x1  }
0xf1: {  	v1 =	vadd.f32 v2, v1;
	v2 =	vld [tilespmem:s30+$0xD0];
	_ =	sdelay $0x1  }
0xf2: {  	v1 =	vadd.f32 v3, v1;
	v3 =	vld [tilespmem:s30+$0xF0];
	_ =	sdelay $0x1  }
0xf3: {  	v1 =	vadd.f32 v4, v1;
	v4 =	vld [tilespmem:s30+$0x110];
	_ =	sdelay $0x1  }
0xf4: {  	v1 =	vadd.f32 v2, v1;
	v2 =	vld [tilespmem:s30+$0x130];
	_ =	sdelay $0x1  }
.Ltmp0:
0xf5: {  	v1 =	vadd.f32 v3, v1;
	(pc) =	sbr.rel @p0 .LBB2_3-.Ltmp0, $3  }
0xf6: {  	_ = 	snop  }
0xf7: {  	v1 =	vadd.f32 v4, v1;
	_ =	sdelay $0x1  }
0xf8: {  	v1 =	vadd.f32 v2, v1  }
0xf9: {  	p0 =	seq.s32 s29, $0xC  }
.Ltmp1:
0xfa: {  	_ = 	snop;
	(pc) =	sbr.rel @p0 .LBB2_6-.Ltmp1, $2  }
0xfb: {  	_ =	sdelay $0x2  }
0xfc: {  	[tilespmem:v0+s0+$0x0 ss:$0x1] =	vst.idx.msk $0xffff, v1  }
0xfd: {  	s11 =	sadd.s32 $0x2, s31  }
0xfe: {  	s0 =	smul.u32 $0xA00, s11;
	_ =	sdelay $0x1  }
0xff: {  	s0 =	sshra.s32 s0, $0x2  }
0x100: {  	v0 =	vld [tilespmem:s0+$0x0]  }
0x101: {  	v1 =	vld [tilespmem:s0+$0x10]  }
0x102: {  	v2 =	vld [tilespmem:s0+$0x20]  }
0x103: {  	s26 =	smul.u32 $0x186A0, s11;
	v3 =	vld [tilespmem:s0+$0x30]  }
0x104: {  	v4 =	vld [tilespmem:s0+$0x40]  }
0x105: {  	v5 =	vld [tilespmem:s0+$0x50];
	v0 =	vadd.s32 s26, v0  }
0x106: {  	v48 =	vld [tilespmem:s0+$0x60];
	v47 =	vadd.s32 s26, v1;
	[tilespmem:s0+$0x0] =	vst v0  }
0x107: {  	v50 =	vld [tilespmem:s0+$0x70];
	v49 =	vadd.s32 s26, v2;
	[tilespmem:s0+$0x10] =	vst v47  }
0x108: {  	v52 =	vld [tilespmem:s0+$0x80];
	v51 =	vadd.s32 s26, v3;
	[tilespmem:s0+$0x20] =	vst v49  }
0x109: {  	v54 =	vld [tilespmem:s0+$0x90];
	v53 =	vadd.s32 s26, v4;
	[tilespmem:s0+$0x30] =	vst v51  }
0x10a: {  	v56 =	vld [tilespmem:s0+$0xA0];
	v55 =	vadd.s32 s26, v5;
	[tilespmem:s0+$0x40] =	vst v53  }
0x10b: {  	v58 =	vld [tilespmem:s0+$0xB0];
	v57 =	vadd.s32 s26, v48;
	[tilespmem:s0+$0x50] =	vst v55  }
0x10c: {  	v60 =	vld [tilespmem:s0+$0xC0];
	v59 =	vadd.s32 s26, v50;
	[tilespmem:s0+$0x60] =	vst v57  }
0x10d: {  	v62 =	vld [tilespmem:s0+$0xD0];
	v61 =	vadd.s32 s26, v52;
	[tilespmem:s0+$0x70] =	vst v59  }
0x10e: {  	v8 =	vld [tilespmem:s0+$0xE0];
	v63 =	vadd.s32 s26, v54;
	[tilespmem:s0+$0x80] =	vst v61  }
0x10f: {  	v10 =	vld [tilespmem:s0+$0xF0];
	v9 =	vadd.s32 s26, v56;
	[tilespmem:s0+$0x90] =	vst v63  }
0x110: {  	v12 =	vld [tilespmem:s0+$0x100];
	v11 =	vadd.s32 s26, v58;
	[tilespmem:s0+$0xA0] =	vst v9  }
0x111: {  	v14 =	vld [tilespmem:s0+$0x110];
	v13 =	vadd.s32 s26, v60;
	[tilespmem:s0+$0xB0] =	vst v11  }
0x112: {  	v16 =	vld [tilespmem:s0+$0x120];
	v15 =	vadd.s32 s26, v62;
	[tilespmem:s0+$0xC0] =	vst v13  }
0x113: {  	v18 =	vld [tilespmem:s0+$0x130];
	v17 =	vadd.s32 s26, v8;
	[tilespmem:s0+$0xD0] =	vst v15  }
0x114: {  	v20 =	vld [tilespmem:s0+$0x140];
	v19 =	vadd.s32 s26, v10;
	[tilespmem:s0+$0xE0] =	vst v17  }
0x115: {  	v22 =	vld [tilespmem:s0+$0x150];
	v21 =	vadd.s32 s26, v12;
	[tilespmem:s0+$0xF0] =	vst v19  }
0x116: {  	v24 =	vld [tilespmem:s0+$0x160];
	v23 =	vadd.s32 s26, v14;
	[tilespmem:s0+$0x100] =	vst v21  }
0x117: {  	v26 =	vld [tilespmem:s0+$0x170];
	v25 =	vadd.s32 s26, v16;
	[tilespmem:s0+$0x110] =	vst v23  }
0x118: {  	v28 =	vld [tilespmem:s0+$0x180];
	v27 =	vadd.s32 s26, v18;
	[tilespmem:s0+$0x120] =	vst v25  }
0x119: {  	v30 =	vld [tilespmem:s0+$0x190];
	v29 =	vadd.s32 s26, v20;
	[tilespmem:s0+$0x130] =	vst v27  }
0x11a: {  	v32 =	vld [tilespmem:s0+$0x1A0];
	v31 =	vadd.s32 s26, v22;
	[tilespmem:s0+$0x140] =	vst v29  }
0x11b: {  	v34 =	vld [tilespmem:s0+$0x1B0];
	v33 =	vadd.s32 s26, v24;
	[tilespmem:s0+$0x150] =	vst v31  }
0x11c: {  	v36 =	vld [tilespmem:s0+$0x1C0];
	v35 =	vadd.s32 s26, v26;
	[tilespmem:s0+$0x160] =	vst v33  }
0x11d: {  	v38 =	vld [tilespmem:s0+$0x1D0];
	v37 =	vadd.s32 s26, v28;
	[tilespmem:s0+$0x170] =	vst v35  }
0x11e: {  	v40 =	vld [tilespmem:s0+$0x1E0];
	v39 =	vadd.s32 s26, v30;
	[tilespmem:s0+$0x180] =	vst v37  }
0x11f: {  	v42 =	vld [tilespmem:s0+$0x1F0];
	v41 =	vadd.s32 s26, v32;
	[tilespmem:s0+$0x190] =	vst v39  }
0x120: {  	v44 =	vld [tilespmem:s0+$0x200];
	v43 =	vadd.s32 s26, v34;
	[tilespmem:s0+$0x1A0] =	vst v41  }
0x121: {  	v46 =	vld [tilespmem:s0+$0x210];
	v45 =	vadd.s32 s26, v36;
	[tilespmem:s0+$0x1B0] =	vst v43  }
0x122: {  	v48 =	vld [tilespmem:s0+$0x220];
	[tilespmem:s0+$0x1C0] =	vst v45;
	v47 =	vadd.s32 s26, v38  }
0x123: {  	v50 =	vld [tilespmem:s0+$0x230];
	v49 =	vadd.s32 s26, v40;
	[tilespmem:s0+$0x1D0] =	vst v47  }
0x124: {  	v52 =	vld [tilespmem:s0+$0x240];
	v51 =	vadd.s32 s26, v42;
	[tilespmem:s0+$0x1E0] =	vst v49  }
0x125: {  	v54 =	vld [tilespmem:s0+$0x250];
	v53 =	vadd.s32 s26, v44;
	[tilespmem:s0+$0x1F0] =	vst v51  }
0x126: {  	v56 =	vld [tilespmem:s0+$0x260];
	v55 =	vadd.s32 s26, v46;
	[tilespmem:s0+$0x200] =	vst v53  }
0x127: {  	v58 =	vld [tilespmem:s0+$0x270];
	[tilespmem:s0+$0x210] =	vst v55;
	v57 =	vadd.s32 s26, v48  }
0x128: {  	v59 =	vadd.s32 s26, v50;
	[tilespmem:s0+$0x220] =	vst v57  }
0x129: {  	v60 =	vadd.s32 s26, v52;
	[tilespmem:s0+$0x230] =	vst v59  }
0x12a: {  	v61 =	vadd.s32 s26, v54;
	[tilespmem:s0+$0x240] =	vst v60  }
0x12b: {  	v62 =	vadd.s32 s26, v56;
	[tilespmem:s0+$0x250] =	vst v61  }
0x12c: {  	v63 =	vadd.s32 s26, v58;
	[tilespmem:s0+$0x260] =	vst v62  }
0x12d: {  	[tilespmem:s0+$0x270] =	vst v63  }
0x12e: {  	[tilespmem:s9], [sflag:$0x1] =	stream.indirect.gather [hbm4b:s3+s8], $0x20, s0, s8, $0xb8;
	[tilespmem:$0x14900] =	vst v63  }
0x12f: {  	s26 =	sadd.s32 $0x80, s0  }
0x130: {  	[tilespmem:s10], [sflag:$0x1] =	stream.indirect.gather [hbm4b:s3+s8], $0x20, s26, s8, $0xb8;
	[tilespmem:$0x14900] =	vst v63  }
0x131: {  	s30 =	sadd.s32 $0x100, s0  }
0x132: {  	[tilespmem:s12], [sflag:$0x1] =	stream.indirect.gather [hbm4b:s3+s8], $0x20, s30, s8, $0xb8;
	[tilespmem:$0x14900] =	vst v63  }
0x133: {  	s31 =	sadd.s32 $0x180, s0  }
0x134: {  	[tilespmem:s14], [sflag:$0x1] =	stream.indirect.gather [hbm4b:s3+s8], $0x20, s31, s8, $0xb8;
	[tilespmem:$0x14900] =	vst v63  }
0x135: {  	s0 =	sadd.s32 $0x200, s0  }
0x136: {  	[tilespmem:s16], [sflag:$0x1] =	stream.indirect.gather [hbm4b:s3+s8], $0x20, s0, s8, $0xb8;
	[tilespmem:$0x14900] =	vst v63  }
.LBB2_6:
0x137: {  	_ =	swait.ge [sflag:s23], $0x1000  }
0x138: {  	[sflag:s23] =	ssyncset.done $0x0  }
0x139: {  	[sflag:s23] =	ssyncadd.s32 $0xFFFFF000  }
0x13a: {  	_ =	swait.ge [sflag:s23], $0x1000  }
0x13b: {  	[sflag:s23] =	ssyncset.done $0x0  }
0x13c: {  	[sflag:s23] =	ssyncadd.s32 $0xFFFFF000  }
0x13d: {  	_ =	swait.ge [sflag:s23], $0x1000  }
0x13e: {  	[sflag:s23] =	ssyncset.done $0x0  }
0x13f: {  	[sflag:s23] =	ssyncadd.s32 $0xFFFFF000  }
0x140: {  	_ =	swait.ge [sflag:s23], $0x1000  }
0x141: {  	[sflag:s23] =	ssyncset.done $0x0  }
0x142: {  	[sflag:s23] =	ssyncadd.s32 $0xFFFFF000  }
0x143: {  	_ =	swait.ge [sflag:s23], $0x1000  }
0x144: {  	[sflag:s23] =	ssyncset.done $0x0  }
0x145: {  	s0 =	simm.s32 $0x0;
	[sflag:s23] =	ssyncadd.s32 $0xFFFFF000  }
0x146: {  	v0 =	vld [tilespmem:s0+$0x9100]  }
0x147: {  	v1 =	vld [tilespmem:s0+$0x9120];
	_ =	sdelay $0x1  }
0x148: {  	v2 =	vld [tilespmem:s0+$0x9140];
	_ =	sdelay $0x1  }
0x149: {  	v3 =	vld [tilespmem:s0+$0x9160]  }
0x14a: {  	v0 =	vadd.f32 v1, v0  }
0x14b: {  	v1 =	vld [tilespmem:s0+$0x9180]  }
0x14c: {  	v0 =	vadd.f32 v2, v0  }
0x14d: {  	v2 =	vld [tilespmem:s0+$0x91A0]  }
0x14e: {  	v0 =	vadd.f32 v3, v0  }
0x14f: {  	v3 =	vld [tilespmem:s0+$0x91C0]  }
0x150: {  	v0 =	vadd.f32 v1, v0  }
0x151: {  	v1 =	vld [tilespmem:s0+$0x91E0]  }
0x152: {  	v0 =	vadd.f32 v2, v0  }
0x153: {  	v2 =	vld [tilespmem:s0+$0x9200]  }
0x154: {  	v0 =	vadd.f32 v3, v0  }
0x155: {  	v3 =	vld [tilespmem:s0+$0x9220]  }
0x156: {  	v0 =	vadd.f32 v1, v0  }
0x157: {  	v1 =	vld [tilespmem:s0+$0x9240]  }
0x158: {  	v0 =	vadd.f32 v2, v0  }
0x159: {  	v2 =	vld [tilespmem:s0+$0x9260]  }
0x15a: {  	v0 =	vadd.f32 v3, v0  }
0x15b: {  	v3 =	vld [tilespmem:s0+$0x9280]  }
0x15c: {  	v0 =	vadd.f32 v1, v0  }
0x15d: {  	v1 =	vld [tilespmem:s0+$0x92A0]  }
0x15e: {  	v0 =	vadd.f32 v2, v0  }
0x15f: {  	v2 =	vld [tilespmem:s0+$0x92C0]  }
0x160: {  	v0 =	vadd.f32 v3, v0  }
0x161: {  	v3 =	vld [tilespmem:s0+$0x92E0]  }
0x162: {  	v0 =	vadd.f32 v1, v0  }
0x163: {  	v1 =	vld [tilespmem:s0+$0x9300]  }
0x164: {  	v0 =	vadd.f32 v2, v0  }
0x165: {  	v2 =	vld [tilespmem:s0+$0x9320]  }
0x166: {  	v0 =	vadd.f32 v3, v0  }
0x167: {  	v3 =	vld [tilespmem:s0+$0x9340]  }
0x168: {  	v0 =	vadd.f32 v1, v0  }
0x169: {  	v1 =	vld [tilespmem:s0+$0x9360]  }
0x16a: {  	v0 =	vadd.f32 v2, v0;
	_ =	sdelay $0x1  }
0x16b: {  	v0 =	vadd.f32 v3, v0;
	_ =	sdelay $0x1  }
0x16c: {  	v0 =	vadd.f32 v1, v0;
	_ =	sdelay $0x1  }
0x16d: {  	[tilespmem:s1+$0xFFFFFFF0] =	vst v0  }
0x16e: {  	v0 =	vld [tilespmem:s0+$0x9110]  }
0x16f: {  	v1 =	vld [tilespmem:s0+$0x9130];
	_ =	sdelay $0x1  }
0x170: {  	v2 =	vld [tilespmem:s0+$0x9150];
	_ =	sdelay $0x1  }
0x171: {  	v3 =	vld [tilespmem:s0+$0x9170]  }
0x172: {  	v0 =	vadd.f32 v1, v0  }
0x173: {  	v1 =	vld [tilespmem:s0+$0x9190]  }
0x174: {  	v0 =	vadd.f32 v2, v0  }
0x175: {  	v2 =	vld [tilespmem:s0+$0x91B0]  }
0x176: {  	v0 =	vadd.f32 v3, v0  }
0x177: {  	v3 =	vld [tilespmem:s0+$0x91D0]  }
0x178: {  	v0 =	vadd.f32 v1, v0  }
0x179: {  	v1 =	vld [tilespmem:s0+$0x91F0]  }
0x17a: {  	v0 =	vadd.f32 v2, v0  }
0x17b: {  	v2 =	vld [tilespmem:s0+$0x9210]  }
0x17c: {  	v0 =	vadd.f32 v3, v0  }
0x17d: {  	v3 =	vld [tilespmem:s0+$0x9230]  }
0x17e: {  	v0 =	vadd.f32 v1, v0  }
0x17f: {  	v1 =	vld [tilespmem:s0+$0x9250]  }
0x180: {  	v0 =	vadd.f32 v2, v0  }
0x181: {  	v2 =	vld [tilespmem:s0+$0x9270]  }
0x182: {  	v0 =	vadd.f32 v3, v0  }
0x183: {  	v3 =	vld [tilespmem:s0+$0x9290]  }
0x184: {  	v0 =	vadd.f32 v1, v0  }
0x185: {  	v1 =	vld [tilespmem:s0+$0x92B0]  }
0x186: {  	v0 =	vadd.f32 v2, v0  }
0x187: {  	v2 =	vld [tilespmem:s0+$0x92D0]  }
0x188: {  	v0 =	vadd.f32 v3, v0  }
0x189: {  	v3 =	vld [tilespmem:s0+$0x92F0]  }
0x18a: {  	v0 =	vadd.f32 v1, v0  }
0x18b: {  	v1 =	vld [tilespmem:s0+$0x9310]  }
0x18c: {  	v0 =	vadd.f32 v2, v0  }
0x18d: {  	v2 =	vld [tilespmem:s0+$0x9330]  }
0x18e: {  	v0 =	vadd.f32 v3, v0  }
0x18f: {  	v3 =	vld [tilespmem:s0+$0x9350]  }
0x190: {  	v0 =	vadd.f32 v1, v0;
	_ =	sdelay $0x1  }
0x191: {  	v1 =	vadd.f32 v2, v0;
	v0 =	vld [tilespmem:s0+$0x9370];
	_ =	sdelay $0x1  }
0x192: {  	s30 =	simm.s32 $0xA00;
	s26 =	smov.u32 s1;
	s31 =	smov.u32 s1;
	v1 =	vadd.f32 v3, v1  }
.LBB2_7:
0x193: {  	p0 =	sne.s32 s30, $0x13600  }
0x194: {  	s26 =	sadd.s32 $0x340, s26;
	s0 =	smov.u32 s30;
	s30 =	sadd.s32 $0xA00, s30  }
0x195: {  	v0 =	vadd.f32 v0, v1  }
0x196: {  	s0 =	sshra.s32 s0, $0x2  }
0x197: {  	[tilespmem:s31+$0x0] =	vst v0;
	s31 =	smov.u32 s26  }
0x198: {  	v0 =	vld [tilespmem:s0+$0x9100]  }
0x199: {  	v1 =	vld [tilespmem:s0+$0x9120];
	_ =	sdelay $0x1  }
0x19a: {  	v2 =	vld [tilespmem:s0+$0x9140];
	_ =	sdelay $0x1  }
0x19b: {  	v3 =	vld [tilespmem:s0+$0x9160]  }
0x19c: {  	v0 =	vadd.f32 v1, v0  }
0x19d: {  	v1 =	vld [tilespmem:s0+$0x9180]  }
0x19e: {  	v0 =	vadd.f32 v2, v0  }
0x19f: {  	v2 =	vld [tilespmem:s0+$0x91A0]  }
0x1a0: {  	v0 =	vadd.f32 v3, v0  }
0x1a1: {  	v3 =	vld [tilespmem:s0+$0x91C0]  }
0x1a2: {  	v0 =	vadd.f32 v1, v0  }
0x1a3: {  	v1 =	vld [tilespmem:s0+$0x91E0]  }
0x1a4: {  	v0 =	vadd.f32 v2, v0  }
0x1a5: {  	v2 =	vld [tilespmem:s0+$0x9200]  }
0x1a6: {  	v0 =	vadd.f32 v3, v0  }
0x1a7: {  	v3 =	vld [tilespmem:s0+$0x9220]  }
0x1a8: {  	v0 =	vadd.f32 v1, v0  }
0x1a9: {  	v1 =	vld [tilespmem:s0+$0x9240]  }
0x1aa: {  	v0 =	vadd.f32 v2, v0  }
0x1ab: {  	v2 =	vld [tilespmem:s0+$0x9260]  }
0x1ac: {  	v0 =	vadd.f32 v3, v0  }
0x1ad: {  	v3 =	vld [tilespmem:s0+$0x9280]  }
0x1ae: {  	v0 =	vadd.f32 v1, v0  }
0x1af: {  	v1 =	vld [tilespmem:s0+$0x92A0]  }
0x1b0: {  	v0 =	vadd.f32 v2, v0  }
0x1b1: {  	v2 =	vld [tilespmem:s0+$0x92C0]  }
0x1b2: {  	v0 =	vadd.f32 v3, v0  }
0x1b3: {  	v3 =	vld [tilespmem:s0+$0x92E0]  }
0x1b4: {  	v0 =	vadd.f32 v1, v0  }
0x1b5: {  	v1 =	vld [tilespmem:s0+$0x9300]  }
0x1b6: {  	v0 =	vadd.f32 v2, v0  }
0x1b7: {  	v2 =	vld [tilespmem:s0+$0x9320]  }
0x1b8: {  	v0 =	vadd.f32 v3, v0  }
0x1b9: {  	v3 =	vld [tilespmem:s0+$0x9340]  }
0x1ba: {  	v0 =	vadd.f32 v1, v0  }
0x1bb: {  	v1 =	vld [tilespmem:s0+$0x9360]  }
0x1bc: {  	v0 =	vadd.f32 v2, v0;
	_ =	sdelay $0x1  }
0x1bd: {  	v0 =	vadd.f32 v3, v0;
	_ =	sdelay $0x1  }
0x1be: {  	v0 =	vadd.f32 v1, v0;
	_ =	sdelay $0x1  }
0x1bf: {  	[tilespmem:s26+$0xFFFFFFF0] =	vst v0  }
0x1c0: {  	v0 =	vld [tilespmem:s0+$0x9110]  }
0x1c1: {  	v1 =	vld [tilespmem:s0+$0x9130];
	_ =	sdelay $0x1  }
0x1c2: {  	v2 =	vld [tilespmem:s0+$0x9150]  }
0x1c3: {  	v3 =	vld [tilespmem:s0+$0x9170];
	_ =	sdelay $0x1  }
0x1c4: {  	v0 =	vadd.f32 v1, v0;
	v1 =	vld [tilespmem:s0+$0x9190];
	_ =	sdelay $0x1  }
0x1c5: {  	v0 =	vadd.f32 v2, v0;
	v2 =	vld [tilespmem:s0+$0x91B0];
	_ =	sdelay $0x1  }
0x1c6: {  	v0 =	vadd.f32 v3, v0;
	v3 =	vld [tilespmem:s0+$0x91D0];
	_ =	sdelay $0x1  }
0x1c7: {  	v0 =	vadd.f32 v1, v0;
	v1 =	vld [tilespmem:s0+$0x91F0];
	_ =	sdelay $0x1  }
0x1c8: {  	v0 =	vadd.f32 v2, v0;
	v2 =	vld [tilespmem:s0+$0x9210];
	_ =	sdelay $0x1  }
0x1c9: {  	v0 =	vadd.f32 v3, v0;
	v3 =	vld [tilespmem:s0+$0x9230];
	_ =	sdelay $0x1  }
0x1ca: {  	v0 =	vadd.f32 v1, v0;
	v1 =	vld [tilespmem:s0+$0x9250];
	_ =	sdelay $0x1  }
0x1cb: {  	v0 =	vadd.f32 v2, v0;
	v2 =	vld [tilespmem:s0+$0x9270];
	_ =	sdelay $0x1  }
0x1cc: {  	v0 =	vadd.f32 v3, v0;
	v3 =	vld [tilespmem:s0+$0x9290];
	_ =	sdelay $0x1  }
0x1cd: {  	v0 =	vadd.f32 v1, v0;
	v1 =	vld [tilespmem:s0+$0x92B0];
	_ =	sdelay $0x1  }
0x1ce: {  	v0 =	vadd.f32 v2, v0;
	v2 =	vld [tilespmem:s0+$0x92D0];
	_ =	sdelay $0x1  }
0x1cf: {  	v0 =	vadd.f32 v3, v0;
	v3 =	vld [tilespmem:s0+$0x92F0];
	_ =	sdelay $0x1  }
0x1d0: {  	v0 =	vadd.f32 v1, v0;
	v1 =	vld [tilespmem:s0+$0x9310];
	_ =	sdelay $0x1  }
0x1d1: {  	v0 =	vadd.f32 v2, v0;
	v2 =	vld [tilespmem:s0+$0x9330];
	_ =	sdelay $0x1  }
0x1d2: {  	v0 =	vadd.f32 v3, v0;
	v3 =	vld [tilespmem:s0+$0x9350];
	_ =	sdelay $0x1  }
.Ltmp2:
0x1d3: {  	v1 =	vadd.f32 v1, v0;
	v0 =	vld [tilespmem:s0+$0x9370];
	(pc) =	sbr.rel @p0 .LBB2_7-.Ltmp2, $3  }
0x1d4: {  	_ = 	snop  }
0x1d5: {  	v1 =	vadd.f32 v2, v1;
	_ =	sdelay $0x1  }
0x1d6: {  	v1 =	vadd.f32 v3, v1  }
0x1d7: {  	s29 =	sadd.s32 $0x1, s29  }
0x1d8: {  	p0 =	sne.s32 s29, $0xD  }
.Ltmp3:
0x1d9: {  	_ = 	snop;
	(pc) =	sbr.rel @p0 .LBB2_2-.Ltmp3, $3  }
0x1da: {  	_ = 	snop  }
0x1db: {  	v0 =	vadd.f32 v0, v1;
	_ =	sdelay $0x1  }
0x1dc: {  	s28 =	sadd.s32 $0x40, s28;
	s1 =	sadd.s32 $0x40, s1;
	[tilespmem:s31+$0x0] =	vst v0  }
0x1dd: {  	s25 =	sadd.s32 $0x1, s25  }
0x1de: {  	p0 =	sne.s32 s25, s6  }
.Ltmp4:
0x1df: {  	_ = 	snop;
	(pc) =	sbr.rel @p0 .LBB2_1-.Ltmp4, $4  }
0x1e0: {  	[hbm4b:s5+s2] =	stream.linear.scatter [tilespmem:s24], [sflag:$0x3], $0x6800, $0x38;
	[tilespmem:$0x14900] =	vst v63  }
0x1e1: {  	_ =	swait.ge [sflag:s7], $0x6800  }
0x1e2: {  	[sflag:s7] =	ssyncset.done $0x0  }
0x1e3: {  	[sflag:s7] =	ssyncadd.s32 $0xFFFF9800  }
0x1e4: {  	_ =	sfence.sel $0x180000  }
0x1e5: {  	[bflag:$0x0] =	sbarrier.arrive $0xFFFF  }
0x1e6: {  	_ =	strace $0x90000047  }
0x1e7: {  	s0 =	stileid.u32;
	[bflag:$0x2] =	sbarrier.arrive $0xFFFF  }
0x1e8: {  	p0 =	sne.s32 s0, $0x0;
	s0 =	rddreg [dreg:$0x2]  }
0x1e9: {  	s0 =	sadd.s32 @!p0 $0x100000, s0  }
0x1ea: {  	[sflag:s0] =	ssyncadd.tile.s32 @!p0 $0x1;
	_ =	shalt  }
.Lfunc_end2:
_tile_overlayer_lowered:
.L_overlay_start_2:
0x1eb: {  	(tag) =	ssettag $0x2  }
0x1ec: {  	s0 =	rddreg [dreg:$0x0];
	s2 =	stileid.u32  }
0x1ed: {  	s1 =	rddreg [dreg:$0x1];
	p0 =	sne.s32 s2, $0x0  }
0x1ee: {  	s3 =	rddreg [dreg:$0x2];
	[bflag:$0x3] =	sbarrier.arrive $0xFFFF;
	s2 =	simm.s32 @!p0 $0x1C03  }
0x1ef: {  	[timem:s3], [sflag:s2] =	dma.local @!p0 [hbm:s0], s1  }
0x1f0: {  	s0 =	simm.s32 @!p0 $0x3  }
0x1f1: {  	_ =	swait.ge @!p0 [sflag:s0], s1  }
0x1f2: {  	s1 =	ssub.s32 @!p0 $0x0, s1;
	[sflag:s0] =	ssyncset.done @!p0 $0x0  }
0x1f3: {  	[sflag:s0] =	ssyncadd.s32 @!p0 s1  }
0x1f4: {  	[bflag:$0x3] =	sbarrier.arrive $0xFFFF  }
0x1f5: {  	_ =	shalt  }

</sc_bundles>
